<compile_context>
chip_gen: v7x
topology: tpu7x:2x2x1
jax: 0.10.2.dev20260603
libtpu: 0.0.44.dev20260713+nightly
codegen_flags: <defaults>
</compile_context>

<pallas_src>
import functools

import jax
import jax.numpy as jnp
from jax import lax
from jax.experimental import pallas as pl
from jax.experimental.pallas import tpu as pltpu
from jax.experimental.pallas import tpu_sc as plsc

BEAM = 32
VOCAB = 1_000_000
L = 2000
NCHUNK = VOCAB // L
CSTRIDE = 512
BLK = 50_000
NDMA = VOCAB // BLK
NPAIR = NDMA // 2
CHUNKS_PER_DMA = BLK // L
BLOCKS_PER_CHUNK = L // 16
NEG = -3.0e38
BIGI = 2**30


def _rev(x):
    return lax.rev(x, dimensions=(0,))


def _cge(a, ai, b, bi):
    return (a > b) | ((a == b) & (ai <= bi))


def _merge32(state, bv, bi):
    T1, T2, I1, I2 = state
    bs, bis = plsc.sort_key_val(bv, bi, descending=True)
    br, bir = _rev(bs), _rev(bis)
    keep = _cge(T2, I2, br, bir)
    hi = jnp.where(keep, T2, br)
    hii = jnp.where(keep, I2, bir)
    his, hiis = plsc.sort_key_val(hi, hii, descending=True)
    hir, hiir = _rev(his), _rev(hiis)
    k2 = _cge(T1, I1, hir, hiir)
    av = jnp.where(k2, T1, hir)
    ai = jnp.where(k2, I1, hiir)
    bv2 = jnp.where(k2, hir, T1)
    bi2 = jnp.where(k2, hiir, I1)
    T1, I1 = plsc.sort_key_val(av, ai, descending=True)
    T2, I2 = plsc.sort_key_val(bv2, bi2, descending=True)
    return (T1, T2, I1, I2)


def _init32():
    return (jnp.full((16,), NEG, jnp.float32),
            jnp.full((16,), NEG, jnp.float32),
            jnp.full((16,), BIGI, jnp.int32),
            jnp.full((16,), BIGI, jnp.int32))


def _sc_body(h_hbm, p_hbm, cv_out, cg_out,
             buf0, buf1, hv, chunkbuf, surv_v, surv_i,
             stage_f, stage_i, sem0, sem1):
    core = lax.axis_index("c")
    sub = lax.axis_index("s")
    row = core * 16 + sub
    iota = lax.iota(jnp.int32, 16)

    pltpu.sync_copy(h_hbm, hv)
    h16 = hv[pl.ds(core * 16, 16)]
    hrow = jnp.max(jnp.where(iota == sub, h16, NEG))

    pltpu.async_copy(p_hbm.at[pl.ds(row * VOCAB, BLK)], buf0, sem0)

    def _process(bufref, d, carry):
        def chunk_body(q, carry):
            st, cmvec = carry

            def blk_body(b, accs):
                base2 = q * L + b * 80
                return tuple(
                    jnp.maximum(a, bufref[pl.ds(base2 + 16 * j, 16)])
                    for j, a in enumerate(accs))
            accs = lax.fori_loop(
                0, BLOCKS_PER_CHUNK // 5, blk_body,
                tuple(jnp.full((16,), NEG, jnp.float32) for _ in range(5)),
                unroll=5)
            acc = jnp.maximum(jnp.maximum(jnp.maximum(accs[0], accs[1]),
                                          jnp.maximum(accs[2], accs[3])),
                              accs[4])
            cid = d * CHUNKS_PER_DMA + q
            cmvec = jnp.where(iota == cid % 16, jnp.max(acc), cmvec)

            def do_merge(args):
                st, cmvec = args
                ci = row * CSTRIDE + (cid - 15) + iota
                st = _merge32(st, cmvec + hrow, ci)
                return (st, jnp.full((16,), NEG, jnp.float32))
            return lax.cond(cid % 16 == 15, do_merge, lambda a: a,
                            (st, cmvec))
        return lax.fori_loop(0, CHUNKS_PER_DMA, chunk_body, carry)

    def pair_body(pr, carry):
        d0 = 2 * pr
        pltpu.make_async_copy(p_hbm.at[pl.ds(row * VOCAB + d0 * BLK, BLK)],
                              buf0, sem0).wait()
        pltpu.async_copy(p_hbm.at[pl.ds(row * VOCAB + (d0 + 1) * BLK, BLK)],
                         buf1, sem1)
        carry = _process(buf0, d0, carry)
        pltpu.make_async_copy(
            p_hbm.at[pl.ds(row * VOCAB + (d0 + 1) * BLK, BLK)],
            buf1, sem1).wait()

        @pl.when(pr + 1 < NPAIR)
        def _():
            pltpu.async_copy(
                p_hbm.at[pl.ds(row * VOCAB + (d0 + 2) * BLK, BLK)],
                buf0, sem0)
        return _process(buf1, d0 + 1, carry)

    st, cmvec = lax.fori_loop(
        0, NPAIR, pair_body,
        (_init32(), jnp.full((16,), NEG, jnp.float32)))

    pltpu.sync_copy(p_hbm.at[pl.ds(row * VOCAB + VOCAB - L, L)], chunkbuf)

    def bf_body(b, acc):
        v = chunkbuf[pl.ds(b * 16, 16)]
        v = jnp.where(b * 16 + iota == (L - 1), NEG, v)
        return jnp.maximum(acc, v)
    accb = lax.fori_loop(0, BLOCKS_PER_CHUNK, bf_body,
                         jnp.full((16,), NEG, jnp.float32), unroll=25)
    cmvec = jnp.where(iota == 3, jnp.max(accb), cmvec)

    ntail = NCHUNK % 16
    ci = row * CSTRIDE + (NCHUNK - ntail) + iota
    st = _merge32(st,
                  jnp.where(iota < ntail, cmvec + hrow, NEG),
                  jnp.where(iota < ntail, ci, BIGI))

    t32 = st[1][15]
    WI1, WI2 = st[2], st[3]

    def handle(widx, st3):
        cid = jnp.maximum(
            jnp.max(jnp.where(iota == widx, WI1, -1)),
            jnp.max(jnp.where(iota == widx - 16, WI2, -1)))
        c = cid % CSTRIDE
        base = c * L
        pltpu.sync_copy(p_hbm.at[pl.ds(row * VOCAB + base, L)], chunkbuf)

        def cp_body(b, cnt):
            v = chunkbuf[pl.ds(b * 16, 16)]
            col = base + b * 16 + iota
            vb = jnp.where(col == VOCAB - 1, NEG, v + hrow)
            kp = vb >= t32
            keyg = jnp.where(kp, row * VOCAB + col, BIGI)
            sg, sv = plsc.sort_key_val(keyg, vb, descending=False)
            surv_i[pl.ds(cnt, 16)] = sg
            surv_v[pl.ds(cnt, 16)] = sv
            pc = jnp.sum(jnp.where(kp, 1, 0).astype(jnp.int32))
            return jnp.minimum(cnt + pc, L)
        cnt = lax.fori_loop(0, BLOCKS_PER_CHUNK, cp_body, jnp.int32(0))

        nfull = cnt // 16
        rem = cnt % 16

        def m_body(b, st3):
            return _merge32(st3, surv_v[pl.ds(b * 16, 16)],
                            surv_i[pl.ds(b * 16, 16)])
        st3 = lax.fori_loop(0, nfull, m_body, st3)
        tv = surv_v[pl.ds(nfull * 16, 16)]
        ti = surv_i[pl.ds(nfull * 16, 16)]
        tm = iota < rem
        return _merge32(st3, jnp.where(tm, tv, NEG),
                        jnp.where(tm, ti, BIGI))

    st3 = lax.fori_loop(0, 32, handle, _init32())

    stage_f[pl.ds(0, 16)] = st3[0]
    stage_f[pl.ds(16, 16)] = st3[1]
    stage_i[pl.ds(0, 16)] = st3[2]
    stage_i[pl.ds(16, 16)] = st3[3]
    pltpu.sync_copy(stage_f, cv_out.at[pl.ds(row * 32, 32)])
    pltpu.sync_copy(stage_i, cg_out.at[pl.ds(row * 32, 32)])


_sc_topk = functools.partial(
    pl.kernel,
    out_type=[jax.ShapeDtypeStruct((1024,), jnp.float32),
              jax.ShapeDtypeStruct((1024,), jnp.int32)],
    mesh=plsc.VectorSubcoreMesh(core_axis_name="c", subcore_axis_name="s"),
    compiler_params=pltpu.CompilerParams(needs_layout_passes=False),
    scratch_types=[
        pltpu.VMEM((BLK,), jnp.float32),
        pltpu.VMEM((BLK,), jnp.float32),
        pltpu.VMEM((BEAM,), jnp.float32),
        pltpu.VMEM((L,), jnp.float32),
        pltpu.VMEM((L + 16,), jnp.float32),
        pltpu.VMEM((L + 16,), jnp.int32),
        pltpu.VMEM((32,), jnp.float32),
        pltpu.VMEM((32,), jnp.int32),
        pltpu.SemaphoreType.DMA,
        pltpu.SemaphoreType.DMA,
    ],
)(_sc_body)


def _tc_merge_body(cv_ref, cg_ref, s_ref, h_ref, t_ref):
    v = cv_ref[...]
    g = cg_ref[...]
    colj = lax.broadcasted_iota(jnp.int32, (1, 32), 1)
    sv = jnp.zeros((1, 32), jnp.float32)
    sg = jnp.zeros((1, 32), jnp.int32)
    for j in range(32):
        m = jnp.max(v)
        sel = v == m
        gm = jnp.min(jnp.where(sel, g, BIGI))
        sv = jnp.where(colj == j, m, sv)
        sg = jnp.where(colj == j, gm, sg)
        v = jnp.where(g == gm, NEG, v)
    s_ref[...] = sv
    h_ref[...] = sg // VOCAB
    t_ref[...] = sg % VOCAB


_tc_merge = pl.pallas_call(
    _tc_merge_body,
    out_shape=[jax.ShapeDtypeStruct((1, 32), jnp.float32),
               jax.ShapeDtypeStruct((1, 32), jnp.int32),
               jax.ShapeDtypeStruct((1, 32), jnp.int32)],
)


def kernel(hypo_scores, next_token_probs, beam_width):
    del beam_width
    cand_v, cand_g = _sc_topk(hypo_scores, next_token_probs.reshape(-1))
    s, hy, tok = _tc_merge(cand_v.reshape(8, 128), cand_g.reshape(8, 128))
    return s.reshape(BEAM), hy.reshape(BEAM), tok.reshape(BEAM)

# --- scband reference (transcript-rebuilt; emitter-appended) ---
"""Pipeline reference for scband-rnntbeam-search-62113817034937 (READ-ONLY COPY).

The authoritative reference and input builder live on the scoring server;
editing this copy changes nothing except your own understanding.
"""

import jax, jax.numpy as jnp
import numpy as np


def setup_inputs(seed: int = 0) -> dict:
    key = jax.random.key(seed)
    k1, k2 = jax.random.split(key)
    beam = 32
    vocab = 1000000
    hypo_scores = jax.random.normal(k1, (beam,), dtype=jnp.float32)
    # log-prob-like scores over the vocab for each live hypothesis
    next_token_probs = jax.nn.log_softmax(
        jax.random.normal(k2, (beam, vocab), dtype=jnp.float32), axis=-1
    )
    return {
        "hypo_scores": hypo_scores,
        "next_token_probs": next_token_probs,
        "beam_width": 32,
    }


def reference(hypo_scores, next_token_probs, beam_width):
    # Faithful port of RNNTBeamSearch._compute_updated_scores:
    # combine hypothesis scores with next-token log-probs (excluding the
    # blank token, which is the last vocab entry), flatten, and take the
    # global top-k over (beam * (vocab-1)) candidates.
    nonblank_scores = hypo_scores[:, None] + next_token_probs[:, :-1]
    n_cols = nonblank_scores.shape[1]
    flat = nonblank_scores.reshape(-1)
    k_static = hypo_scores.shape[0]
    nonblank_nbest_scores, nonblank_nbest_idx = jax.lax.top_k(flat, k_static)
    nonblank_nbest_scores = nonblank_nbest_scores + (beam_width - beam_width)
    nonblank_nbest_hypo_idx = nonblank_nbest_idx // n_cols
    nonblank_nbest_token = nonblank_nbest_idx % n_cols
    return (nonblank_nbest_scores, nonblank_nbest_hypo_idx, nonblank_nbest_token)

if __name__ == "__main__":
    import jax
    _d = setup_inputs()
    print(jax.jit(kernel)(*tuple(_d.values())))

</pallas_src>

<mosaic_0001>
#map = affine_map<(d0, d1) -> (0)>
module attributes {stable_mosaic.version = 14 : i64} {
  func.func @_sc_body(%arg0: i32, %arg1: i32, %arg2: memref<32xf32, #tpu.memory_space<hbm>>, %arg3: memref<32000000xf32, #tpu.memory_space<hbm>>, %arg4: memref<1024xf32, #tpu.memory_space<hbm>>, %arg5: memref<1024xi32, #tpu.memory_space<hbm>>, %arg6: memref<50000xf32, #tpu.memory_space<vmem>>, %arg7: memref<50000xf32, #tpu.memory_space<vmem>>, %arg8: memref<32xf32, #tpu.memory_space<vmem>>, %arg9: memref<2000xf32, #tpu.memory_space<vmem>>, %arg10: memref<2016xf32, #tpu.memory_space<vmem>>, %arg11: memref<2016xi32, #tpu.memory_space<vmem>>, %arg12: memref<32xf32, #tpu.memory_space<vmem>>, %arg13: memref<32xi32, #tpu.memory_space<vmem>>, %arg14: memref<!tpu.dma_semaphore, #tpu.memory_space<semaphore_mem>>, %arg15: memref<!tpu.dma_semaphore, #tpu.memory_space<semaphore_mem>>) attributes {dimension_semantics = [#tpu.dimension_semantics<core_parallel>, #tpu.dimension_semantics<subcore_parallel>], iteration_bounds = array<i64: 2, 16>, scalar_prefetch = 0 : i64, scratch_operands = 10 : i64, tpu.core_type = #tpu.core_type<sc_vector_subcore>, window_params = [{transform_indices = #map}, {transform_indices = #map}, {transform_indices = #map}, {transform_indices = #map}]} {
    %mul3A = arith.constant 16 : i32
    %mul3A_0 = arith.muli %arg0, %mul3A : i32
    %add3A = arith.addi %mul3A_0, %arg1 : i32
    %iota3A = tpu.iota {dimensions = array<i32: 0>} : vector<16xi32>
    "tpu.region"() ({
      %run_scoped3A = tpu.sem_alloc : memref<!tpu.dma_semaphore, #tpu.memory_space<semaphore_mem>>
      tpu.enqueue_dma source(%arg2 : memref<32xf32, #tpu.memory_space<hbm>>) target(%arg8 : memref<32xf32, #tpu.memory_space<vmem>>) target_semaphore(%run_scoped3A : memref<!tpu.dma_semaphore, #tpu.memory_space<semaphore_mem>>)
      tpu.wait_dma2 semaphore(%run_scoped3A : memref<!tpu.dma_semaphore, #tpu.memory_space<semaphore_mem>>) src(%arg2 : memref<32xf32, #tpu.memory_space<hbm>>) dst(%arg8 : memref<32xf32, #tpu.memory_space<vmem>>)
      tpu.yield
    }) : () -> ()
    %mul3A_1 = arith.constant 16 : i32
    %mul3A_2 = arith.muli %arg0, %mul3A_1 : i32
    %get3A = arith.index_cast %mul3A_2 : i32 to index
    %get3A_3 = tpu.vector_load %arg8[%get3A] {strides = array<i32>} : memref<32xf32, #tpu.memory_space<vmem>>, vector<16xf32>,
    %eq3A = vector.broadcast %arg1 : i32 to vector<16xi32>
    %eq3A_4 = arith.cmpi eq, %iota3A, %eq3A : vector<16xi32>
    %jit3A = arith.constant -3.000000e+38 : f32
    %broadcast_in_dim3A = vector.broadcast %jit3A : f32 to vector<16xf32>
    %select_n3A = arith.select %eq3A_4, %get3A_3, %broadcast_in_dim3A : vector<16xi1>, vector<16xf32>
    %reduce_max3A = arith.constant true
    %reduce_max3A_5 = vector.broadcast %reduce_max3A : i1 to vector<16xi1>
    %reduce_max3A_6 = tpu.scan <max>, %select_n3A masked %reduce_max3A_5 : vector<16xf32>, vector<16xi1> -> vector<16xf32>
    %reduce_max3A_7 = vector.extract %reduce_max3A_6[15] : f32 from vector<16xf32>
    %mul3A_8 = arith.constant 1000000 : i32
    %mul3A_9 = arith.muli %add3A, %mul3A_8 : i32
    %dma_start3A = tpu.memref_slice %arg3[%mul3A_9] : memref<32000000xf32, #tpu.memory_space<hbm>> -> memref<50000xf32, #tpu.memory_space<hbm>>
    %dma_start3A_10 = tpu.memref_slice %arg3[%mul3A_9] : memref<32000000xf32, #tpu.memory_space<hbm>> -> memref<50000xf32, #tpu.memory_space<hbm>>
    tpu.enqueue_dma source(%dma_start3A_10 : memref<50000xf32, #tpu.memory_space<hbm>>) target(%arg6 : memref<50000xf32, #tpu.memory_space<vmem>>) target_semaphore(%arg14 : memref<!tpu.dma_semaphore, #tpu.memory_space<semaphore_mem>>)
    %broadcast_in_dim3A_11 = arith.constant -3.000000e+38 : f32
    %broadcast_in_dim3A_12 = vector.broadcast %broadcast_in_dim3A_11 : f32 to vector<16xf32>
    %broadcast_in_dim3A_13 = arith.constant -3.000000e+38 : f32
    %broadcast_in_dim3A_14 = vector.broadcast %broadcast_in_dim3A_13 : f32 to vector<16xf32>
    %broadcast_in_dim3A_15 = arith.constant 1073741824 : i32
    %broadcast_in_dim3A_16 = vector.broadcast %broadcast_in_dim3A_15 : i32 to vector<16xi32>
    %broadcast_in_dim3A_17 = arith.constant 1073741824 : i32
    %broadcast_in_dim3A_18 = vector.broadcast %broadcast_in_dim3A_17 : i32 to vector<16xi32>
    %broadcast_in_dim3A_19 = arith.constant -3.000000e+38 : f32
    %broadcast_in_dim3A_20 = vector.broadcast %broadcast_in_dim3A_19 : f32 to vector<16xf32>
    %scan3A = arith.constant 0 : i32
    %scan3A_21 = arith.constant 10 : i32
    %scan3A_22 = arith.addi %scan3A, %scan3A_21 : i32
    %scan3A_23 = arith.constant 1 : i32
    %scan3A_24:5 = scf.for %scan3A_138 = %scan3A to %scan3A_22 step %scan3A_23 iter_args(%scan3A_139 = %broadcast_in_dim3A_12, %scan3A_140 = %broadcast_in_dim3A_14, %scan3A_141 = %broadcast_in_dim3A_16, %scan3A_142 = %broadcast_in_dim3A_18, %scan3A_143 = %broadcast_in_dim3A_20) -> (vector<16xf32>, vector<16xf32>, vector<16xi32>, vector<16xi32>, vector<16xf32>)  : i32 {
      %mul3A_144 = arith.constant 2 : i32
      %mul3A_145 = arith.muli %mul3A_144, %scan3A_138 : i32
      %mul3A_146 = arith.constant 1000000 : i32
      %mul3A_147 = arith.muli %add3A, %mul3A_146 : i32
      %mul3A_148 = arith.constant 50000 : i32
      %mul3A_149 = arith.muli %mul3A_145, %mul3A_148 : i32
      %add3A_150 = arith.addi %mul3A_147, %mul3A_149 : i32
      %dma_wait3A = tpu.memref_slice %arg3[%add3A_150] : memref<32000000xf32, #tpu.memory_space<hbm>> -> memref<50000xf32, #tpu.memory_space<hbm>>
      %dma_wait3A_151 = tpu.memref_slice %arg3[%add3A_150] : memref<32000000xf32, #tpu.memory_space<hbm>> -> memref<50000xf32, #tpu.memory_space<hbm>>
      tpu.wait_dma2 semaphore(%arg14 : memref<!tpu.dma_semaphore, #tpu.memory_space<semaphore_mem>>) src(%dma_wait3A_151 : memref<50000xf32, #tpu.memory_space<hbm>>) dst(%arg6 : memref<50000xf32, #tpu.memory_space<vmem>>)
      %mul3A_152 = arith.constant 1000000 : i32
      %mul3A_153 = arith.muli %add3A, %mul3A_152 : i32
      %add3A_154 = arith.constant 1 : i32
      %add3A_155 = arith.addi %mul3A_145, %add3A_154 : i32
      %mul3A_156 = arith.constant 50000 : i32
      %mul3A_157 = arith.muli %add3A_155, %mul3A_156 : i32
      %add3A_158 = arith.addi %mul3A_153, %mul3A_157 : i32
      %dma_start3A_159 = tpu.memref_slice %arg3[%add3A_158] : memref<32000000xf32, #tpu.memory_space<hbm>> -> memref<50000xf32, #tpu.memory_space<hbm>>
      %dma_start3A_160 = tpu.memref_slice %arg3[%add3A_158] : memref<32000000xf32, #tpu.memory_space<hbm>> -> memref<50000xf32, #tpu.memory_space<hbm>>
      tpu.enqueue_dma source(%dma_start3A_160 : memref<50000xf32, #tpu.memory_space<hbm>>) target(%arg7 : memref<50000xf32, #tpu.memory_space<vmem>>) target_semaphore(%arg15 : memref<!tpu.dma_semaphore, #tpu.memory_space<semaphore_mem>>)
      %scan3A_161 = arith.constant 0 : i32
      %scan3A_162 = arith.constant 25 : i32
      %scan3A_163 = arith.addi %scan3A_161, %scan3A_162 : i32
      %scan3A_164 = arith.constant 1 : i32
      %scan3A_165:5 = scf.for %scan3A_189 = %scan3A_161 to %scan3A_163 step %scan3A_164 iter_args(%scan3A_190 = %scan3A_139, %scan3A_191 = %scan3A_140, %scan3A_192 = %scan3A_141, %scan3A_193 = %scan3A_142, %scan3A_194 = %scan3A_143) -> (vector<16xf32>, vector<16xf32>, vector<16xi32>, vector<16xi32>, vector<16xf32>)  : i32 {
        %broadcast_in_dim3A_195 = arith.constant -3.000000e+38 : f32
        %broadcast_in_dim3A_196 = vector.broadcast %broadcast_in_dim3A_195 : f32 to vector<16xf32>
        %broadcast_in_dim3A_197 = arith.constant -3.000000e+38 : f32
        %broadcast_in_dim3A_198 = vector.broadcast %broadcast_in_dim3A_197 : f32 to vector<16xf32>
        %broadcast_in_dim3A_199 = arith.constant -3.000000e+38 : f32
        %broadcast_in_dim3A_200 = vector.broadcast %broadcast_in_dim3A_199 : f32 to vector<16xf32>
        %broadcast_in_dim3A_201 = arith.constant -3.000000e+38 : f32
        %broadcast_in_dim3A_202 = vector.broadcast %broadcast_in_dim3A_201 : f32 to vector<16xf32>
        %broadcast_in_dim3A_203 = arith.constant -3.000000e+38 : f32
        %broadcast_in_dim3A_204 = vector.broadcast %broadcast_in_dim3A_203 : f32 to vector<16xf32>
        %scan3A_205 = arith.constant 0 : i32
        %scan3A_206 = arith.constant 25 : i32
        %scan3A_207 = arith.addi %scan3A_205, %scan3A_206 : i32
        %scan3A_208 = arith.constant 5 : i32
        %scan3A_209:5 = scf.for %scan3A_261 = %scan3A_205 to %scan3A_207 step %scan3A_208 iter_args(%scan3A_262 = %broadcast_in_dim3A_196, %scan3A_263 = %broadcast_in_dim3A_198, %scan3A_264 = %broadcast_in_dim3A_200, %scan3A_265 = %broadcast_in_dim3A_202, %scan3A_266 = %broadcast_in_dim3A_204) -> (vector<16xf32>, vector<16xf32>, vector<16xf32>, vector<16xf32>, vector<16xf32>)  : i32 {
          %mul3A_267 = arith.constant 2000 : i32
          %mul3A_268 = arith.muli %scan3A_189, %mul3A_267 : i32
          %mul3A_269 = arith.constant 80 : i32
          %mul3A_270 = arith.muli %scan3A_261, %mul3A_269 : i32
          %add3A_271 = arith.addi %mul3A_268, %mul3A_270 : i32
          %add3A_272 = arith.constant 0 : i32
          %add3A_273 = arith.addi %add3A_271, %add3A_272 : i32
          %get3A_274 = arith.index_cast %add3A_273 : i32 to index
          %get3A_275 = tpu.vector_load %arg6[%get3A_274] {strides = array<i32>} : memref<50000xf32, #tpu.memory_space<vmem>>, vector<16xf32>,
          %max3A_276 = arith.maximumf %scan3A_262, %get3A_275 : vector<16xf32>
          %add3A_277 = arith.constant 16 : i32
          %add3A_278 = arith.addi %add3A_271, %add3A_277 : i32
          %get3A_279 = arith.index_cast %add3A_278 : i32 to index
          %get3A_280 = tpu.vector_load %arg6[%get3A_279] {strides = array<i32>} : memref<50000xf32, #tpu.memory_space<vmem>>, vector<16xf32>,
          %max3A_281 = arith.maximumf %scan3A_263, %get3A_280 : vector<16xf32>
          %add3A_282 = arith.constant 32 : i32
          %add3A_283 = arith.addi %add3A_271, %add3A_282 : i32
          %get3A_284 = arith.index_cast %add3A_283 : i32 to index
          %get3A_285 = tpu.vector_load %arg6[%get3A_284] {strides = array<i32>} : memref<50000xf32, #tpu.memory_space<vmem>>, vector<16xf32>,
          %max3A_286 = arith.maximumf %scan3A_264, %get3A_285 : vector<16xf32>
          %add3A_287 = arith.constant 48 : i32
          %add3A_288 = arith.addi %add3A_271, %add3A_287 : i32
          %get3A_289 = arith.index_cast %add3A_288 : i32 to index
          %get3A_290 = tpu.vector_load %arg6[%get3A_289] {strides = array<i32>} : memref<50000xf32, #tpu.memory_space<vmem>>, vector<16xf32>,
          %max3A_291 = arith.maximumf %scan3A_265, %get3A_290 : vector<16xf32>
          %add3A_292 = arith.constant 64 : i32
          %add3A_293 = arith.addi %add3A_271, %add3A_292 : i32
          %get3A_294 = arith.index_cast %add3A_293 : i32 to index
          %get3A_295 = tpu.vector_load %arg6[%get3A_294] {strides = array<i32>} : memref<50000xf32, #tpu.memory_space<vmem>>, vector<16xf32>,
          %max3A_296 = arith.maximumf %scan3A_266, %get3A_295 : vector<16xf32>
          %scan3A_297 = arith.constant 1 : i32
          %scan3A_298 = arith.addi %scan3A_261, %scan3A_297 : i32
          %mul3A_299 = arith.constant 2000 : i32
          %mul3A_300 = arith.muli %scan3A_189, %mul3A_299 : i32
          %mul3A_301 = arith.constant 80 : i32
          %mul3A_302 = arith.muli %scan3A_298, %mul3A_301 : i32
          %add3A_303 = arith.addi %mul3A_300, %mul3A_302 : i32
          %add3A_304 = arith.constant 0 : i32
          %add3A_305 = arith.addi %add3A_303, %add3A_304 : i32
          %get3A_306 = arith.index_cast %add3A_305 : i32 to index
          %get3A_307 = tpu.vector_load %arg6[%get3A_306] {strides = array<i32>} : memref<50000xf32, #tpu.memory_space<vmem>>, vector<16xf32>,
          %max3A_308 = arith.maximumf %max3A_276, %get3A_307 : vector<16xf32>
          %add3A_309 = arith.constant 16 : i32
          %add3A_310 = arith.addi %add3A_303, %add3A_309 : i32
          %get3A_311 = arith.index_cast %add3A_310 : i32 to index
          %get3A_312 = tpu.vector_load %arg6[%get3A_311] {strides = array<i32>} : memref<50000xf32, #tpu.memory_space<vmem>>, vector<16xf32>,
          %max3A_313 = arith.maximumf %max3A_281, %get3A_312 : vector<16xf32>
          %add3A_314 = arith.constant 32 : i32
          %add3A_315 = arith.addi %add3A_303, %add3A_314 : i32
          %get3A_316 = arith.index_cast %add3A_315 : i32 to index
          %get3A_317 = tpu.vector_load %arg6[%get3A_316] {strides = array<i32>} : memref<50000xf32, #tpu.memory_space<vmem>>, vector<16xf32>,
          %max3A_318 = arith.maximumf %max3A_286, %get3A_317 : vector<16xf32>
          %add3A_319 = arith.constant 48 : i32
          %add3A_320 = arith.addi %add3A_303, %add3A_319 : i32
          %get3A_321 = arith.index_cast %add3A_320 : i32 to index
          %get3A_322 = tpu.vector_load %arg6[%get3A_321] {strides = array<i32>} : memref<50000xf32, #tpu.memory_space<vmem>>, vector<16xf32>,
          %max3A_323 = arith.maximumf %max3A_291, %get3A_322 : vector<16xf32>
          %add3A_324 = arith.constant 64 : i32
          %add3A_325 = arith.addi %add3A_303, %add3A_324 : i32
          %get3A_326 = arith.index_cast %add3A_325 : i32 to index
          %get3A_327 = tpu.vector_load %arg6[%get3A_326] {strides = array<i32>} : memref<50000xf32, #tpu.memory_space<vmem>>, vector<16xf32>,
          %max3A_328 = arith.maximumf %max3A_296, %get3A_327 : vector<16xf32>
          %scan3A_329 = arith.constant 2 : i32
          %scan3A_330 = arith.addi %scan3A_261, %scan3A_329 : i32
          %mul3A_331 = arith.constant 2000 : i32
          %mul3A_332 = arith.muli %scan3A_189, %mul3A_331 : i32
          %mul3A_333 = arith.constant 80 : i32
          %mul3A_334 = arith.muli %scan3A_330, %mul3A_333 : i32
          %add3A_335 = arith.addi %mul3A_332, %mul3A_334 : i32
          %add3A_336 = arith.constant 0 : i32
          %add3A_337 = arith.addi %add3A_335, %add3A_336 : i32
          %get3A_338 = arith.index_cast %add3A_337 : i32 to index
          %get3A_339 = tpu.vector_load %arg6[%get3A_338] {strides = array<i32>} : memref<50000xf32, #tpu.memory_space<vmem>>, vector<16xf32>,
          %max3A_340 = arith.maximumf %max3A_308, %get3A_339 : vector<16xf32>
          %add3A_341 = arith.constant 16 : i32
          %add3A_342 = arith.addi %add3A_335, %add3A_341 : i32
          %get3A_343 = arith.index_cast %add3A_342 : i32 to index
          %get3A_344 = tpu.vector_load %arg6[%get3A_343] {strides = array<i32>} : memref<50000xf32, #tpu.memory_space<vmem>>, vector<16xf32>,
          %max3A_345 = arith.maximumf %max3A_313, %get3A_344 : vector<16xf32>
          %add3A_346 = arith.constant 32 : i32
          %add3A_347 = arith.addi %add3A_335, %add3A_346 : i32
          %get3A_348 = arith.index_cast %add3A_347 : i32 to index
          %get3A_349 = tpu.vector_load %arg6[%get3A_348] {strides = array<i32>} : memref<50000xf32, #tpu.memory_space<vmem>>, vector<16xf32>,
          %max3A_350 = arith.maximumf %max3A_318, %get3A_349 : vector<16xf32>
          %add3A_351 = arith.constant 48 : i32
          %add3A_352 = arith.addi %add3A_335, %add3A_351 : i32
          %get3A_353 = arith.index_cast %add3A_352 : i32 to index
          %get3A_354 = tpu.vector_load %arg6[%get3A_353] {strides = array<i32>} : memref<50000xf32, #tpu.memory_space<vmem>>, vector<16xf32>,
          %max3A_355 = arith.maximumf %max3A_323, %get3A_354 : vector<16xf32>
          %add3A_356 = arith.constant 64 : i32
          %add3A_357 = arith.addi %add3A_335, %add3A_356 : i32
          %get3A_358 = arith.index_cast %add3A_357 : i32 to index
          %get3A_359 = tpu.vector_load %arg6[%get3A_358] {strides = array<i32>} : memref<50000xf32, #tpu.memory_space<vmem>>, vector<16xf32>,
          %max3A_360 = arith.maximumf %max3A_328, %get3A_359 : vector<16xf32>
          %scan3A_361 = arith.constant 3 : i32
          %scan3A_362 = arith.addi %scan3A_261, %scan3A_361 : i32
          %mul3A_363 = arith.constant 2000 : i32
          %mul3A_364 = arith.muli %scan3A_189, %mul3A_363 : i32
          %mul3A_365 = arith.constant 80 : i32
          %mul3A_366 = arith.muli %scan3A_362, %mul3A_365 : i32
          %add3A_367 = arith.addi %mul3A_364, %mul3A_366 : i32
          %add3A_368 = arith.constant 0 : i32
          %add3A_369 = arith.addi %add3A_367, %add3A_368 : i32
          %get3A_370 = arith.index_cast %add3A_369 : i32 to index
          %get3A_371 = tpu.vector_load %arg6[%get3A_370] {strides = array<i32>} : memref<50000xf32, #tpu.memory_space<vmem>>, vector<16xf32>,
          %max3A_372 = arith.maximumf %max3A_340, %get3A_371 : vector<16xf32>
          %add3A_373 = arith.constant 16 : i32
          %add3A_374 = arith.addi %add3A_367, %add3A_373 : i32
          %get3A_375 = arith.index_cast %add3A_374 : i32 to index
          %get3A_376 = tpu.vector_load %arg6[%get3A_375] {strides = array<i32>} : memref<50000xf32, #tpu.memory_space<vmem>>, vector<16xf32>,
          %max3A_377 = arith.maximumf %max3A_345, %get3A_376 : vector<16xf32>
          %add3A_378 = arith.constant 32 : i32
          %add3A_379 = arith.addi %add3A_367, %add3A_378 : i32
          %get3A_380 = arith.index_cast %add3A_379 : i32 to index
          %get3A_381 = tpu.vector_load %arg6[%get3A_380] {strides = array<i32>} : memref<50000xf32, #tpu.memory_space<vmem>>, vector<16xf32>,
          %max3A_382 = arith.maximumf %max3A_350, %get3A_381 : vector<16xf32>
          %add3A_383 = arith.constant 48 : i32
          %add3A_384 = arith.addi %add3A_367, %add3A_383 : i32
          %get3A_385 = arith.index_cast %add3A_384 : i32 to index
          %get3A_386 = tpu.vector_load %arg6[%get3A_385] {strides = array<i32>} : memref<50000xf32, #tpu.memory_space<vmem>>, vector<16xf32>,
          %max3A_387 = arith.maximumf %max3A_355, %get3A_386 : vector<16xf32>
          %add3A_388 = arith.constant 64 : i32
          %add3A_389 = arith.addi %add3A_367, %add3A_388 : i32
          %get3A_390 = arith.index_cast %add3A_389 : i32 to index
          %get3A_391 = tpu.vector_load %arg6[%get3A_390] {strides = array<i32>} : memref<50000xf32, #tpu.memory_space<vmem>>, vector<16xf32>,
          %max3A_392 = arith.maximumf %max3A_360, %get3A_391 : vector<16xf32>
          %scan3A_393 = arith.constant 4 : i32
          %scan3A_394 = arith.addi %scan3A_261, %scan3A_393 : i32
          %mul3A_395 = arith.constant 2000 : i32
          %mul3A_396 = arith.muli %scan3A_189, %mul3A_395 : i32
          %mul3A_397 = arith.constant 80 : i32
          %mul3A_398 = arith.muli %scan3A_394, %mul3A_397 : i32
          %add3A_399 = arith.addi %mul3A_396, %mul3A_398 : i32
          %add3A_400 = arith.constant 0 : i32
          %add3A_401 = arith.addi %add3A_399, %add3A_400 : i32
          %get3A_402 = arith.index_cast %add3A_401 : i32 to index
          %get3A_403 = tpu.vector_load %arg6[%get3A_402] {strides = array<i32>} : memref<50000xf32, #tpu.memory_space<vmem>>, vector<16xf32>,
          %max3A_404 = arith.maximumf %max3A_372, %get3A_403 : vector<16xf32>
          %add3A_405 = arith.constant 16 : i32
          %add3A_406 = arith.addi %add3A_399, %add3A_405 : i32
          %get3A_407 = arith.index_cast %add3A_406 : i32 to index
          %get3A_408 = tpu.vector_load %arg6[%get3A_407] {strides = array<i32>} : memref<50000xf32, #tpu.memory_space<vmem>>, vector<16xf32>,
          %max3A_409 = arith.maximumf %max3A_377, %get3A_408 : vector<16xf32>
          %add3A_410 = arith.constant 32 : i32
          %add3A_411 = arith.addi %add3A_399, %add3A_410 : i32
          %get3A_412 = arith.index_cast %add3A_411 : i32 to index
          %get3A_413 = tpu.vector_load %arg6[%get3A_412] {strides = array<i32>} : memref<50000xf32, #tpu.memory_space<vmem>>, vector<16xf32>,
          %max3A_414 = arith.maximumf %max3A_382, %get3A_413 : vector<16xf32>
          %add3A_415 = arith.constant 48 : i32
          %add3A_416 = arith.addi %add3A_399, %add3A_415 : i32
          %get3A_417 = arith.index_cast %add3A_416 : i32 to index
          %get3A_418 = tpu.vector_load %arg6[%get3A_417] {strides = array<i32>} : memref<50000xf32, #tpu.memory_space<vmem>>, vector<16xf32>,
          %max3A_419 = arith.maximumf %max3A_387, %get3A_418 : vector<16xf32>
          %add3A_420 = arith.constant 64 : i32
          %add3A_421 = arith.addi %add3A_399, %add3A_420 : i32
          %get3A_422 = arith.index_cast %add3A_421 : i32 to index
          %get3A_423 = tpu.vector_load %arg6[%get3A_422] {strides = array<i32>} : memref<50000xf32, #tpu.memory_space<vmem>>, vector<16xf32>,
          %max3A_424 = arith.maximumf %max3A_392, %get3A_423 : vector<16xf32>
          scf.yield %max3A_404, %max3A_409, %max3A_414, %max3A_419, %max3A_424 : vector<16xf32>, vector<16xf32>, vector<16xf32>, vector<16xf32>, vector<16xf32>
        }
        %scan3A_210 = arith.constant 25 : i32
        %max3A = arith.maximumf %scan3A_209#0, %scan3A_209#1 : vector<16xf32>
        %max3A_211 = arith.maximumf %scan3A_209#2, %scan3A_209#3 : vector<16xf32>
        %max3A_212 = arith.maximumf %max3A, %max3A_211 : vector<16xf32>
        %max3A_213 = arith.maximumf %max3A_212, %scan3A_209#4 : vector<16xf32>
        %mul3A_214 = arith.constant 25 : i32
        %mul3A_215 = arith.muli %mul3A_145, %mul3A_214 : i32
        %add3A_216 = arith.addi %mul3A_215, %scan3A_189 : i32
        %jit3A_217 = arith.constant 16 : i32
        %eq3A_218 = arith.constant 0 : i32
        %eq3A_219 = arith.cmpi eq, %jit3A_217, %eq3A_218 : i32
        %jit3A_220 = arith.constant 1 : i32
        %select_n3A_221 = arith.select %eq3A_219, %jit3A_220, %jit3A_217 : i32
        %rem3A = arith.remsi %add3A_216, %select_n3A_221 : i32
        %ne3A = arith.constant 0 : i32
        %ne3A_222 = arith.cmpi ne, %rem3A, %ne3A : i32
        %lt3A_223 = arith.constant 0 : i32
        %lt3A_224 = arith.cmpi slt, %rem3A, %lt3A_223 : i32
        %lt3A_225 = arith.constant 0 : i32
        %lt3A_226 = arith.cmpi slt, %select_n3A_221, %lt3A_225 : i32
        %ne3A_227 = arith.xori %lt3A_224, %lt3A_226 : i1
        %and3A_228 = arith.andi %ne3A_227, %ne3A_222 : i1
        %add3A_229 = arith.addi %rem3A, %select_n3A_221 : i32
        %select_n3A_230 = arith.select %and3A_228, %add3A_229, %rem3A : i32
        %eq3A_231 = vector.broadcast %select_n3A_230 : i32 to vector<16xi32>
        %eq3A_232 = arith.cmpi eq, %iota3A, %eq3A_231 : vector<16xi32>
        %reduce_max3A_233 = arith.constant true
        %reduce_max3A_234 = vector.broadcast %reduce_max3A_233 : i1 to vector<16xi1>
        %reduce_max3A_235 = tpu.scan <max>, %max3A_213 masked %reduce_max3A_234 : vector<16xf32>, vector<16xi1> -> vector<16xf32>
        %reduce_max3A_236 = vector.extract %reduce_max3A_235[15] : f32 from vector<16xf32>
        %broadcast_in_dim3A_237 = vector.broadcast %reduce_max3A_236 : f32 to vector<16xf32>
        %select_n3A_238 = arith.select %eq3A_232, %broadcast_in_dim3A_237, %scan3A_194 : vector<16xi1>, vector<16xf32>
        %jit3A_239 = arith.constant 16 : i32
        %eq3A_240 = arith.constant 0 : i32
        %eq3A_241 = arith.cmpi eq, %jit3A_239, %eq3A_240 : i32
        %jit3A_242 = arith.constant 1 : i32
        %select_n3A_243 = arith.select %eq3A_241, %jit3A_242, %jit3A_239 : i32
        %rem3A_244 = arith.remsi %add3A_216, %select_n3A_243 : i32
        %ne3A_245 = arith.constant 0 : i32
        %ne3A_246 = arith.cmpi ne, %rem3A_244, %ne3A_245 : i32
        %lt3A_247 = arith.constant 0 : i32
        %lt3A_248 = arith.cmpi slt, %rem3A_244, %lt3A_247 : i32
        %lt3A_249 = arith.constant 0 : i32
        %lt3A_250 = arith.cmpi slt, %select_n3A_243, %lt3A_249 : i32
        %ne3A_251 = arith.xori %lt3A_248, %lt3A_250 : i1
        %and3A_252 = arith.andi %ne3A_251, %ne3A_246 : i1
        %add3A_253 = arith.addi %rem3A_244, %select_n3A_243 : i32
        %select_n3A_254 = arith.select %and3A_252, %add3A_253, %rem3A_244 : i32
        %eq3A_255 = arith.constant 15 : i32
        %eq3A_256 = arith.cmpi eq, %select_n3A_254, %eq3A_255 : i32
        %convert_element_type3A_257 = arith.extui %eq3A_256 : i1 to i32
        %cond3A_258 = arith.constant 0 : i32
        %cond3A_259 = arith.cmpi ne, %convert_element_type3A_257, %cond3A_258 : i32
        %cond3A_260:5 = scf.if %cond3A_259 -> (vector<16xf32>, vector<16xf32>, vector<16xi32>, vector<16xi32>, vector<16xf32>) {
          %mul3A_261 = arith.constant 512 : i32
          %mul3A_262 = arith.muli %add3A, %mul3A_261 : i32
          %sub3A_263 = arith.constant 15 : i32
          %sub3A_264 = arith.subi %add3A_216, %sub3A_263 : i32
          %add3A_265 = arith.addi %mul3A_262, %sub3A_264 : i32
          %add3A_266 = vector.broadcast %add3A_265 : i32 to vector<16xi32>
          %add3A_267 = arith.addi %add3A_266, %iota3A : vector<16xi32>
          %add3A_268 = vector.broadcast %reduce_max3A_7 : f32 to vector<16xf32>
          %add3A_269 = arith.addf %select_n3A_238, %add3A_268 : vector<16xf32>
          %masked_sort3A_270 = arith.constant dense<true> : vector<16xi1>
          %masked_sort3A_271, %masked_sort3A_272, %masked_sort3A_273 = tpu.sort %add3A_269, %add3A_267 masked %masked_sort3A_270 {descending = true} : (vector<16xf32>, vector<16xi32>, vector<16xi1>) -> (vector<16xi1>, vector<16xf32>, vector<16xi32>)
          %rev3A_274 = arith.constant 15 : i32
          %rev3A_275 = vector.broadcast %rev3A_274 : i32 to vector<16xi32>
          %rev3A_276 = tpu.iota {dimensions = array<i32: 0>} : vector<16xi32>
          %rev3A_277 = arith.subi %rev3A_275, %rev3A_276 : vector<16xi32>
          %rev3A_278 = tpu.dynamic_gather %masked_sort3A_272[%rev3A_277] in [0] : vector<16xf32>, vector<16xi32> -> vector<16xf32>
          %rev3A_279 = arith.constant 15 : i32
          %rev3A_280 = vector.broadcast %rev3A_279 : i32 to vector<16xi32>
          %rev3A_281 = tpu.iota {dimensions = array<i32: 0>} : vector<16xi32>
          %rev3A_282 = arith.subi %rev3A_280, %rev3A_281 : vector<16xi32>
          %rev3A_283 = tpu.dynamic_gather %masked_sort3A_273[%rev3A_282] in [0] : vector<16xi32>, vector<16xi32> -> vector<16xi32>
          %gt3A_284 = arith.cmpf ogt, %scan3A_191, %rev3A_278 : vector<16xf32>
          %eq3A_285 = arith.cmpf oeq, %scan3A_191, %rev3A_278 : vector<16xf32>
          %le3A_286 = arith.cmpi sle, %scan3A_193, %rev3A_283 : vector<16xi32>
          %and3A_287 = arith.andi %eq3A_285, %le3A_286 : vector<16xi1>
          %or3A_288 = arith.ori %gt3A_284, %and3A_287 : vector<16xi1>
          %select_n3A_289 = arith.select %or3A_288, %scan3A_191, %rev3A_278 : vector<16xi1>, vector<16xf32>
          %select_n3A_290 = arith.select %or3A_288, %scan3A_193, %rev3A_283 : vector<16xi1>, vector<16xi32>
          %masked_sort3A_291 = arith.constant dense<true> : vector<16xi1>
          %masked_sort3A_292, %masked_sort3A_293, %masked_sort3A_294 = tpu.sort %select_n3A_289, %select_n3A_290 masked %masked_sort3A_291 {descending = true} : (vector<16xf32>, vector<16xi32>, vector<16xi1>) -> (vector<16xi1>, vector<16xf32>, vector<16xi32>)
          %rev3A_295 = arith.constant 15 : i32
          %rev3A_296 = vector.broadcast %rev3A_295 : i32 to vector<16xi32>
          %rev3A_297 = tpu.iota {dimensions = array<i32: 0>} : vector<16xi32>
          %rev3A_298 = arith.subi %rev3A_296, %rev3A_297 : vector<16xi32>
          %rev3A_299 = tpu.dynamic_gather %masked_sort3A_293[%rev3A_298] in [0] : vector<16xf32>, vector<16xi32> -> vector<16xf32>
          %rev3A_300 = arith.constant 15 : i32
          %rev3A_301 = vector.broadcast %rev3A_300 : i32 to vector<16xi32>
          %rev3A_302 = tpu.iota {dimensions = array<i32: 0>} : vector<16xi32>
          %rev3A_303 = arith.subi %rev3A_301, %rev3A_302 : vector<16xi32>
          %rev3A_304 = tpu.dynamic_gather %masked_sort3A_294[%rev3A_303] in [0] : vector<16xi32>, vector<16xi32> -> vector<16xi32>
          %gt3A_305 = arith.cmpf ogt, %scan3A_190, %rev3A_299 : vector<16xf32>
          %eq3A_306 = arith.cmpf oeq, %scan3A_190, %rev3A_299 : vector<16xf32>
          %le3A_307 = arith.cmpi sle, %scan3A_192, %rev3A_304 : vector<16xi32>
          %and3A_308 = arith.andi %eq3A_306, %le3A_307 : vector<16xi1>
          %or3A_309 = arith.ori %gt3A_305, %and3A_308 : vector<16xi1>
          %select_n3A_310 = arith.select %or3A_309, %scan3A_190, %rev3A_299 : vector<16xi1>, vector<16xf32>
          %select_n3A_311 = arith.select %or3A_309, %scan3A_192, %rev3A_304 : vector<16xi1>, vector<16xi32>
          %select_n3A_312 = arith.select %or3A_309, %rev3A_299, %scan3A_190 : vector<16xi1>, vector<16xf32>
          %select_n3A_313 = arith.select %or3A_309, %rev3A_304, %scan3A_192 : vector<16xi1>, vector<16xi32>
          %masked_sort3A_314 = arith.constant dense<true> : vector<16xi1>
          %masked_sort3A_315, %masked_sort3A_316, %masked_sort3A_317 = tpu.sort %select_n3A_310, %select_n3A_311 masked %masked_sort3A_314 {descending = true} : (vector<16xf32>, vector<16xi32>, vector<16xi1>) -> (vector<16xi1>, vector<16xf32>, vector<16xi32>)
          %masked_sort3A_318 = arith.constant dense<true> : vector<16xi1>
          %masked_sort3A_319, %masked_sort3A_320, %masked_sort3A_321 = tpu.sort %select_n3A_312, %select_n3A_313 masked %masked_sort3A_318 {descending = true} : (vector<16xf32>, vector<16xi32>, vector<16xi1>) -> (vector<16xi1>, vector<16xf32>, vector<16xi32>)
          %broadcast_in_dim3A_322 = arith.constant -3.000000e+38 : f32
          %broadcast_in_dim3A_323 = vector.broadcast %broadcast_in_dim3A_322 : f32 to vector<16xf32>
          scf.yield %masked_sort3A_316, %masked_sort3A_320, %masked_sort3A_317, %masked_sort3A_321, %broadcast_in_dim3A_323 : vector<16xf32>, vector<16xf32>, vector<16xi32>, vector<16xi32>, vector<16xf32>
        } else {
          scf.yield %scan3A_190, %scan3A_191, %scan3A_192, %scan3A_193, %select_n3A_238 : vector<16xf32>, vector<16xf32>, vector<16xi32>, vector<16xi32>, vector<16xf32>
        }
        scf.yield %cond3A_260#0, %cond3A_260#1, %cond3A_260#2, %cond3A_260#3, %cond3A_260#4 : vector<16xf32>, vector<16xf32>, vector<16xi32>, vector<16xi32>, vector<16xf32>
      }
      %scan3A_166 = arith.constant 25 : i32
      %mul3A_167 = arith.constant 1000000 : i32
      %mul3A_168 = arith.muli %add3A, %mul3A_167 : i32
      %add3A_169 = arith.constant 1 : i32
      %add3A_170 = arith.addi %mul3A_145, %add3A_169 : i32
      %mul3A_171 = arith.constant 50000 : i32
      %mul3A_172 = arith.muli %add3A_170, %mul3A_171 : i32
      %add3A_173 = arith.addi %mul3A_168, %mul3A_172 : i32
      %dma_wait3A_174 = tpu.memref_slice %arg3[%add3A_173] : memref<32000000xf32, #tpu.memory_space<hbm>> -> memref<50000xf32, #tpu.memory_space<hbm>>
      %dma_wait3A_175 = tpu.memref_slice %arg3[%add3A_173] : memref<32000000xf32, #tpu.memory_space<hbm>> -> memref<50000xf32, #tpu.memory_space<hbm>>
      tpu.wait_dma2 semaphore(%arg15 : memref<!tpu.dma_semaphore, #tpu.memory_space<semaphore_mem>>) src(%dma_wait3A_175 : memref<50000xf32, #tpu.memory_space<hbm>>) dst(%arg7 : memref<50000xf32, #tpu.memory_space<vmem>>)
      %add3A_176 = arith.constant 1 : i32
      %add3A_177 = arith.addi %scan3A_138, %add3A_176 : i32
      %lt3A_178 = arith.constant 10 : i32
      %lt3A_179 = arith.cmpi slt, %add3A_177, %lt3A_178 : i32
      %convert_element_type3A = arith.extui %lt3A_179 : i1 to i32
      %cond3A = arith.constant 0 : i32
      %cond3A_180 = arith.cmpi ne, %convert_element_type3A, %cond3A : i32
      scf.if %cond3A_180 {
        %mul3A_189 = arith.constant 1000000 : i32
        %mul3A_190 = arith.muli %add3A, %mul3A_189 : i32
        %add3A_191 = arith.constant 2 : i32
        %add3A_192 = arith.addi %mul3A_145, %add3A_191 : i32
        %mul3A_193 = arith.constant 50000 : i32
        %mul3A_194 = arith.muli %add3A_192, %mul3A_193 : i32
        %add3A_195 = arith.addi %mul3A_190, %mul3A_194 : i32
        %dma_start3A_196 = tpu.memref_slice %arg3[%add3A_195] : memref<32000000xf32, #tpu.memory_space<hbm>> -> memref<50000xf32, #tpu.memory_space<hbm>>
        %dma_start3A_197 = tpu.memref_slice %arg3[%add3A_195] : memref<32000000xf32, #tpu.memory_space<hbm>> -> memref<50000xf32, #tpu.memory_space<hbm>>
        tpu.enqueue_dma source(%dma_start3A_197 : memref<50000xf32, #tpu.memory_space<hbm>>) target(%arg6 : memref<50000xf32, #tpu.memory_space<vmem>>) target_semaphore(%arg14 : memref<!tpu.dma_semaphore, #tpu.memory_space<semaphore_mem>>)
      } else {
      }
      %add3A_181 = arith.constant 1 : i32
      %add3A_182 = arith.addi %mul3A_145, %add3A_181 : i32
      %scan3A_183 = arith.constant 0 : i32
      %scan3A_184 = arith.constant 25 : i32
      %scan3A_185 = arith.addi %scan3A_183, %scan3A_184 : i32
      %scan3A_186 = arith.constant 1 : i32
      %scan3A_187:5 = scf.for %scan3A_189 = %scan3A_183 to %scan3A_185 step %scan3A_186 iter_args(%scan3A_190 = %scan3A_165#0, %scan3A_191 = %scan3A_165#1, %scan3A_192 = %scan3A_165#2, %scan3A_193 = %scan3A_165#3, %scan3A_194 = %scan3A_165#4) -> (vector<16xf32>, vector<16xf32>, vector<16xi32>, vector<16xi32>, vector<16xf32>)  : i32 {
        %broadcast_in_dim3A_195 = arith.constant -3.000000e+38 : f32
        %broadcast_in_dim3A_196 = vector.broadcast %broadcast_in_dim3A_195 : f32 to vector<16xf32>
        %broadcast_in_dim3A_197 = arith.constant -3.000000e+38 : f32
        %broadcast_in_dim3A_198 = vector.broadcast %broadcast_in_dim3A_197 : f32 to vector<16xf32>
        %broadcast_in_dim3A_199 = arith.constant -3.000000e+38 : f32
        %broadcast_in_dim3A_200 = vector.broadcast %broadcast_in_dim3A_199 : f32 to vector<16xf32>
        %broadcast_in_dim3A_201 = arith.constant -3.000000e+38 : f32
        %broadcast_in_dim3A_202 = vector.broadcast %broadcast_in_dim3A_201 : f32 to vector<16xf32>
        %broadcast_in_dim3A_203 = arith.constant -3.000000e+38 : f32
        %broadcast_in_dim3A_204 = vector.broadcast %broadcast_in_dim3A_203 : f32 to vector<16xf32>
        %scan3A_205 = arith.constant 0 : i32
        %scan3A_206 = arith.constant 25 : i32
        %scan3A_207 = arith.addi %scan3A_205, %scan3A_206 : i32
        %scan3A_208 = arith.constant 5 : i32
        %scan3A_209:5 = scf.for %scan3A_261 = %scan3A_205 to %scan3A_207 step %scan3A_208 iter_args(%scan3A_262 = %broadcast_in_dim3A_196, %scan3A_263 = %broadcast_in_dim3A_198, %scan3A_264 = %broadcast_in_dim3A_200, %scan3A_265 = %broadcast_in_dim3A_202, %scan3A_266 = %broadcast_in_dim3A_204) -> (vector<16xf32>, vector<16xf32>, vector<16xf32>, vector<16xf32>, vector<16xf32>)  : i32 {
          %mul3A_267 = arith.constant 2000 : i32
          %mul3A_268 = arith.muli %scan3A_189, %mul3A_267 : i32
          %mul3A_269 = arith.constant 80 : i32
          %mul3A_270 = arith.muli %scan3A_261, %mul3A_269 : i32
          %add3A_271 = arith.addi %mul3A_268, %mul3A_270 : i32
          %add3A_272 = arith.constant 0 : i32
          %add3A_273 = arith.addi %add3A_271, %add3A_272 : i32
          %get3A_274 = arith.index_cast %add3A_273 : i32 to index
          %get3A_275 = tpu.vector_load %arg7[%get3A_274] {strides = array<i32>} : memref<50000xf32, #tpu.memory_space<vmem>>, vector<16xf32>,
          %max3A_276 = arith.maximumf %scan3A_262, %get3A_275 : vector<16xf32>
          %add3A_277 = arith.constant 16 : i32
          %add3A_278 = arith.addi %add3A_271, %add3A_277 : i32
          %get3A_279 = arith.index_cast %add3A_278 : i32 to index
          %get3A_280 = tpu.vector_load %arg7[%get3A_279] {strides = array<i32>} : memref<50000xf32, #tpu.memory_space<vmem>>, vector<16xf32>,
          %max3A_281 = arith.maximumf %scan3A_263, %get3A_280 : vector<16xf32>
          %add3A_282 = arith.constant 32 : i32
          %add3A_283 = arith.addi %add3A_271, %add3A_282 : i32
          %get3A_284 = arith.index_cast %add3A_283 : i32 to index
          %get3A_285 = tpu.vector_load %arg7[%get3A_284] {strides = array<i32>} : memref<50000xf32, #tpu.memory_space<vmem>>, vector<16xf32>,
          %max3A_286 = arith.maximumf %scan3A_264, %get3A_285 : vector<16xf32>
          %add3A_287 = arith.constant 48 : i32
          %add3A_288 = arith.addi %add3A_271, %add3A_287 : i32
          %get3A_289 = arith.index_cast %add3A_288 : i32 to index
          %get3A_290 = tpu.vector_load %arg7[%get3A_289] {strides = array<i32>} : memref<50000xf32, #tpu.memory_space<vmem>>, vector<16xf32>,
          %max3A_291 = arith.maximumf %scan3A_265, %get3A_290 : vector<16xf32>
          %add3A_292 = arith.constant 64 : i32
          %add3A_293 = arith.addi %add3A_271, %add3A_292 : i32
          %get3A_294 = arith.index_cast %add3A_293 : i32 to index
          %get3A_295 = tpu.vector_load %arg7[%get3A_294] {strides = array<i32>} : memref<50000xf32, #tpu.memory_space<vmem>>, vector<16xf32>,
          %max3A_296 = arith.maximumf %scan3A_266, %get3A_295 : vector<16xf32>
          %scan3A_297 = arith.constant 1 : i32
          %scan3A_298 = arith.addi %scan3A_261, %scan3A_297 : i32
          %mul3A_299 = arith.constant 2000 : i32
          %mul3A_300 = arith.muli %scan3A_189, %mul3A_299 : i32
          %mul3A_301 = arith.constant 80 : i32
          %mul3A_302 = arith.muli %scan3A_298, %mul3A_301 : i32
          %add3A_303 = arith.addi %mul3A_300, %mul3A_302 : i32
          %add3A_304 = arith.constant 0 : i32
          %add3A_305 = arith.addi %add3A_303, %add3A_304 : i32
          %get3A_306 = arith.index_cast %add3A_305 : i32 to index
          %get3A_307 = tpu.vector_load %arg7[%get3A_306] {strides = array<i32>} : memref<50000xf32, #tpu.memory_space<vmem>>, vector<16xf32>,
          %max3A_308 = arith.maximumf %max3A_276, %get3A_307 : vector<16xf32>
          %add3A_309 = arith.constant 16 : i32
          %add3A_310 = arith.addi %add3A_303, %add3A_309 : i32
          %get3A_311 = arith.index_cast %add3A_310 : i32 to index
          %get3A_312 = tpu.vector_load %arg7[%get3A_311] {strides = array<i32>} : memref<50000xf32, #tpu.memory_space<vmem>>, vector<16xf32>,
          %max3A_313 = arith.maximumf %max3A_281, %get3A_312 : vector<16xf32>
          %add3A_314 = arith.constant 32 : i32
          %add3A_315 = arith.addi %add3A_303, %add3A_314 : i32
          %get3A_316 = arith.index_cast %add3A_315 : i32 to index
          %get3A_317 = tpu.vector_load %arg7[%get3A_316] {strides = array<i32>} : memref<50000xf32, #tpu.memory_space<vmem>>, vector<16xf32>,
          %max3A_318 = arith.maximumf %max3A_286, %get3A_317 : vector<16xf32>
          %add3A_319 = arith.constant 48 : i32
          %add3A_320 = arith.addi %add3A_303, %add3A_319 : i32
          %get3A_321 = arith.index_cast %add3A_320 : i32 to index
          %get3A_322 = tpu.vector_load %arg7[%get3A_321] {strides = array<i32>} : memref<50000xf32, #tpu.memory_space<vmem>>, vector<16xf32>,
          %max3A_323 = arith.maximumf %max3A_291, %get3A_322 : vector<16xf32>
          %add3A_324 = arith.constant 64 : i32
          %add3A_325 = arith.addi %add3A_303, %add3A_324 : i32
          %get3A_326 = arith.index_cast %add3A_325 : i32 to index
          %get3A_327 = tpu.vector_load %arg7[%get3A_326] {strides = array<i32>} : memref<50000xf32, #tpu.memory_space<vmem>>, vector<16xf32>,
          %max3A_328 = arith.maximumf %max3A_296, %get3A_327 : vector<16xf32>
          %scan3A_329 = arith.constant 2 : i32
          %scan3A_330 = arith.addi %scan3A_261, %scan3A_329 : i32
          %mul3A_331 = arith.constant 2000 : i32
          %mul3A_332 = arith.muli %scan3A_189, %mul3A_331 : i32
          %mul3A_333 = arith.constant 80 : i32
          %mul3A_334 = arith.muli %scan3A_330, %mul3A_333 : i32
          %add3A_335 = arith.addi %mul3A_332, %mul3A_334 : i32
          %add3A_336 = arith.constant 0 : i32
          %add3A_337 = arith.addi %add3A_335, %add3A_336 : i32
          %get3A_338 = arith.index_cast %add3A_337 : i32 to index
          %get3A_339 = tpu.vector_load %arg7[%get3A_338] {strides = array<i32>} : memref<50000xf32, #tpu.memory_space<vmem>>, vector<16xf32>,
          %max3A_340 = arith.maximumf %max3A_308, %get3A_339 : vector<16xf32>
          %add3A_341 = arith.constant 16 : i32
          %add3A_342 = arith.addi %add3A_335, %add3A_341 : i32
          %get3A_343 = arith.index_cast %add3A_342 : i32 to index
          %get3A_344 = tpu.vector_load %arg7[%get3A_343] {strides = array<i32>} : memref<50000xf32, #tpu.memory_space<vmem>>, vector<16xf32>,
          %max3A_345 = arith.maximumf %max3A_313, %get3A_344 : vector<16xf32>
          %add3A_346 = arith.constant 32 : i32
          %add3A_347 = arith.addi %add3A_335, %add3A_346 : i32
          %get3A_348 = arith.index_cast %add3A_347 : i32 to index
          %get3A_349 = tpu.vector_load %arg7[%get3A_348] {strides = array<i32>} : memref<50000xf32, #tpu.memory_space<vmem>>, vector<16xf32>,
          %max3A_350 = arith.maximumf %max3A_318, %get3A_349 : vector<16xf32>
          %add3A_351 = arith.constant 48 : i32
          %add3A_352 = arith.addi %add3A_335, %add3A_351 : i32
          %get3A_353 = arith.index_cast %add3A_352 : i32 to index
          %get3A_354 = tpu.vector_load %arg7[%get3A_353] {strides = array<i32>} : memref<50000xf32, #tpu.memory_space<vmem>>, vector<16xf32>,
          %max3A_355 = arith.maximumf %max3A_323, %get3A_354 : vector<16xf32>
          %add3A_356 = arith.constant 64 : i32
          %add3A_357 = arith.addi %add3A_335, %add3A_356 : i32
          %get3A_358 = arith.index_cast %add3A_357 : i32 to index
          %get3A_359 = tpu.vector_load %arg7[%get3A_358] {strides = array<i32>} : memref<50000xf32, #tpu.memory_space<vmem>>, vector<16xf32>,
          %max3A_360 = arith.maximumf %max3A_328, %get3A_359 : vector<16xf32>
          %scan3A_361 = arith.constant 3 : i32
          %scan3A_362 = arith.addi %scan3A_261, %scan3A_361 : i32
          %mul3A_363 = arith.constant 2000 : i32
          %mul3A_364 = arith.muli %scan3A_189, %mul3A_363 : i32
          %mul3A_365 = arith.constant 80 : i32
          %mul3A_366 = arith.muli %scan3A_362, %mul3A_365 : i32
          %add3A_367 = arith.addi %mul3A_364, %mul3A_366 : i32
          %add3A_368 = arith.constant 0 : i32
          %add3A_369 = arith.addi %add3A_367, %add3A_368 : i32
          %get3A_370 = arith.index_cast %add3A_369 : i32 to index
          %get3A_371 = tpu.vector_load %arg7[%get3A_370] {strides = array<i32>} : memref<50000xf32, #tpu.memory_space<vmem>>, vector<16xf32>,
          %max3A_372 = arith.maximumf %max3A_340, %get3A_371 : vector<16xf32>
          %add3A_373 = arith.constant 16 : i32
          %add3A_374 = arith.addi %add3A_367, %add3A_373 : i32
          %get3A_375 = arith.index_cast %add3A_374 : i32 to index
          %get3A_376 = tpu.vector_load %arg7[%get3A_375] {strides = array<i32>} : memref<50000xf32, #tpu.memory_space<vmem>>, vector<16xf32>,
          %max3A_377 = arith.maximumf %max3A_345, %get3A_376 : vector<16xf32>
          %add3A_378 = arith.constant 32 : i32
          %add3A_379 = arith.addi %add3A_367, %add3A_378 : i32
          %get3A_380 = arith.index_cast %add3A_379 : i32 to index
          %get3A_381 = tpu.vector_load %arg7[%get3A_380] {strides = array<i32>} : memref<50000xf32, #tpu.memory_space<vmem>>, vector<16xf32>,
          %max3A_382 = arith.maximumf %max3A_350, %get3A_381 : vector<16xf32>
          %add3A_383 = arith.constant 48 : i32
          %add3A_384 = arith.addi %add3A_367, %add3A_383 : i32
          %get3A_385 = arith.index_cast %add3A_384 : i32 to index
          %get3A_386 = tpu.vector_load %arg7[%get3A_385] {strides = array<i32>} : memref<50000xf32, #tpu.memory_space<vmem>>, vector<16xf32>,
          %max3A_387 = arith.maximumf %max3A_355, %get3A_386 : vector<16xf32>
          %add3A_388 = arith.constant 64 : i32
          %add3A_389 = arith.addi %add3A_367, %add3A_388 : i32
          %get3A_390 = arith.index_cast %add3A_389 : i32 to index
          %get3A_391 = tpu.vector_load %arg7[%get3A_390] {strides = array<i32>} : memref<50000xf32, #tpu.memory_space<vmem>>, vector<16xf32>,
          %max3A_392 = arith.maximumf %max3A_360, %get3A_391 : vector<16xf32>
          %scan3A_393 = arith.constant 4 : i32
          %scan3A_394 = arith.addi %scan3A_261, %scan3A_393 : i32
          %mul3A_395 = arith.constant 2000 : i32
          %mul3A_396 = arith.muli %scan3A_189, %mul3A_395 : i32
          %mul3A_397 = arith.constant 80 : i32
          %mul3A_398 = arith.muli %scan3A_394, %mul3A_397 : i32
          %add3A_399 = arith.addi %mul3A_396, %mul3A_398 : i32
          %add3A_400 = arith.constant 0 : i32
          %add3A_401 = arith.addi %add3A_399, %add3A_400 : i32
          %get3A_402 = arith.index_cast %add3A_401 : i32 to index
          %get3A_403 = tpu.vector_load %arg7[%get3A_402] {strides = array<i32>} : memref<50000xf32, #tpu.memory_space<vmem>>, vector<16xf32>,
          %max3A_404 = arith.maximumf %max3A_372, %get3A_403 : vector<16xf32>
          %add3A_405 = arith.constant 16 : i32
          %add3A_406 = arith.addi %add3A_399, %add3A_405 : i32
          %get3A_407 = arith.index_cast %add3A_406 : i32 to index
          %get3A_408 = tpu.vector_load %arg7[%get3A_407] {strides = array<i32>} : memref<50000xf32, #tpu.memory_space<vmem>>, vector<16xf32>,
          %max3A_409 = arith.maximumf %max3A_377, %get3A_408 : vector<16xf32>
          %add3A_410 = arith.constant 32 : i32
          %add3A_411 = arith.addi %add3A_399, %add3A_410 : i32
          %get3A_412 = arith.index_cast %add3A_411 : i32 to index
          %get3A_413 = tpu.vector_load %arg7[%get3A_412] {strides = array<i32>} : memref<50000xf32, #tpu.memory_space<vmem>>, vector<16xf32>,
          %max3A_414 = arith.maximumf %max3A_382, %get3A_413 : vector<16xf32>
          %add3A_415 = arith.constant 48 : i32
          %add3A_416 = arith.addi %add3A_399, %add3A_415 : i32
          %get3A_417 = arith.index_cast %add3A_416 : i32 to index
          %get3A_418 = tpu.vector_load %arg7[%get3A_417] {strides = array<i32>} : memref<50000xf32, #tpu.memory_space<vmem>>, vector<16xf32>,
          %max3A_419 = arith.maximumf %max3A_387, %get3A_418 : vector<16xf32>
          %add3A_420 = arith.constant 64 : i32
          %add3A_421 = arith.addi %add3A_399, %add3A_420 : i32
          %get3A_422 = arith.index_cast %add3A_421 : i32 to index
          %get3A_423 = tpu.vector_load %arg7[%get3A_422] {strides = array<i32>} : memref<50000xf32, #tpu.memory_space<vmem>>, vector<16xf32>,
          %max3A_424 = arith.maximumf %max3A_392, %get3A_423 : vector<16xf32>
          scf.yield %max3A_404, %max3A_409, %max3A_414, %max3A_419, %max3A_424 : vector<16xf32>, vector<16xf32>, vector<16xf32>, vector<16xf32>, vector<16xf32>
        }
        %scan3A_210 = arith.constant 25 : i32
        %max3A = arith.maximumf %scan3A_209#0, %scan3A_209#1 : vector<16xf32>
        %max3A_211 = arith.maximumf %scan3A_209#2, %scan3A_209#3 : vector<16xf32>
        %max3A_212 = arith.maximumf %max3A, %max3A_211 : vector<16xf32>
        %max3A_213 = arith.maximumf %max3A_212, %scan3A_209#4 : vector<16xf32>
        %mul3A_214 = arith.constant 25 : i32
        %mul3A_215 = arith.muli %add3A_182, %mul3A_214 : i32
        %add3A_216 = arith.addi %mul3A_215, %scan3A_189 : i32
        %jit3A_217 = arith.constant 16 : i32
        %eq3A_218 = arith.constant 0 : i32
        %eq3A_219 = arith.cmpi eq, %jit3A_217, %eq3A_218 : i32
        %jit3A_220 = arith.constant 1 : i32
        %select_n3A_221 = arith.select %eq3A_219, %jit3A_220, %jit3A_217 : i32
        %rem3A = arith.remsi %add3A_216, %select_n3A_221 : i32
        %ne3A = arith.constant 0 : i32
        %ne3A_222 = arith.cmpi ne, %rem3A, %ne3A : i32
        %lt3A_223 = arith.constant 0 : i32
        %lt3A_224 = arith.cmpi slt, %rem3A, %lt3A_223 : i32
        %lt3A_225 = arith.constant 0 : i32
        %lt3A_226 = arith.cmpi slt, %select_n3A_221, %lt3A_225 : i32
        %ne3A_227 = arith.xori %lt3A_224, %lt3A_226 : i1
        %and3A_228 = arith.andi %ne3A_227, %ne3A_222 : i1
        %add3A_229 = arith.addi %rem3A, %select_n3A_221 : i32
        %select_n3A_230 = arith.select %and3A_228, %add3A_229, %rem3A : i32
        %eq3A_231 = vector.broadcast %select_n3A_230 : i32 to vector<16xi32>
        %eq3A_232 = arith.cmpi eq, %iota3A, %eq3A_231 : vector<16xi32>
        %reduce_max3A_233 = arith.constant true
        %reduce_max3A_234 = vector.broadcast %reduce_max3A_233 : i1 to vector<16xi1>
        %reduce_max3A_235 = tpu.scan <max>, %max3A_213 masked %reduce_max3A_234 : vector<16xf32>, vector<16xi1> -> vector<16xf32>
        %reduce_max3A_236 = vector.extract %reduce_max3A_235[15] : f32 from vector<16xf32>
        %broadcast_in_dim3A_237 = vector.broadcast %reduce_max3A_236 : f32 to vector<16xf32>
        %select_n3A_238 = arith.select %eq3A_232, %broadcast_in_dim3A_237, %scan3A_194 : vector<16xi1>, vector<16xf32>
        %jit3A_239 = arith.constant 16 : i32
        %eq3A_240 = arith.constant 0 : i32
        %eq3A_241 = arith.cmpi eq, %jit3A_239, %eq3A_240 : i32
        %jit3A_242 = arith.constant 1 : i32
        %select_n3A_243 = arith.select %eq3A_241, %jit3A_242, %jit3A_239 : i32
        %rem3A_244 = arith.remsi %add3A_216, %select_n3A_243 : i32
        %ne3A_245 = arith.constant 0 : i32
        %ne3A_246 = arith.cmpi ne, %rem3A_244, %ne3A_245 : i32
        %lt3A_247 = arith.constant 0 : i32
        %lt3A_248 = arith.cmpi slt, %rem3A_244, %lt3A_247 : i32
        %lt3A_249 = arith.constant 0 : i32
        %lt3A_250 = arith.cmpi slt, %select_n3A_243, %lt3A_249 : i32
        %ne3A_251 = arith.xori %lt3A_248, %lt3A_250 : i1
        %and3A_252 = arith.andi %ne3A_251, %ne3A_246 : i1
        %add3A_253 = arith.addi %rem3A_244, %select_n3A_243 : i32
        %select_n3A_254 = arith.select %and3A_252, %add3A_253, %rem3A_244 : i32
        %eq3A_255 = arith.constant 15 : i32
        %eq3A_256 = arith.cmpi eq, %select_n3A_254, %eq3A_255 : i32
        %convert_element_type3A_257 = arith.extui %eq3A_256 : i1 to i32
        %cond3A_258 = arith.constant 0 : i32
        %cond3A_259 = arith.cmpi ne, %convert_element_type3A_257, %cond3A_258 : i32
        %cond3A_260:5 = scf.if %cond3A_259 -> (vector<16xf32>, vector<16xf32>, vector<16xi32>, vector<16xi32>, vector<16xf32>) {
          %mul3A_261 = arith.constant 512 : i32
          %mul3A_262 = arith.muli %add3A, %mul3A_261 : i32
          %sub3A_263 = arith.constant 15 : i32
          %sub3A_264 = arith.subi %add3A_216, %sub3A_263 : i32
          %add3A_265 = arith.addi %mul3A_262, %sub3A_264 : i32
          %add3A_266 = vector.broadcast %add3A_265 : i32 to vector<16xi32>
          %add3A_267 = arith.addi %add3A_266, %iota3A : vector<16xi32>
          %add3A_268 = vector.broadcast %reduce_max3A_7 : f32 to vector<16xf32>
          %add3A_269 = arith.addf %select_n3A_238, %add3A_268 : vector<16xf32>
          %masked_sort3A_270 = arith.constant dense<true> : vector<16xi1>
          %masked_sort3A_271, %masked_sort3A_272, %masked_sort3A_273 = tpu.sort %add3A_269, %add3A_267 masked %masked_sort3A_270 {descending = true} : (vector<16xf32>, vector<16xi32>, vector<16xi1>) -> (vector<16xi1>, vector<16xf32>, vector<16xi32>)
          %rev3A_274 = arith.constant 15 : i32
          %rev3A_275 = vector.broadcast %rev3A_274 : i32 to vector<16xi32>
          %rev3A_276 = tpu.iota {dimensions = array<i32: 0>} : vector<16xi32>
          %rev3A_277 = arith.subi %rev3A_275, %rev3A_276 : vector<16xi32>
          %rev3A_278 = tpu.dynamic_gather %masked_sort3A_272[%rev3A_277] in [0] : vector<16xf32>, vector<16xi32> -> vector<16xf32>
          %rev3A_279 = arith.constant 15 : i32
          %rev3A_280 = vector.broadcast %rev3A_279 : i32 to vector<16xi32>
          %rev3A_281 = tpu.iota {dimensions = array<i32: 0>} : vector<16xi32>
          %rev3A_282 = arith.subi %rev3A_280, %rev3A_281 : vector<16xi32>
          %rev3A_283 = tpu.dynamic_gather %masked_sort3A_273[%rev3A_282] in [0] : vector<16xi32>, vector<16xi32> -> vector<16xi32>
          %gt3A_284 = arith.cmpf ogt, %scan3A_191, %rev3A_278 : vector<16xf32>
          %eq3A_285 = arith.cmpf oeq, %scan3A_191, %rev3A_278 : vector<16xf32>
          %le3A_286 = arith.cmpi sle, %scan3A_193, %rev3A_283 : vector<16xi32>
          %and3A_287 = arith.andi %eq3A_285, %le3A_286 : vector<16xi1>
          %or3A_288 = arith.ori %gt3A_284, %and3A_287 : vector<16xi1>
          %select_n3A_289 = arith.select %or3A_288, %scan3A_191, %rev3A_278 : vector<16xi1>, vector<16xf32>
          %select_n3A_290 = arith.select %or3A_288, %scan3A_193, %rev3A_283 : vector<16xi1>, vector<16xi32>
          %masked_sort3A_291 = arith.constant dense<true> : vector<16xi1>
          %masked_sort3A_292, %masked_sort3A_293, %masked_sort3A_294 = tpu.sort %select_n3A_289, %select_n3A_290 masked %masked_sort3A_291 {descending = true} : (vector<16xf32>, vector<16xi32>, vector<16xi1>) -> (vector<16xi1>, vector<16xf32>, vector<16xi32>)
          %rev3A_295 = arith.constant 15 : i32
          %rev3A_296 = vector.broadcast %rev3A_295 : i32 to vector<16xi32>
          %rev3A_297 = tpu.iota {dimensions = array<i32: 0>} : vector<16xi32>
          %rev3A_298 = arith.subi %rev3A_296, %rev3A_297 : vector<16xi32>
          %rev3A_299 = tpu.dynamic_gather %masked_sort3A_293[%rev3A_298] in [0] : vector<16xf32>, vector<16xi32> -> vector<16xf32>
          %rev3A_300 = arith.constant 15 : i32
          %rev3A_301 = vector.broadcast %rev3A_300 : i32 to vector<16xi32>
          %rev3A_302 = tpu.iota {dimensions = array<i32: 0>} : vector<16xi32>
          %rev3A_303 = arith.subi %rev3A_301, %rev3A_302 : vector<16xi32>
          %rev3A_304 = tpu.dynamic_gather %masked_sort3A_294[%rev3A_303] in [0] : vector<16xi32>, vector<16xi32> -> vector<16xi32>
          %gt3A_305 = arith.cmpf ogt, %scan3A_190, %rev3A_299 : vector<16xf32>
          %eq3A_306 = arith.cmpf oeq, %scan3A_190, %rev3A_299 : vector<16xf32>
          %le3A_307 = arith.cmpi sle, %scan3A_192, %rev3A_304 : vector<16xi32>
          %and3A_308 = arith.andi %eq3A_306, %le3A_307 : vector<16xi1>
          %or3A_309 = arith.ori %gt3A_305, %and3A_308 : vector<16xi1>
          %select_n3A_310 = arith.select %or3A_309, %scan3A_190, %rev3A_299 : vector<16xi1>, vector<16xf32>
          %select_n3A_311 = arith.select %or3A_309, %scan3A_192, %rev3A_304 : vector<16xi1>, vector<16xi32>
          %select_n3A_312 = arith.select %or3A_309, %rev3A_299, %scan3A_190 : vector<16xi1>, vector<16xf32>
          %select_n3A_313 = arith.select %or3A_309, %rev3A_304, %scan3A_192 : vector<16xi1>, vector<16xi32>
          %masked_sort3A_314 = arith.constant dense<true> : vector<16xi1>
          %masked_sort3A_315, %masked_sort3A_316, %masked_sort3A_317 = tpu.sort %select_n3A_310, %select_n3A_311 masked %masked_sort3A_314 {descending = true} : (vector<16xf32>, vector<16xi32>, vector<16xi1>) -> (vector<16xi1>, vector<16xf32>, vector<16xi32>)
          %masked_sort3A_318 = arith.constant dense<true> : vector<16xi1>
          %masked_sort3A_319, %masked_sort3A_320, %masked_sort3A_321 = tpu.sort %select_n3A_312, %select_n3A_313 masked %masked_sort3A_318 {descending = true} : (vector<16xf32>, vector<16xi32>, vector<16xi1>) -> (vector<16xi1>, vector<16xf32>, vector<16xi32>)
          %broadcast_in_dim3A_322 = arith.constant -3.000000e+38 : f32
          %broadcast_in_dim3A_323 = vector.broadcast %broadcast_in_dim3A_322 : f32 to vector<16xf32>
          scf.yield %masked_sort3A_316, %masked_sort3A_320, %masked_sort3A_317, %masked_sort3A_321, %broadcast_in_dim3A_323 : vector<16xf32>, vector<16xf32>, vector<16xi32>, vector<16xi32>, vector<16xf32>
        } else {
          scf.yield %scan3A_190, %scan3A_191, %scan3A_192, %scan3A_193, %select_n3A_238 : vector<16xf32>, vector<16xf32>, vector<16xi32>, vector<16xi32>, vector<16xf32>
        }
        scf.yield %cond3A_260#0, %cond3A_260#1, %cond3A_260#2, %cond3A_260#3, %cond3A_260#4 : vector<16xf32>, vector<16xf32>, vector<16xi32>, vector<16xi32>, vector<16xf32>
      }
      %scan3A_188 = arith.constant 25 : i32
      scf.yield %scan3A_187#0, %scan3A_187#1, %scan3A_187#2, %scan3A_187#3, %scan3A_187#4 : vector<16xf32>, vector<16xf32>, vector<16xi32>, vector<16xi32>, vector<16xf32>
    }
    %scan3A_25 = arith.constant 10 : i32
    %mul3A_26 = arith.constant 1000000 : i32
    %mul3A_27 = arith.muli %add3A, %mul3A_26 : i32
    %add3A_28 = arith.constant 1000000 : i32
    %add3A_29 = arith.addi %mul3A_27, %add3A_28 : i32
    %sub3A = arith.constant 2000 : i32
    %sub3A_30 = arith.subi %add3A_29, %sub3A : i32
    "tpu.region"() ({
      %run_scoped3A = tpu.sem_alloc : memref<!tpu.dma_semaphore, #tpu.memory_space<semaphore_mem>>
      %dma_start3A_138 = tpu.memref_slice %arg3[%sub3A_30] : memref<32000000xf32, #tpu.memory_space<hbm>> -> memref<2000xf32, #tpu.memory_space<hbm>>
      %dma_start3A_139 = tpu.memref_slice %arg3[%sub3A_30] : memref<32000000xf32, #tpu.memory_space<hbm>> -> memref<2000xf32, #tpu.memory_space<hbm>>
      tpu.enqueue_dma source(%dma_start3A_139 : memref<2000xf32, #tpu.memory_space<hbm>>) target(%arg9 : memref<2000xf32, #tpu.memory_space<vmem>>) target_semaphore(%run_scoped3A : memref<!tpu.dma_semaphore, #tpu.memory_space<semaphore_mem>>)
      %dma_wait3A = tpu.memref_slice %arg3[%sub3A_30] : memref<32000000xf32, #tpu.memory_space<hbm>> -> memref<2000xf32, #tpu.memory_space<hbm>>
      %dma_wait3A_140 = tpu.memref_slice %arg3[%sub3A_30] : memref<32000000xf32, #tpu.memory_space<hbm>> -> memref<2000xf32, #tpu.memory_space<hbm>>
      tpu.wait_dma2 semaphore(%run_scoped3A : memref<!tpu.dma_semaphore, #tpu.memory_space<semaphore_mem>>) src(%dma_wait3A_140 : memref<2000xf32, #tpu.memory_space<hbm>>) dst(%arg9 : memref<2000xf32, #tpu.memory_space<vmem>>)
      tpu.yield
    }) : () -> ()
    %broadcast_in_dim3A_31 = arith.constant -3.000000e+38 : f32
    %broadcast_in_dim3A_32 = vector.broadcast %broadcast_in_dim3A_31 : f32 to vector<16xf32>
    %scan3A_33 = arith.constant 0 : i32
    %scan3A_34 = arith.constant 125 : i32
    %scan3A_35 = arith.addi %scan3A_33, %scan3A_34 : i32
    %scan3A_36 = arith.constant 25 : i32
    %scan3A_37 = scf.for %scan3A_138 = %scan3A_33 to %scan3A_35 step %scan3A_36 iter_args(%scan3A_139 = %broadcast_in_dim3A_32) -> (vector<16xf32>)  : i32 {
      %mul3A_140 = arith.constant 16 : i32
      %mul3A_141 = arith.muli %scan3A_138, %mul3A_140 : i32
      %get3A_142 = arith.index_cast %mul3A_141 : i32 to index
      %get3A_143 = tpu.vector_load %arg9[%get3A_142] {strides = array<i32>} : memref<2000xf32, #tpu.memory_space<vmem>>, vector<16xf32>,
      %mul3A_144 = arith.constant 16 : i32
      %mul3A_145 = arith.muli %scan3A_138, %mul3A_144 : i32
      %add3A_146 = vector.broadcast %mul3A_145 : i32 to vector<16xi32>
      %add3A_147 = arith.addi %add3A_146, %iota3A : vector<16xi32>
      %eq3A_148 = arith.constant 1999 : i32
      %eq3A_149 = vector.broadcast %eq3A_148 : i32 to vector<16xi32>
      %eq3A_150 = arith.cmpi eq, %add3A_147, %eq3A_149 : vector<16xi32>
      %jit3A_151 = arith.constant -3.000000e+38 : f32
      %broadcast_in_dim3A_152 = vector.broadcast %jit3A_151 : f32 to vector<16xf32>
      %select_n3A_153 = arith.select %eq3A_150, %broadcast_in_dim3A_152, %get3A_143 : vector<16xi1>, vector<16xf32>
      %max3A = arith.maximumf %scan3A_139, %select_n3A_153 : vector<16xf32>
      %scan3A_154 = arith.constant 1 : i32
      %scan3A_155 = arith.addi %scan3A_138, %scan3A_154 : i32
      %mul3A_156 = arith.constant 16 : i32
      %mul3A_157 = arith.muli %scan3A_155, %mul3A_156 : i32
      %get3A_158 = arith.index_cast %mul3A_157 : i32 to index
      %get3A_159 = tpu.vector_load %arg9[%get3A_158] {strides = array<i32>} : memref<2000xf32, #tpu.memory_space<vmem>>, vector<16xf32>,
      %mul3A_160 = arith.constant 16 : i32
      %mul3A_161 = arith.muli %scan3A_155, %mul3A_160 : i32
      %add3A_162 = vector.broadcast %mul3A_161 : i32 to vector<16xi32>
      %add3A_163 = arith.addi %add3A_162, %iota3A : vector<16xi32>
      %eq3A_164 = arith.constant 1999 : i32
      %eq3A_165 = vector.broadcast %eq3A_164 : i32 to vector<16xi32>
      %eq3A_166 = arith.cmpi eq, %add3A_163, %eq3A_165 : vector<16xi32>
      %jit3A_167 = arith.constant -3.000000e+38 : f32
      %broadcast_in_dim3A_168 = vector.broadcast %jit3A_167 : f32 to vector<16xf32>
      %select_n3A_169 = arith.select %eq3A_166, %broadcast_in_dim3A_168, %get3A_159 : vector<16xi1>, vector<16xf32>
      %max3A_170 = arith.maximumf %max3A, %select_n3A_169 : vector<16xf32>
      %scan3A_171 = arith.constant 2 : i32
      %scan3A_172 = arith.addi %scan3A_138, %scan3A_171 : i32
      %mul3A_173 = arith.constant 16 : i32
      %mul3A_174 = arith.muli %scan3A_172, %mul3A_173 : i32
      %get3A_175 = arith.index_cast %mul3A_174 : i32 to index
      %get3A_176 = tpu.vector_load %arg9[%get3A_175] {strides = array<i32>} : memref<2000xf32, #tpu.memory_space<vmem>>, vector<16xf32>,
      %mul3A_177 = arith.constant 16 : i32
      %mul3A_178 = arith.muli %scan3A_172, %mul3A_177 : i32
      %add3A_179 = vector.broadcast %mul3A_178 : i32 to vector<16xi32>
      %add3A_180 = arith.addi %add3A_179, %iota3A : vector<16xi32>
      %eq3A_181 = arith.constant 1999 : i32
      %eq3A_182 = vector.broadcast %eq3A_181 : i32 to vector<16xi32>
      %eq3A_183 = arith.cmpi eq, %add3A_180, %eq3A_182 : vector<16xi32>
      %jit3A_184 = arith.constant -3.000000e+38 : f32
      %broadcast_in_dim3A_185 = vector.broadcast %jit3A_184 : f32 to vector<16xf32>
      %select_n3A_186 = arith.select %eq3A_183, %broadcast_in_dim3A_185, %get3A_176 : vector<16xi1>, vector<16xf32>
      %max3A_187 = arith.maximumf %max3A_170, %select_n3A_186 : vector<16xf32>
      %scan3A_188 = arith.constant 3 : i32
      %scan3A_189 = arith.addi %scan3A_138, %scan3A_188 : i32
      %mul3A_190 = arith.constant 16 : i32
      %mul3A_191 = arith.muli %scan3A_189, %mul3A_190 : i32
      %get3A_192 = arith.index_cast %mul3A_191 : i32 to index
      %get3A_193 = tpu.vector_load %arg9[%get3A_192] {strides = array<i32>} : memref<2000xf32, #tpu.memory_space<vmem>>, vector<16xf32>,
      %mul3A_194 = arith.constant 16 : i32
      %mul3A_195 = arith.muli %scan3A_189, %mul3A_194 : i32
      %add3A_196 = vector.broadcast %mul3A_195 : i32 to vector<16xi32>
      %add3A_197 = arith.addi %add3A_196, %iota3A : vector<16xi32>
      %eq3A_198 = arith.constant 1999 : i32
      %eq3A_199 = vector.broadcast %eq3A_198 : i32 to vector<16xi32>
      %eq3A_200 = arith.cmpi eq, %add3A_197, %eq3A_199 : vector<16xi32>
      %jit3A_201 = arith.constant -3.000000e+38 : f32
      %broadcast_in_dim3A_202 = vector.broadcast %jit3A_201 : f32 to vector<16xf32>
      %select_n3A_203 = arith.select %eq3A_200, %broadcast_in_dim3A_202, %get3A_193 : vector<16xi1>, vector<16xf32>
      %max3A_204 = arith.maximumf %max3A_187, %select_n3A_203 : vector<16xf32>
      %scan3A_205 = arith.constant 4 : i32
      %scan3A_206 = arith.addi %scan3A_138, %scan3A_205 : i32
      %mul3A_207 = arith.constant 16 : i32
      %mul3A_208 = arith.muli %scan3A_206, %mul3A_207 : i32
      %get3A_209 = arith.index_cast %mul3A_208 : i32 to index
      %get3A_210 = tpu.vector_load %arg9[%get3A_209] {strides = array<i32>} : memref<2000xf32, #tpu.memory_space<vmem>>, vector<16xf32>,
      %mul3A_211 = arith.constant 16 : i32
      %mul3A_212 = arith.muli %scan3A_206, %mul3A_211 : i32
      %add3A_213 = vector.broadcast %mul3A_212 : i32 to vector<16xi32>
      %add3A_214 = arith.addi %add3A_213, %iota3A : vector<16xi32>
      %eq3A_215 = arith.constant 1999 : i32
      %eq3A_216 = vector.broadcast %eq3A_215 : i32 to vector<16xi32>
      %eq3A_217 = arith.cmpi eq, %add3A_214, %eq3A_216 : vector<16xi32>
      %jit3A_218 = arith.constant -3.000000e+38 : f32
      %broadcast_in_dim3A_219 = vector.broadcast %jit3A_218 : f32 to vector<16xf32>
      %select_n3A_220 = arith.select %eq3A_217, %broadcast_in_dim3A_219, %get3A_210 : vector<16xi1>, vector<16xf32>
      %max3A_221 = arith.maximumf %max3A_204, %select_n3A_220 : vector<16xf32>
      %scan3A_222 = arith.constant 5 : i32
      %scan3A_223 = arith.addi %scan3A_138, %scan3A_222 : i32
      %mul3A_224 = arith.constant 16 : i32
      %mul3A_225 = arith.muli %scan3A_223, %mul3A_224 : i32
      %get3A_226 = arith.index_cast %mul3A_225 : i32 to index
      %get3A_227 = tpu.vector_load %arg9[%get3A_226] {strides = array<i32>} : memref<2000xf32, #tpu.memory_space<vmem>>, vector<16xf32>,
      %mul3A_228 = arith.constant 16 : i32
      %mul3A_229 = arith.muli %scan3A_223, %mul3A_228 : i32
      %add3A_230 = vector.broadcast %mul3A_229 : i32 to vector<16xi32>
      %add3A_231 = arith.addi %add3A_230, %iota3A : vector<16xi32>
      %eq3A_232 = arith.constant 1999 : i32
      %eq3A_233 = vector.broadcast %eq3A_232 : i32 to vector<16xi32>
      %eq3A_234 = arith.cmpi eq, %add3A_231, %eq3A_233 : vector<16xi32>
      %jit3A_235 = arith.constant -3.000000e+38 : f32
      %broadcast_in_dim3A_236 = vector.broadcast %jit3A_235 : f32 to vector<16xf32>
      %select_n3A_237 = arith.select %eq3A_234, %broadcast_in_dim3A_236, %get3A_227 : vector<16xi1>, vector<16xf32>
      %max3A_238 = arith.maximumf %max3A_221, %select_n3A_237 : vector<16xf32>
      %scan3A_239 = arith.constant 6 : i32
      %scan3A_240 = arith.addi %scan3A_138, %scan3A_239 : i32
      %mul3A_241 = arith.constant 16 : i32
      %mul3A_242 = arith.muli %scan3A_240, %mul3A_241 : i32
      %get3A_243 = arith.index_cast %mul3A_242 : i32 to index
      %get3A_244 = tpu.vector_load %arg9[%get3A_243] {strides = array<i32>} : memref<2000xf32, #tpu.memory_space<vmem>>, vector<16xf32>,
      %mul3A_245 = arith.constant 16 : i32
      %mul3A_246 = arith.muli %scan3A_240, %mul3A_245 : i32
      %add3A_247 = vector.broadcast %mul3A_246 : i32 to vector<16xi32>
      %add3A_248 = arith.addi %add3A_247, %iota3A : vector<16xi32>
      %eq3A_249 = arith.constant 1999 : i32
      %eq3A_250 = vector.broadcast %eq3A_249 : i32 to vector<16xi32>
      %eq3A_251 = arith.cmpi eq, %add3A_248, %eq3A_250 : vector<16xi32>
      %jit3A_252 = arith.constant -3.000000e+38 : f32
      %broadcast_in_dim3A_253 = vector.broadcast %jit3A_252 : f32 to vector<16xf32>
      %select_n3A_254 = arith.select %eq3A_251, %broadcast_in_dim3A_253, %get3A_244 : vector<16xi1>, vector<16xf32>
      %max3A_255 = arith.maximumf %max3A_238, %select_n3A_254 : vector<16xf32>
      %scan3A_256 = arith.constant 7 : i32
      %scan3A_257 = arith.addi %scan3A_138, %scan3A_256 : i32
      %mul3A_258 = arith.constant 16 : i32
      %mul3A_259 = arith.muli %scan3A_257, %mul3A_258 : i32
      %get3A_260 = arith.index_cast %mul3A_259 : i32 to index
      %get3A_261 = tpu.vector_load %arg9[%get3A_260] {strides = array<i32>} : memref<2000xf32, #tpu.memory_space<vmem>>, vector<16xf32>,
      %mul3A_262 = arith.constant 16 : i32
      %mul3A_263 = arith.muli %scan3A_257, %mul3A_262 : i32
      %add3A_264 = vector.broadcast %mul3A_263 : i32 to vector<16xi32>
      %add3A_265 = arith.addi %add3A_264, %iota3A : vector<16xi32>
      %eq3A_266 = arith.constant 1999 : i32
      %eq3A_267 = vector.broadcast %eq3A_266 : i32 to vector<16xi32>
      %eq3A_268 = arith.cmpi eq, %add3A_265, %eq3A_267 : vector<16xi32>
      %jit3A_269 = arith.constant -3.000000e+38 : f32
      %broadcast_in_dim3A_270 = vector.broadcast %jit3A_269 : f32 to vector<16xf32>
      %select_n3A_271 = arith.select %eq3A_268, %broadcast_in_dim3A_270, %get3A_261 : vector<16xi1>, vector<16xf32>
      %max3A_272 = arith.maximumf %max3A_255, %select_n3A_271 : vector<16xf32>
      %scan3A_273 = arith.constant 8 : i32
      %scan3A_274 = arith.addi %scan3A_138, %scan3A_273 : i32
      %mul3A_275 = arith.constant 16 : i32
      %mul3A_276 = arith.muli %scan3A_274, %mul3A_275 : i32
      %get3A_277 = arith.index_cast %mul3A_276 : i32 to index
      %get3A_278 = tpu.vector_load %arg9[%get3A_277] {strides = array<i32>} : memref<2000xf32, #tpu.memory_space<vmem>>, vector<16xf32>,
      %mul3A_279 = arith.constant 16 : i32
      %mul3A_280 = arith.muli %scan3A_274, %mul3A_279 : i32
      %add3A_281 = vector.broadcast %mul3A_280 : i32 to vector<16xi32>
      %add3A_282 = arith.addi %add3A_281, %iota3A : vector<16xi32>
      %eq3A_283 = arith.constant 1999 : i32
      %eq3A_284 = vector.broadcast %eq3A_283 : i32 to vector<16xi32>
      %eq3A_285 = arith.cmpi eq, %add3A_282, %eq3A_284 : vector<16xi32>
      %jit3A_286 = arith.constant -3.000000e+38 : f32
      %broadcast_in_dim3A_287 = vector.broadcast %jit3A_286 : f32 to vector<16xf32>
      %select_n3A_288 = arith.select %eq3A_285, %broadcast_in_dim3A_287, %get3A_278 : vector<16xi1>, vector<16xf32>
      %max3A_289 = arith.maximumf %max3A_272, %select_n3A_288 : vector<16xf32>
      %scan3A_290 = arith.constant 9 : i32
      %scan3A_291 = arith.addi %scan3A_138, %scan3A_290 : i32
      %mul3A_292 = arith.constant 16 : i32
      %mul3A_293 = arith.muli %scan3A_291, %mul3A_292 : i32
      %get3A_294 = arith.index_cast %mul3A_293 : i32 to index
      %get3A_295 = tpu.vector_load %arg9[%get3A_294] {strides = array<i32>} : memref<2000xf32, #tpu.memory_space<vmem>>, vector<16xf32>,
      %mul3A_296 = arith.constant 16 : i32
      %mul3A_297 = arith.muli %scan3A_291, %mul3A_296 : i32
      %add3A_298 = vector.broadcast %mul3A_297 : i32 to vector<16xi32>
      %add3A_299 = arith.addi %add3A_298, %iota3A : vector<16xi32>
      %eq3A_300 = arith.constant 1999 : i32
      %eq3A_301 = vector.broadcast %eq3A_300 : i32 to vector<16xi32>
      %eq3A_302 = arith.cmpi eq, %add3A_299, %eq3A_301 : vector<16xi32>
      %jit3A_303 = arith.constant -3.000000e+38 : f32
      %broadcast_in_dim3A_304 = vector.broadcast %jit3A_303 : f32 to vector<16xf32>
      %select_n3A_305 = arith.select %eq3A_302, %broadcast_in_dim3A_304, %get3A_295 : vector<16xi1>, vector<16xf32>
      %max3A_306 = arith.maximumf %max3A_289, %select_n3A_305 : vector<16xf32>
      %scan3A_307 = arith.constant 10 : i32
      %scan3A_308 = arith.addi %scan3A_138, %scan3A_307 : i32
      %mul3A_309 = arith.constant 16 : i32
      %mul3A_310 = arith.muli %scan3A_308, %mul3A_309 : i32
      %get3A_311 = arith.index_cast %mul3A_310 : i32 to index
      %get3A_312 = tpu.vector_load %arg9[%get3A_311] {strides = array<i32>} : memref<2000xf32, #tpu.memory_space<vmem>>, vector<16xf32>,
      %mul3A_313 = arith.constant 16 : i32
      %mul3A_314 = arith.muli %scan3A_308, %mul3A_313 : i32
      %add3A_315 = vector.broadcast %mul3A_314 : i32 to vector<16xi32>
      %add3A_316 = arith.addi %add3A_315, %iota3A : vector<16xi32>
      %eq3A_317 = arith.constant 1999 : i32
      %eq3A_318 = vector.broadcast %eq3A_317 : i32 to vector<16xi32>
      %eq3A_319 = arith.cmpi eq, %add3A_316, %eq3A_318 : vector<16xi32>
      %jit3A_320 = arith.constant -3.000000e+38 : f32
      %broadcast_in_dim3A_321 = vector.broadcast %jit3A_320 : f32 to vector<16xf32>
      %select_n3A_322 = arith.select %eq3A_319, %broadcast_in_dim3A_321, %get3A_312 : vector<16xi1>, vector<16xf32>
      %max3A_323 = arith.maximumf %max3A_306, %select_n3A_322 : vector<16xf32>
      %scan3A_324 = arith.constant 11 : i32
      %scan3A_325 = arith.addi %scan3A_138, %scan3A_324 : i32
      %mul3A_326 = arith.constant 16 : i32
      %mul3A_327 = arith.muli %scan3A_325, %mul3A_326 : i32
      %get3A_328 = arith.index_cast %mul3A_327 : i32 to index
      %get3A_329 = tpu.vector_load %arg9[%get3A_328] {strides = array<i32>} : memref<2000xf32, #tpu.memory_space<vmem>>, vector<16xf32>,
      %mul3A_330 = arith.constant 16 : i32
      %mul3A_331 = arith.muli %scan3A_325, %mul3A_330 : i32
      %add3A_332 = vector.broadcast %mul3A_331 : i32 to vector<16xi32>
      %add3A_333 = arith.addi %add3A_332, %iota3A : vector<16xi32>
      %eq3A_334 = arith.constant 1999 : i32
      %eq3A_335 = vector.broadcast %eq3A_334 : i32 to vector<16xi32>
      %eq3A_336 = arith.cmpi eq, %add3A_333, %eq3A_335 : vector<16xi32>
      %jit3A_337 = arith.constant -3.000000e+38 : f32
      %broadcast_in_dim3A_338 = vector.broadcast %jit3A_337 : f32 to vector<16xf32>
      %select_n3A_339 = arith.select %eq3A_336, %broadcast_in_dim3A_338, %get3A_329 : vector<16xi1>, vector<16xf32>
      %max3A_340 = arith.maximumf %max3A_323, %select_n3A_339 : vector<16xf32>
      %scan3A_341 = arith.constant 12 : i32
      %scan3A_342 = arith.addi %scan3A_138, %scan3A_341 : i32
      %mul3A_343 = arith.constant 16 : i32
      %mul3A_344 = arith.muli %scan3A_342, %mul3A_343 : i32
      %get3A_345 = arith.index_cast %mul3A_344 : i32 to index
      %get3A_346 = tpu.vector_load %arg9[%get3A_345] {strides = array<i32>} : memref<2000xf32, #tpu.memory_space<vmem>>, vector<16xf32>,
      %mul3A_347 = arith.constant 16 : i32
      %mul3A_348 = arith.muli %scan3A_342, %mul3A_347 : i32
      %add3A_349 = vector.broadcast %mul3A_348 : i32 to vector<16xi32>
      %add3A_350 = arith.addi %add3A_349, %iota3A : vector<16xi32>
      %eq3A_351 = arith.constant 1999 : i32
      %eq3A_352 = vector.broadcast %eq3A_351 : i32 to vector<16xi32>
      %eq3A_353 = arith.cmpi eq, %add3A_350, %eq3A_352 : vector<16xi32>
      %jit3A_354 = arith.constant -3.000000e+38 : f32
      %broadcast_in_dim3A_355 = vector.broadcast %jit3A_354 : f32 to vector<16xf32>
      %select_n3A_356 = arith.select %eq3A_353, %broadcast_in_dim3A_355, %get3A_346 : vector<16xi1>, vector<16xf32>
      %max3A_357 = arith.maximumf %max3A_340, %select_n3A_356 : vector<16xf32>
      %scan3A_358 = arith.constant 13 : i32
      %scan3A_359 = arith.addi %scan3A_138, %scan3A_358 : i32
      %mul3A_360 = arith.constant 16 : i32
      %mul3A_361 = arith.muli %scan3A_359, %mul3A_360 : i32
      %get3A_362 = arith.index_cast %mul3A_361 : i32 to index
      %get3A_363 = tpu.vector_load %arg9[%get3A_362] {strides = array<i32>} : memref<2000xf32, #tpu.memory_space<vmem>>, vector<16xf32>,
      %mul3A_364 = arith.constant 16 : i32
      %mul3A_365 = arith.muli %scan3A_359, %mul3A_364 : i32
      %add3A_366 = vector.broadcast %mul3A_365 : i32 to vector<16xi32>
      %add3A_367 = arith.addi %add3A_366, %iota3A : vector<16xi32>
      %eq3A_368 = arith.constant 1999 : i32
      %eq3A_369 = vector.broadcast %eq3A_368 : i32 to vector<16xi32>
      %eq3A_370 = arith.cmpi eq, %add3A_367, %eq3A_369 : vector<16xi32>
      %jit3A_371 = arith.constant -3.000000e+38 : f32
      %broadcast_in_dim3A_372 = vector.broadcast %jit3A_371 : f32 to vector<16xf32>
      %select_n3A_373 = arith.select %eq3A_370, %broadcast_in_dim3A_372, %get3A_363 : vector<16xi1>, vector<16xf32>
      %max3A_374 = arith.maximumf %max3A_357, %select_n3A_373 : vector<16xf32>
      %scan3A_375 = arith.constant 14 : i32
      %scan3A_376 = arith.addi %scan3A_138, %scan3A_375 : i32
      %mul3A_377 = arith.constant 16 : i32
      %mul3A_378 = arith.muli %scan3A_376, %mul3A_377 : i32
      %get3A_379 = arith.index_cast %mul3A_378 : i32 to index
      %get3A_380 = tpu.vector_load %arg9[%get3A_379] {strides = array<i32>} : memref<2000xf32, #tpu.memory_space<vmem>>, vector<16xf32>,
      %mul3A_381 = arith.constant 16 : i32
      %mul3A_382 = arith.muli %scan3A_376, %mul3A_381 : i32
      %add3A_383 = vector.broadcast %mul3A_382 : i32 to vector<16xi32>
      %add3A_384 = arith.addi %add3A_383, %iota3A : vector<16xi32>
      %eq3A_385 = arith.constant 1999 : i32
      %eq3A_386 = vector.broadcast %eq3A_385 : i32 to vector<16xi32>
      %eq3A_387 = arith.cmpi eq, %add3A_384, %eq3A_386 : vector<16xi32>
      %jit3A_388 = arith.constant -3.000000e+38 : f32
      %broadcast_in_dim3A_389 = vector.broadcast %jit3A_388 : f32 to vector<16xf32>
      %select_n3A_390 = arith.select %eq3A_387, %broadcast_in_dim3A_389, %get3A_380 : vector<16xi1>, vector<16xf32>
      %max3A_391 = arith.maximumf %max3A_374, %select_n3A_390 : vector<16xf32>
      %scan3A_392 = arith.constant 15 : i32
      %scan3A_393 = arith.addi %scan3A_138, %scan3A_392 : i32
      %mul3A_394 = arith.constant 16 : i32
      %mul3A_395 = arith.muli %scan3A_393, %mul3A_394 : i32
      %get3A_396 = arith.index_cast %mul3A_395 : i32 to index
      %get3A_397 = tpu.vector_load %arg9[%get3A_396] {strides = array<i32>} : memref<2000xf32, #tpu.memory_space<vmem>>, vector<16xf32>,
      %mul3A_398 = arith.constant 16 : i32
      %mul3A_399 = arith.muli %scan3A_393, %mul3A_398 : i32
      %add3A_400 = vector.broadcast %mul3A_399 : i32 to vector<16xi32>
      %add3A_401 = arith.addi %add3A_400, %iota3A : vector<16xi32>
      %eq3A_402 = arith.constant 1999 : i32
      %eq3A_403 = vector.broadcast %eq3A_402 : i32 to vector<16xi32>
      %eq3A_404 = arith.cmpi eq, %add3A_401, %eq3A_403 : vector<16xi32>
      %jit3A_405 = arith.constant -3.000000e+38 : f32
      %broadcast_in_dim3A_406 = vector.broadcast %jit3A_405 : f32 to vector<16xf32>
      %select_n3A_407 = arith.select %eq3A_404, %broadcast_in_dim3A_406, %get3A_397 : vector<16xi1>, vector<16xf32>
      %max3A_408 = arith.maximumf %max3A_391, %select_n3A_407 : vector<16xf32>
      %scan3A_409 = arith.constant 16 : i32
      %scan3A_410 = arith.addi %scan3A_138, %scan3A_409 : i32
      %mul3A_411 = arith.constant 16 : i32
      %mul3A_412 = arith.muli %scan3A_410, %mul3A_411 : i32
      %get3A_413 = arith.index_cast %mul3A_412 : i32 to index
      %get3A_414 = tpu.vector_load %arg9[%get3A_413] {strides = array<i32>} : memref<2000xf32, #tpu.memory_space<vmem>>, vector<16xf32>,
      %mul3A_415 = arith.constant 16 : i32
      %mul3A_416 = arith.muli %scan3A_410, %mul3A_415 : i32
      %add3A_417 = vector.broadcast %mul3A_416 : i32 to vector<16xi32>
      %add3A_418 = arith.addi %add3A_417, %iota3A : vector<16xi32>
      %eq3A_419 = arith.constant 1999 : i32
      %eq3A_420 = vector.broadcast %eq3A_419 : i32 to vector<16xi32>
      %eq3A_421 = arith.cmpi eq, %add3A_418, %eq3A_420 : vector<16xi32>
      %jit3A_422 = arith.constant -3.000000e+38 : f32
      %broadcast_in_dim3A_423 = vector.broadcast %jit3A_422 : f32 to vector<16xf32>
      %select_n3A_424 = arith.select %eq3A_421, %broadcast_in_dim3A_423, %get3A_414 : vector<16xi1>, vector<16xf32>
      %max3A_425 = arith.maximumf %max3A_408, %select_n3A_424 : vector<16xf32>
      %scan3A_426 = arith.constant 17 : i32
      %scan3A_427 = arith.addi %scan3A_138, %scan3A_426 : i32
      %mul3A_428 = arith.constant 16 : i32
      %mul3A_429 = arith.muli %scan3A_427, %mul3A_428 : i32
      %get3A_430 = arith.index_cast %mul3A_429 : i32 to index
      %get3A_431 = tpu.vector_load %arg9[%get3A_430] {strides = array<i32>} : memref<2000xf32, #tpu.memory_space<vmem>>, vector<16xf32>,
      %mul3A_432 = arith.constant 16 : i32
      %mul3A_433 = arith.muli %scan3A_427, %mul3A_432 : i32
      %add3A_434 = vector.broadcast %mul3A_433 : i32 to vector<16xi32>
      %add3A_435 = arith.addi %add3A_434, %iota3A : vector<16xi32>
      %eq3A_436 = arith.constant 1999 : i32
      %eq3A_437 = vector.broadcast %eq3A_436 : i32 to vector<16xi32>
      %eq3A_438 = arith.cmpi eq, %add3A_435, %eq3A_437 : vector<16xi32>
      %jit3A_439 = arith.constant -3.000000e+38 : f32
      %broadcast_in_dim3A_440 = vector.broadcast %jit3A_439 : f32 to vector<16xf32>
      %select_n3A_441 = arith.select %eq3A_438, %broadcast_in_dim3A_440, %get3A_431 : vector<16xi1>, vector<16xf32>
      %max3A_442 = arith.maximumf %max3A_425, %select_n3A_441 : vector<16xf32>
      %scan3A_443 = arith.constant 18 : i32
      %scan3A_444 = arith.addi %scan3A_138, %scan3A_443 : i32
      %mul3A_445 = arith.constant 16 : i32
      %mul3A_446 = arith.muli %scan3A_444, %mul3A_445 : i32
      %get3A_447 = arith.index_cast %mul3A_446 : i32 to index
      %get3A_448 = tpu.vector_load %arg9[%get3A_447] {strides = array<i32>} : memref<2000xf32, #tpu.memory_space<vmem>>, vector<16xf32>,
      %mul3A_449 = arith.constant 16 : i32
      %mul3A_450 = arith.muli %scan3A_444, %mul3A_449 : i32
      %add3A_451 = vector.broadcast %mul3A_450 : i32 to vector<16xi32>
      %add3A_452 = arith.addi %add3A_451, %iota3A : vector<16xi32>
      %eq3A_453 = arith.constant 1999 : i32
      %eq3A_454 = vector.broadcast %eq3A_453 : i32 to vector<16xi32>
      %eq3A_455 = arith.cmpi eq, %add3A_452, %eq3A_454 : vector<16xi32>
      %jit3A_456 = arith.constant -3.000000e+38 : f32
      %broadcast_in_dim3A_457 = vector.broadcast %jit3A_456 : f32 to vector<16xf32>
      %select_n3A_458 = arith.select %eq3A_455, %broadcast_in_dim3A_457, %get3A_448 : vector<16xi1>, vector<16xf32>
      %max3A_459 = arith.maximumf %max3A_442, %select_n3A_458 : vector<16xf32>
      %scan3A_460 = arith.constant 19 : i32
      %scan3A_461 = arith.addi %scan3A_138, %scan3A_460 : i32
      %mul3A_462 = arith.constant 16 : i32
      %mul3A_463 = arith.muli %scan3A_461, %mul3A_462 : i32
      %get3A_464 = arith.index_cast %mul3A_463 : i32 to index
      %get3A_465 = tpu.vector_load %arg9[%get3A_464] {strides = array<i32>} : memref<2000xf32, #tpu.memory_space<vmem>>, vector<16xf32>,
      %mul3A_466 = arith.constant 16 : i32
      %mul3A_467 = arith.muli %scan3A_461, %mul3A_466 : i32
      %add3A_468 = vector.broadcast %mul3A_467 : i32 to vector<16xi32>
      %add3A_469 = arith.addi %add3A_468, %iota3A : vector<16xi32>
      %eq3A_470 = arith.constant 1999 : i32
      %eq3A_471 = vector.broadcast %eq3A_470 : i32 to vector<16xi32>
      %eq3A_472 = arith.cmpi eq, %add3A_469, %eq3A_471 : vector<16xi32>
      %jit3A_473 = arith.constant -3.000000e+38 : f32
      %broadcast_in_dim3A_474 = vector.broadcast %jit3A_473 : f32 to vector<16xf32>
      %select_n3A_475 = arith.select %eq3A_472, %broadcast_in_dim3A_474, %get3A_465 : vector<16xi1>, vector<16xf32>
      %max3A_476 = arith.maximumf %max3A_459, %select_n3A_475 : vector<16xf32>
      %scan3A_477 = arith.constant 20 : i32
      %scan3A_478 = arith.addi %scan3A_138, %scan3A_477 : i32
      %mul3A_479 = arith.constant 16 : i32
      %mul3A_480 = arith.muli %scan3A_478, %mul3A_479 : i32
      %get3A_481 = arith.index_cast %mul3A_480 : i32 to index
      %get3A_482 = tpu.vector_load %arg9[%get3A_481] {strides = array<i32>} : memref<2000xf32, #tpu.memory_space<vmem>>, vector<16xf32>,
      %mul3A_483 = arith.constant 16 : i32
      %mul3A_484 = arith.muli %scan3A_478, %mul3A_483 : i32
      %add3A_485 = vector.broadcast %mul3A_484 : i32 to vector<16xi32>
      %add3A_486 = arith.addi %add3A_485, %iota3A : vector<16xi32>
      %eq3A_487 = arith.constant 1999 : i32
      %eq3A_488 = vector.broadcast %eq3A_487 : i32 to vector<16xi32>
      %eq3A_489 = arith.cmpi eq, %add3A_486, %eq3A_488 : vector<16xi32>
      %jit3A_490 = arith.constant -3.000000e+38 : f32
      %broadcast_in_dim3A_491 = vector.broadcast %jit3A_490 : f32 to vector<16xf32>
      %select_n3A_492 = arith.select %eq3A_489, %broadcast_in_dim3A_491, %get3A_482 : vector<16xi1>, vector<16xf32>
      %max3A_493 = arith.maximumf %max3A_476, %select_n3A_492 : vector<16xf32>
      %scan3A_494 = arith.constant 21 : i32
      %scan3A_495 = arith.addi %scan3A_138, %scan3A_494 : i32
      %mul3A_496 = arith.constant 16 : i32
      %mul3A_497 = arith.muli %scan3A_495, %mul3A_496 : i32
      %get3A_498 = arith.index_cast %mul3A_497 : i32 to index
      %get3A_499 = tpu.vector_load %arg9[%get3A_498] {strides = array<i32>} : memref<2000xf32, #tpu.memory_space<vmem>>, vector<16xf32>,
      %mul3A_500 = arith.constant 16 : i32
      %mul3A_501 = arith.muli %scan3A_495, %mul3A_500 : i32
      %add3A_502 = vector.broadcast %mul3A_501 : i32 to vector<16xi32>
      %add3A_503 = arith.addi %add3A_502, %iota3A : vector<16xi32>
      %eq3A_504 = arith.constant 1999 : i32
      %eq3A_505 = vector.broadcast %eq3A_504 : i32 to vector<16xi32>
      %eq3A_506 = arith.cmpi eq, %add3A_503, %eq3A_505 : vector<16xi32>
      %jit3A_507 = arith.constant -3.000000e+38 : f32
      %broadcast_in_dim3A_508 = vector.broadcast %jit3A_507 : f32 to vector<16xf32>
      %select_n3A_509 = arith.select %eq3A_506, %broadcast_in_dim3A_508, %get3A_499 : vector<16xi1>, vector<16xf32>
      %max3A_510 = arith.maximumf %max3A_493, %select_n3A_509 : vector<16xf32>
      %scan3A_511 = arith.constant 22 : i32
      %scan3A_512 = arith.addi %scan3A_138, %scan3A_511 : i32
      %mul3A_513 = arith.constant 16 : i32
      %mul3A_514 = arith.muli %scan3A_512, %mul3A_513 : i32
      %get3A_515 = arith.index_cast %mul3A_514 : i32 to index
      %get3A_516 = tpu.vector_load %arg9[%get3A_515] {strides = array<i32>} : memref<2000xf32, #tpu.memory_space<vmem>>, vector<16xf32>,
      %mul3A_517 = arith.constant 16 : i32
      %mul3A_518 = arith.muli %scan3A_512, %mul3A_517 : i32
      %add3A_519 = vector.broadcast %mul3A_518 : i32 to vector<16xi32>
      %add3A_520 = arith.addi %add3A_519, %iota3A : vector<16xi32>
      %eq3A_521 = arith.constant 1999 : i32
      %eq3A_522 = vector.broadcast %eq3A_521 : i32 to vector<16xi32>
      %eq3A_523 = arith.cmpi eq, %add3A_520, %eq3A_522 : vector<16xi32>
      %jit3A_524 = arith.constant -3.000000e+38 : f32
      %broadcast_in_dim3A_525 = vector.broadcast %jit3A_524 : f32 to vector<16xf32>
      %select_n3A_526 = arith.select %eq3A_523, %broadcast_in_dim3A_525, %get3A_516 : vector<16xi1>, vector<16xf32>
      %max3A_527 = arith.maximumf %max3A_510, %select_n3A_526 : vector<16xf32>
      %scan3A_528 = arith.constant 23 : i32
      %scan3A_529 = arith.addi %scan3A_138, %scan3A_528 : i32
      %mul3A_530 = arith.constant 16 : i32
      %mul3A_531 = arith.muli %scan3A_529, %mul3A_530 : i32
      %get3A_532 = arith.index_cast %mul3A_531 : i32 to index
      %get3A_533 = tpu.vector_load %arg9[%get3A_532] {strides = array<i32>} : memref<2000xf32, #tpu.memory_space<vmem>>, vector<16xf32>,
      %mul3A_534 = arith.constant 16 : i32
      %mul3A_535 = arith.muli %scan3A_529, %mul3A_534 : i32
      %add3A_536 = vector.broadcast %mul3A_535 : i32 to vector<16xi32>
      %add3A_537 = arith.addi %add3A_536, %iota3A : vector<16xi32>
      %eq3A_538 = arith.constant 1999 : i32
      %eq3A_539 = vector.broadcast %eq3A_538 : i32 to vector<16xi32>
      %eq3A_540 = arith.cmpi eq, %add3A_537, %eq3A_539 : vector<16xi32>
      %jit3A_541 = arith.constant -3.000000e+38 : f32
      %broadcast_in_dim3A_542 = vector.broadcast %jit3A_541 : f32 to vector<16xf32>
      %select_n3A_543 = arith.select %eq3A_540, %broadcast_in_dim3A_542, %get3A_533 : vector<16xi1>, vector<16xf32>
      %max3A_544 = arith.maximumf %max3A_527, %select_n3A_543 : vector<16xf32>
      %scan3A_545 = arith.constant 24 : i32
      %scan3A_546 = arith.addi %scan3A_138, %scan3A_545 : i32
      %mul3A_547 = arith.constant 16 : i32
      %mul3A_548 = arith.muli %scan3A_546, %mul3A_547 : i32
      %get3A_549 = arith.index_cast %mul3A_548 : i32 to index
      %get3A_550 = tpu.vector_load %arg9[%get3A_549] {strides = array<i32>} : memref<2000xf32, #tpu.memory_space<vmem>>, vector<16xf32>,
      %mul3A_551 = arith.constant 16 : i32
      %mul3A_552 = arith.muli %scan3A_546, %mul3A_551 : i32
      %add3A_553 = vector.broadcast %mul3A_552 : i32 to vector<16xi32>
      %add3A_554 = arith.addi %add3A_553, %iota3A : vector<16xi32>
      %eq3A_555 = arith.constant 1999 : i32
      %eq3A_556 = vector.broadcast %eq3A_555 : i32 to vector<16xi32>
      %eq3A_557 = arith.cmpi eq, %add3A_554, %eq3A_556 : vector<16xi32>
      %jit3A_558 = arith.constant -3.000000e+38 : f32
      %broadcast_in_dim3A_559 = vector.broadcast %jit3A_558 : f32 to vector<16xf32>
      %select_n3A_560 = arith.select %eq3A_557, %broadcast_in_dim3A_559, %get3A_550 : vector<16xi1>, vector<16xf32>
      %max3A_561 = arith.maximumf %max3A_544, %select_n3A_560 : vector<16xf32>
      scf.yield %max3A_561 : vector<16xf32>
    }
    %scan3A_38 = arith.constant 125 : i32
    %eq3A_39 = arith.constant 3 : i32
    %eq3A_40 = vector.broadcast %eq3A_39 : i32 to vector<16xi32>
    %eq3A_41 = arith.cmpi eq, %iota3A, %eq3A_40 : vector<16xi32>
    %reduce_max3A_42 = arith.constant true
    %reduce_max3A_43 = vector.broadcast %reduce_max3A_42 : i1 to vector<16xi1>
    %reduce_max3A_44 = tpu.scan <max>, %scan3A_37 masked %reduce_max3A_43 : vector<16xf32>, vector<16xi1> -> vector<16xf32>
    %reduce_max3A_45 = vector.extract %reduce_max3A_44[15] : f32 from vector<16xf32>
    %broadcast_in_dim3A_46 = vector.broadcast %reduce_max3A_45 : f32 to vector<16xf32>
    %select_n3A_47 = arith.select %eq3A_41, %broadcast_in_dim3A_46, %scan3A_24#4 : vector<16xi1>, vector<16xf32>
    %mul3A_48 = arith.constant 512 : i32
    %mul3A_49 = arith.muli %add3A, %mul3A_48 : i32
    %add3A_50 = arith.constant 496 : i32
    %add3A_51 = arith.addi %mul3A_49, %add3A_50 : i32
    %add3A_52 = vector.broadcast %add3A_51 : i32 to vector<16xi32>
    %add3A_53 = arith.addi %add3A_52, %iota3A : vector<16xi32>
    %lt3A = arith.constant 4 : i32
    %lt3A_54 = vector.broadcast %lt3A : i32 to vector<16xi32>
    %lt3A_55 = arith.cmpi slt, %iota3A, %lt3A_54 : vector<16xi32>
    %add3A_56 = vector.broadcast %reduce_max3A_7 : f32 to vector<16xf32>
    %add3A_57 = arith.addf %select_n3A_47, %add3A_56 : vector<16xf32>
    %jit3A_58 = arith.constant -3.000000e+38 : f32
    %broadcast_in_dim3A_59 = vector.broadcast %jit3A_58 : f32 to vector<16xf32>
    %select_n3A_60 = arith.select %lt3A_55, %add3A_57, %broadcast_in_dim3A_59 : vector<16xi1>, vector<16xf32>
    %lt3A_61 = arith.constant 4 : i32
    %lt3A_62 = vector.broadcast %lt3A_61 : i32 to vector<16xi32>
    %lt3A_63 = arith.cmpi slt, %iota3A, %lt3A_62 : vector<16xi32>
    %jit3A_64 = arith.constant 1073741824 : i32
    %broadcast_in_dim3A_65 = vector.broadcast %jit3A_64 : i32 to vector<16xi32>
    %select_n3A_66 = arith.select %lt3A_63, %add3A_53, %broadcast_in_dim3A_65 : vector<16xi1>, vector<16xi32>
    %masked_sort3A = arith.constant dense<true> : vector<16xi1>
    %masked_sort3A_67, %masked_sort3A_68, %masked_sort3A_69 = tpu.sort %select_n3A_60, %select_n3A_66 masked %masked_sort3A {descending = true} : (vector<16xf32>, vector<16xi32>, vector<16xi1>) -> (vector<16xi1>, vector<16xf32>, vector<16xi32>)
    %rev3A = arith.constant 15 : i32
    %rev3A_70 = vector.broadcast %rev3A : i32 to vector<16xi32>
    %rev3A_71 = tpu.iota {dimensions = array<i32: 0>} : vector<16xi32>
    %rev3A_72 = arith.subi %rev3A_70, %rev3A_71 : vector<16xi32>
    %rev3A_73 = tpu.dynamic_gather %masked_sort3A_68[%rev3A_72] in [0] : vector<16xf32>, vector<16xi32> -> vector<16xf32>
    %rev3A_74 = arith.constant 15 : i32
    %rev3A_75 = vector.broadcast %rev3A_74 : i32 to vector<16xi32>
    %rev3A_76 = tpu.iota {dimensions = array<i32: 0>} : vector<16xi32>
    %rev3A_77 = arith.subi %rev3A_75, %rev3A_76 : vector<16xi32>
    %rev3A_78 = tpu.dynamic_gather %masked_sort3A_69[%rev3A_77] in [0] : vector<16xi32>, vector<16xi32> -> vector<16xi32>
    %gt3A = arith.cmpf ogt, %scan3A_24#1, %rev3A_73 : vector<16xf32>
    %eq3A_79 = arith.cmpf oeq, %scan3A_24#1, %rev3A_73 : vector<16xf32>
    %le3A = arith.cmpi sle, %scan3A_24#3, %rev3A_78 : vector<16xi32>
    %and3A = arith.andi %eq3A_79, %le3A : vector<16xi1>
    %or3A = arith.ori %gt3A, %and3A : vector<16xi1>
    %select_n3A_80 = arith.select %or3A, %scan3A_24#1, %rev3A_73 : vector<16xi1>, vector<16xf32>
    %select_n3A_81 = arith.select %or3A, %scan3A_24#3, %rev3A_78 : vector<16xi1>, vector<16xi32>
    %masked_sort3A_82 = arith.constant dense<true> : vector<16xi1>
    %masked_sort3A_83, %masked_sort3A_84, %masked_sort3A_85 = tpu.sort %select_n3A_80, %select_n3A_81 masked %masked_sort3A_82 {descending = true} : (vector<16xf32>, vector<16xi32>, vector<16xi1>) -> (vector<16xi1>, vector<16xf32>, vector<16xi32>)
    %rev3A_86 = arith.constant 15 : i32
    %rev3A_87 = vector.broadcast %rev3A_86 : i32 to vector<16xi32>
    %rev3A_88 = tpu.iota {dimensions = array<i32: 0>} : vector<16xi32>
    %rev3A_89 = arith.subi %rev3A_87, %rev3A_88 : vector<16xi32>
    %rev3A_90 = tpu.dynamic_gather %masked_sort3A_84[%rev3A_89] in [0] : vector<16xf32>, vector<16xi32> -> vector<16xf32>
    %rev3A_91 = arith.constant 15 : i32
    %rev3A_92 = vector.broadcast %rev3A_91 : i32 to vector<16xi32>
    %rev3A_93 = tpu.iota {dimensions = array<i32: 0>} : vector<16xi32>
    %rev3A_94 = arith.subi %rev3A_92, %rev3A_93 : vector<16xi32>
    %rev3A_95 = tpu.dynamic_gather %masked_sort3A_85[%rev3A_94] in [0] : vector<16xi32>, vector<16xi32> -> vector<16xi32>
    %gt3A_96 = arith.cmpf ogt, %scan3A_24#0, %rev3A_90 : vector<16xf32>
    %eq3A_97 = arith.cmpf oeq, %scan3A_24#0, %rev3A_90 : vector<16xf32>
    %le3A_98 = arith.cmpi sle, %scan3A_24#2, %rev3A_95 : vector<16xi32>
    %and3A_99 = arith.andi %eq3A_97, %le3A_98 : vector<16xi1>
    %or3A_100 = arith.ori %gt3A_96, %and3A_99 : vector<16xi1>
    %select_n3A_101 = arith.select %or3A_100, %scan3A_24#0, %rev3A_90 : vector<16xi1>, vector<16xf32>
    %select_n3A_102 = arith.select %or3A_100, %scan3A_24#2, %rev3A_95 : vector<16xi1>, vector<16xi32>
    %select_n3A_103 = arith.select %or3A_100, %rev3A_90, %scan3A_24#0 : vector<16xi1>, vector<16xf32>
    %select_n3A_104 = arith.select %or3A_100, %rev3A_95, %scan3A_24#2 : vector<16xi1>, vector<16xi32>
    %masked_sort3A_105 = arith.constant dense<true> : vector<16xi1>
    %masked_sort3A_106, %masked_sort3A_107, %masked_sort3A_108 = tpu.sort %select_n3A_101, %select_n3A_102 masked %masked_sort3A_105 {descending = true} : (vector<16xf32>, vector<16xi32>, vector<16xi1>) -> (vector<16xi1>, vector<16xf32>, vector<16xi32>)
    %masked_sort3A_109 = arith.constant dense<true> : vector<16xi1>
    %masked_sort3A_110, %masked_sort3A_111, %masked_sort3A_112 = tpu.sort %select_n3A_103, %select_n3A_104 masked %masked_sort3A_109 {descending = true} : (vector<16xf32>, vector<16xi32>, vector<16xi1>) -> (vector<16xi1>, vector<16xf32>, vector<16xi32>)
    %slice3A = vector.extract_strided_slice %masked_sort3A_111 {offsets = [15], sizes = [1], strides = [1]} : vector<16xf32> to vector<1xf32>
    %squeeze3A = vector.extract %slice3A[0] : f32 from vector<1xf32>
    %broadcast_in_dim3A_113 = arith.constant -3.000000e+38 : f32
    %broadcast_in_dim3A_114 = vector.broadcast %broadcast_in_dim3A_113 : f32 to vector<16xf32>
    %broadcast_in_dim3A_115 = arith.constant -3.000000e+38 : f32
    %broadcast_in_dim3A_116 = vector.broadcast %broadcast_in_dim3A_115 : f32 to vector<16xf32>
    %broadcast_in_dim3A_117 = arith.constant 1073741824 : i32
    %broadcast_in_dim3A_118 = vector.broadcast %broadcast_in_dim3A_117 : i32 to vector<16xi32>
    %broadcast_in_dim3A_119 = arith.constant 1073741824 : i32
    %broadcast_in_dim3A_120 = vector.broadcast %broadcast_in_dim3A_119 : i32 to vector<16xi32>
    %scan3A_121 = arith.constant 0 : i32
    %scan3A_122 = arith.constant 32 : i32
    %scan3A_123 = arith.addi %scan3A_121, %scan3A_122 : i32
    %scan3A_124 = arith.constant 1 : i32
    %scan3A_125:4 = scf.for %scan3A_138 = %scan3A_121 to %scan3A_123 step %scan3A_124 iter_args(%scan3A_139 = %broadcast_in_dim3A_114, %scan3A_140 = %broadcast_in_dim3A_116, %scan3A_141 = %broadcast_in_dim3A_118, %scan3A_142 = %broadcast_in_dim3A_120) -> (vector<16xf32>, vector<16xf32>, vector<16xi32>, vector<16xi32>)  : i32 {
      %eq3A_143 = vector.broadcast %scan3A_138 : i32 to vector<16xi32>
      %eq3A_144 = arith.cmpi eq, %iota3A, %eq3A_143 : vector<16xi32>
      %jit3A_145 = arith.constant -1 : i32
      %broadcast_in_dim3A_146 = vector.broadcast %jit3A_145 : i32 to vector<16xi32>
      %select_n3A_147 = arith.select %eq3A_144, %masked_sort3A_108, %broadcast_in_dim3A_146 : vector<16xi1>, vector<16xi32>
      %reduce_max3A_148 = arith.constant true
      %reduce_max3A_149 = vector.broadcast %reduce_max3A_148 : i1 to vector<16xi1>
      %reduce_max3A_150 = arith.constant -2147483648 : i32
      %reduce_max3A_151 = vector.broadcast %reduce_max3A_150 : i32 to vector<16xi32>
      %reduce_max3A_152 = arith.xori %select_n3A_147, %reduce_max3A_151 : vector<16xi32>
      %reduce_max3A_153 = tpu.scan <max>, %reduce_max3A_152 masked %reduce_max3A_149 : vector<16xi32>, vector<16xi1> -> vector<16xi32>
      %reduce_max3A_154 = arith.xori %reduce_max3A_153, %reduce_max3A_151 : vector<16xi32>
      %reduce_max3A_155 = vector.extract %reduce_max3A_154[15] : i32 from vector<16xi32>
      %sub3A_156 = arith.constant 16 : i32
      %sub3A_157 = arith.subi %scan3A_138, %sub3A_156 : i32
      %eq3A_158 = vector.broadcast %sub3A_157 : i32 to vector<16xi32>
      %eq3A_159 = arith.cmpi eq, %iota3A, %eq3A_158 : vector<16xi32>
      %jit3A_160 = arith.constant -1 : i32
      %broadcast_in_dim3A_161 = vector.broadcast %jit3A_160 : i32 to vector<16xi32>
      %select_n3A_162 = arith.select %eq3A_159, %masked_sort3A_112, %broadcast_in_dim3A_161 : vector<16xi1>, vector<16xi32>
      %reduce_max3A_163 = arith.constant true
      %reduce_max3A_164 = vector.broadcast %reduce_max3A_163 : i1 to vector<16xi1>
      %reduce_max3A_165 = arith.constant -2147483648 : i32
      %reduce_max3A_166 = vector.broadcast %reduce_max3A_165 : i32 to vector<16xi32>
      %reduce_max3A_167 = arith.xori %select_n3A_162, %reduce_max3A_166 : vector<16xi32>
      %reduce_max3A_168 = tpu.scan <max>, %reduce_max3A_167 masked %reduce_max3A_164 : vector<16xi32>, vector<16xi1> -> vector<16xi32>
      %reduce_max3A_169 = arith.xori %reduce_max3A_168, %reduce_max3A_166 : vector<16xi32>
      %reduce_max3A_170 = vector.extract %reduce_max3A_169[15] : i32 from vector<16xi32>
      %max3A = arith.maxsi %reduce_max3A_155, %reduce_max3A_170 : i32
      %jit3A_171 = arith.constant 512 : i32
      %eq3A_172 = arith.constant 0 : i32
      %eq3A_173 = arith.cmpi eq, %jit3A_171, %eq3A_172 : i32
      %jit3A_174 = arith.constant 1 : i32
      %select_n3A_175 = arith.select %eq3A_173, %jit3A_174, %jit3A_171 : i32
      %rem3A = arith.remsi %max3A, %select_n3A_175 : i32
      %ne3A = arith.constant 0 : i32
      %ne3A_176 = arith.cmpi ne, %rem3A, %ne3A : i32
      %lt3A_177 = arith.constant 0 : i32
      %lt3A_178 = arith.cmpi slt, %rem3A, %lt3A_177 : i32
      %lt3A_179 = arith.constant 0 : i32
      %lt3A_180 = arith.cmpi slt, %select_n3A_175, %lt3A_179 : i32
      %ne3A_181 = arith.xori %lt3A_178, %lt3A_180 : i1
      %and3A_182 = arith.andi %ne3A_181, %ne3A_176 : i1
      %add3A_183 = arith.addi %rem3A, %select_n3A_175 : i32
      %select_n3A_184 = arith.select %and3A_182, %add3A_183, %rem3A : i32
      %mul3A_185 = arith.constant 2000 : i32
      %mul3A_186 = arith.muli %select_n3A_184, %mul3A_185 : i32
      %mul3A_187 = arith.constant 1000000 : i32
      %mul3A_188 = arith.muli %add3A, %mul3A_187 : i32
      %add3A_189 = arith.addi %mul3A_188, %mul3A_186 : i32
      "tpu.region"() ({
        %run_scoped3A = tpu.sem_alloc : memref<!tpu.dma_semaphore, #tpu.memory_space<semaphore_mem>>
        %dma_start3A_313 = tpu.memref_slice %arg3[%add3A_189] : memref<32000000xf32, #tpu.memory_space<hbm>> -> memref<2000xf32, #tpu.memory_space<hbm>>
        %dma_start3A_314 = tpu.memref_slice %arg3[%add3A_189] : memref<32000000xf32, #tpu.memory_space<hbm>> -> memref<2000xf32, #tpu.memory_space<hbm>>
        tpu.enqueue_dma source(%dma_start3A_314 : memref<2000xf32, #tpu.memory_space<hbm>>) target(%arg9 : memref<2000xf32, #tpu.memory_space<vmem>>) target_semaphore(%run_scoped3A : memref<!tpu.dma_semaphore, #tpu.memory_space<semaphore_mem>>)
        %dma_wait3A = tpu.memref_slice %arg3[%add3A_189] : memref<32000000xf32, #tpu.memory_space<hbm>> -> memref<2000xf32, #tpu.memory_space<hbm>>
        %dma_wait3A_315 = tpu.memref_slice %arg3[%add3A_189] : memref<32000000xf32, #tpu.memory_space<hbm>> -> memref<2000xf32, #tpu.memory_space<hbm>>
        tpu.wait_dma2 semaphore(%run_scoped3A : memref<!tpu.dma_semaphore, #tpu.memory_space<semaphore_mem>>) src(%dma_wait3A_315 : memref<2000xf32, #tpu.memory_space<hbm>>) dst(%arg9 : memref<2000xf32, #tpu.memory_space<vmem>>)
        tpu.yield
      }) : () -> ()
      %scan3A_190 = arith.constant 0 : i32
      %scan3A_191 = arith.constant 0 : i32
      %scan3A_192 = arith.constant 125 : i32
      %scan3A_193 = arith.addi %scan3A_191, %scan3A_192 : i32
      %scan3A_194 = arith.constant 1 : i32
      %scan3A_195 = scf.for %scan3A_313 = %scan3A_191 to %scan3A_193 step %scan3A_194 iter_args(%scan3A_314 = %scan3A_190) -> (i32)  : i32 {
        %mul3A_315 = arith.constant 16 : i32
        %mul3A_316 = arith.muli %scan3A_313, %mul3A_315 : i32
        %get3A_317 = arith.index_cast %mul3A_316 : i32 to index
        %get3A_318 = tpu.vector_load %arg9[%get3A_317] {strides = array<i32>} : memref<2000xf32, #tpu.memory_space<vmem>>, vector<16xf32>,
        %mul3A_319 = arith.constant 16 : i32
        %mul3A_320 = arith.muli %scan3A_313, %mul3A_319 : i32
        %add3A_321 = arith.addi %mul3A_186, %mul3A_320 : i32
        %add3A_322 = vector.broadcast %add3A_321 : i32 to vector<16xi32>
        %add3A_323 = arith.addi %add3A_322, %iota3A : vector<16xi32>
        %eq3A_324 = arith.constant 999999 : i32
        %eq3A_325 = vector.broadcast %eq3A_324 : i32 to vector<16xi32>
        %eq3A_326 = arith.cmpi eq, %add3A_323, %eq3A_325 : vector<16xi32>
        %add3A_327 = vector.broadcast %reduce_max3A_7 : f32 to vector<16xf32>
        %add3A_328 = arith.addf %get3A_318, %add3A_327 : vector<16xf32>
        %jit3A_329 = arith.constant -3.000000e+38 : f32
        %broadcast_in_dim3A_330 = vector.broadcast %jit3A_329 : f32 to vector<16xf32>
        %select_n3A_331 = arith.select %eq3A_326, %broadcast_in_dim3A_330, %add3A_328 : vector<16xi1>, vector<16xf32>
        %ge3A = vector.broadcast %squeeze3A : f32 to vector<16xf32>
        %ge3A_332 = arith.cmpf oge, %select_n3A_331, %ge3A : vector<16xf32>
        %mul3A_333 = arith.constant 1000000 : i32
        %mul3A_334 = arith.muli %add3A, %mul3A_333 : i32
        %add3A_335 = vector.broadcast %mul3A_334 : i32 to vector<16xi32>
        %add3A_336 = arith.addi %add3A_335, %add3A_323 : vector<16xi32>
        %jit3A_337 = arith.constant 1073741824 : i32
        %broadcast_in_dim3A_338 = vector.broadcast %jit3A_337 : i32 to vector<16xi32>
        %select_n3A_339 = arith.select %ge3A_332, %add3A_336, %broadcast_in_dim3A_338 : vector<16xi1>, vector<16xi32>
        %masked_sort3A_340 = arith.constant dense<true> : vector<16xi1>
        %masked_sort3A_341 = arith.constant -2147483648 : i32
        %masked_sort3A_342 = vector.broadcast %masked_sort3A_341 : i32 to vector<16xi32>
        %masked_sort3A_343 = arith.xori %select_n3A_339, %masked_sort3A_342 : vector<16xi32>
        %masked_sort3A_344, %masked_sort3A_345, %masked_sort3A_346 = tpu.sort %masked_sort3A_343, %select_n3A_331 masked %masked_sort3A_340 : (vector<16xi32>, vector<16xf32>, vector<16xi1>) -> (vector<16xi1>, vector<16xi32>, vector<16xf32>)
        %masked_sort3A_347 = arith.xori %masked_sort3A_345, %masked_sort3A_342 : vector<16xi32>
        %swap3A_348 = arith.index_cast %scan3A_314 : i32 to index
        %swap3A_349 = tpu.vector_load %arg11[%swap3A_348] {strides = array<i32>} : memref<2016xi32, #tpu.memory_space<vmem>>, vector<16xi32>,
        tpu.vector_store %arg11[%swap3A_348], %masked_sort3A_347 {strides = array<i32>} : memref<2016xi32, #tpu.memory_space<vmem>>, vector<16xi32>,
        %swap3A_350 = arith.index_cast %scan3A_314 : i32 to index
        %swap3A_351 = tpu.vector_load %arg10[%swap3A_350] {strides = array<i32>} : memref<2016xf32, #tpu.memory_space<vmem>>, vector<16xf32>,
        tpu.vector_store %arg10[%swap3A_350], %masked_sort3A_346 {strides = array<i32>} : memref<2016xf32, #tpu.memory_space<vmem>>, vector<16xf32>,
        %jit3A_352 = arith.constant 1 : i32
        %jit3A_353 = arith.constant 0 : i32
        %broadcast_in_dim3A_354 = vector.broadcast %jit3A_352 : i32 to vector<16xi32>
        %broadcast_in_dim3A_355 = vector.broadcast %jit3A_353 : i32 to vector<16xi32>
        %select_n3A_356 = arith.select %ge3A_332, %broadcast_in_dim3A_354, %broadcast_in_dim3A_355 : vector<16xi1>, vector<16xi32>
        %reduce_sum3A = arith.constant true
        %reduce_sum3A_357 = vector.broadcast %reduce_sum3A : i1 to vector<16xi1>
        %reduce_sum3A_358 = tpu.scan <sum>, %select_n3A_356 masked %reduce_sum3A_357 : vector<16xi32>, vector<16xi1> -> vector<16xi32>
        %reduce_sum3A_359 = vector.extract %reduce_sum3A_358[15] : i32 from vector<16xi32>
        %add3A_360 = arith.addi %scan3A_314, %reduce_sum3A_359 : i32
        %min3A = arith.constant 2000 : i32
        %min3A_361 = arith.minsi %add3A_360, %min3A : i32
        scf.yield %min3A_361 : i32
      }
      %scan3A_196 = arith.constant 125 : i32
      %jit3A_197 = arith.constant 16 : i32
      %div3A = arith.divsi %scan3A_195, %jit3A_197 : i32
      %sign3A = arith.constant 0 : i32
      %sign3A_198 = arith.cmpi sgt, %scan3A_195, %sign3A : i32
      %sign3A_199 = arith.extui %sign3A_198 : i1 to i32
      %sign3A_200 = arith.constant 0 : i32
      %sign3A_201 = arith.cmpi slt, %scan3A_195, %sign3A_200 : i32
      %sign3A_202 = arith.extui %sign3A_201 : i1 to i32
      %sign3A_203 = arith.subi %sign3A_199, %sign3A_202 : i32
      %sign3A_204 = arith.constant 0 : i32
      %sign3A_205 = arith.cmpi sgt, %jit3A_197, %sign3A_204 : i32
      %sign3A_206 = arith.extui %sign3A_205 : i1 to i32
      %sign3A_207 = arith.constant 0 : i32
      %sign3A_208 = arith.cmpi slt, %jit3A_197, %sign3A_207 : i32
      %sign3A_209 = arith.extui %sign3A_208 : i1 to i32
      %sign3A_210 = arith.subi %sign3A_206, %sign3A_209 : i32
      %ne3A_211 = arith.cmpi ne, %sign3A_203, %sign3A_210 : i32
      %rem3A_212 = arith.remsi %scan3A_195, %jit3A_197 : i32
      %ne3A_213 = arith.constant 0 : i32
      %ne3A_214 = arith.cmpi ne, %rem3A_212, %ne3A_213 : i32
      %and3A_215 = arith.andi %ne3A_211, %ne3A_214 : i1
      %sub3A_216 = arith.constant 1 : i32
      %sub3A_217 = arith.subi %div3A, %sub3A_216 : i32
      %select_n3A_218 = arith.select %and3A_215, %sub3A_217, %div3A : i32
      %jit3A_219 = arith.constant 16 : i32
      %eq3A_220 = arith.constant 0 : i32
      %eq3A_221 = arith.cmpi eq, %jit3A_219, %eq3A_220 : i32
      %jit3A_222 = arith.constant 1 : i32
      %select_n3A_223 = arith.select %eq3A_221, %jit3A_222, %jit3A_219 : i32
      %rem3A_224 = arith.remsi %scan3A_195, %select_n3A_223 : i32
      %ne3A_225 = arith.constant 0 : i32
      %ne3A_226 = arith.cmpi ne, %rem3A_224, %ne3A_225 : i32
      %lt3A_227 = arith.constant 0 : i32
      %lt3A_228 = arith.cmpi slt, %rem3A_224, %lt3A_227 : i32
      %lt3A_229 = arith.constant 0 : i32
      %lt3A_230 = arith.cmpi slt, %select_n3A_223, %lt3A_229 : i32
      %ne3A_231 = arith.xori %lt3A_228, %lt3A_230 : i1
      %and3A_232 = arith.andi %ne3A_231, %ne3A_226 : i1
      %add3A_233 = arith.addi %rem3A_224, %select_n3A_223 : i32
      %select_n3A_234 = arith.select %and3A_232, %add3A_233, %rem3A_224 : i32
      %while3A = arith.constant 0 : i32
      %while3A_235 = arith.subi %select_n3A_218, %while3A : i32
      %while3A_236 = arith.addi %while3A, %while3A_235 : i32
      %while3A_237 = arith.constant 1 : i32
      %while3A_238 = arith.divsi %while3A_235, %while3A_237 : i32
      %while3A_239 = arith.muli %while3A_238, %while3A_237 : i32
      %while3A_240 = arith.addi %while3A, %while3A_239 : i32
      %while3A_241 = arith.constant 1 : i32
      %while3A_242:4 = scf.for %while3A_313 = %while3A to %while3A_240 step %while3A_241 iter_args(%while3A_314 = %scan3A_139, %while3A_315 = %scan3A_140, %while3A_316 = %scan3A_141, %while3A_317 = %scan3A_142) -> (vector<16xf32>, vector<16xf32>, vector<16xi32>, vector<16xi32>)  : i32 {
        %mul3A_318 = arith.constant 16 : i32
        %mul3A_319 = arith.muli %while3A_313, %mul3A_318 : i32
        %get3A_320 = arith.index_cast %mul3A_319 : i32 to index
        %get3A_321 = tpu.vector_load %arg10[%get3A_320] {strides = array<i32>} : memref<2016xf32, #tpu.memory_space<vmem>>, vector<16xf32>,
        %mul3A_322 = arith.constant 16 : i32
        %mul3A_323 = arith.muli %while3A_313, %mul3A_322 : i32
        %get3A_324 = arith.index_cast %mul3A_323 : i32 to index
        %get3A_325 = tpu.vector_load %arg11[%get3A_324] {strides = array<i32>} : memref<2016xi32, #tpu.memory_space<vmem>>, vector<16xi32>,
        %masked_sort3A_326 = arith.constant dense<true> : vector<16xi1>
        %masked_sort3A_327, %masked_sort3A_328, %masked_sort3A_329 = tpu.sort %get3A_321, %get3A_325 masked %masked_sort3A_326 {descending = true} : (vector<16xf32>, vector<16xi32>, vector<16xi1>) -> (vector<16xi1>, vector<16xf32>, vector<16xi32>)
        %rev3A_330 = arith.constant 15 : i32
        %rev3A_331 = vector.broadcast %rev3A_330 : i32 to vector<16xi32>
        %rev3A_332 = tpu.iota {dimensions = array<i32: 0>} : vector<16xi32>
        %rev3A_333 = arith.subi %rev3A_331, %rev3A_332 : vector<16xi32>
        %rev3A_334 = tpu.dynamic_gather %masked_sort3A_328[%rev3A_333] in [0] : vector<16xf32>, vector<16xi32> -> vector<16xf32>
        %rev3A_335 = arith.constant 15 : i32
        %rev3A_336 = vector.broadcast %rev3A_335 : i32 to vector<16xi32>
        %rev3A_337 = tpu.iota {dimensions = array<i32: 0>} : vector<16xi32>
        %rev3A_338 = arith.subi %rev3A_336, %rev3A_337 : vector<16xi32>
        %rev3A_339 = tpu.dynamic_gather %masked_sort3A_329[%rev3A_338] in [0] : vector<16xi32>, vector<16xi32> -> vector<16xi32>
        %gt3A_340 = arith.cmpf ogt, %while3A_315, %rev3A_334 : vector<16xf32>
        %eq3A_341 = arith.cmpf oeq, %while3A_315, %rev3A_334 : vector<16xf32>
        %le3A_342 = arith.cmpi sle, %while3A_317, %rev3A_339 : vector<16xi32>
        %and3A_343 = arith.andi %eq3A_341, %le3A_342 : vector<16xi1>
        %or3A_344 = arith.ori %gt3A_340, %and3A_343 : vector<16xi1>
        %select_n3A_345 = arith.select %or3A_344, %while3A_315, %rev3A_334 : vector<16xi1>, vector<16xf32>
        %select_n3A_346 = arith.select %or3A_344, %while3A_317, %rev3A_339 : vector<16xi1>, vector<16xi32>
        %masked_sort3A_347 = arith.constant dense<true> : vector<16xi1>
        %masked_sort3A_348, %masked_sort3A_349, %masked_sort3A_350 = tpu.sort %select_n3A_345, %select_n3A_346 masked %masked_sort3A_347 {descending = true} : (vector<16xf32>, vector<16xi32>, vector<16xi1>) -> (vector<16xi1>, vector<16xf32>, vector<16xi32>)
        %rev3A_351 = arith.constant 15 : i32
        %rev3A_352 = vector.broadcast %rev3A_351 : i32 to vector<16xi32>
        %rev3A_353 = tpu.iota {dimensions = array<i32: 0>} : vector<16xi32>
        %rev3A_354 = arith.subi %rev3A_352, %rev3A_353 : vector<16xi32>
        %rev3A_355 = tpu.dynamic_gather %masked_sort3A_349[%rev3A_354] in [0] : vector<16xf32>, vector<16xi32> -> vector<16xf32>
        %rev3A_356 = arith.constant 15 : i32
        %rev3A_357 = vector.broadcast %rev3A_356 : i32 to vector<16xi32>
        %rev3A_358 = tpu.iota {dimensions = array<i32: 0>} : vector<16xi32>
        %rev3A_359 = arith.subi %rev3A_357, %rev3A_358 : vector<16xi32>
        %rev3A_360 = tpu.dynamic_gather %masked_sort3A_350[%rev3A_359] in [0] : vector<16xi32>, vector<16xi32> -> vector<16xi32>
        %gt3A_361 = arith.cmpf ogt, %while3A_314, %rev3A_355 : vector<16xf32>
        %eq3A_362 = arith.cmpf oeq, %while3A_314, %rev3A_355 : vector<16xf32>
        %le3A_363 = arith.cmpi sle, %while3A_316, %rev3A_360 : vector<16xi32>
        %and3A_364 = arith.andi %eq3A_362, %le3A_363 : vector<16xi1>
        %or3A_365 = arith.ori %gt3A_361, %and3A_364 : vector<16xi1>
        %select_n3A_366 = arith.select %or3A_365, %while3A_314, %rev3A_355 : vector<16xi1>, vector<16xf32>
        %select_n3A_367 = arith.select %or3A_365, %while3A_316, %rev3A_360 : vector<16xi1>, vector<16xi32>
        %select_n3A_368 = arith.select %or3A_365, %rev3A_355, %while3A_314 : vector<16xi1>, vector<16xf32>
        %select_n3A_369 = arith.select %or3A_365, %rev3A_360, %while3A_316 : vector<16xi1>, vector<16xi32>
        %masked_sort3A_370 = arith.constant dense<true> : vector<16xi1>
        %masked_sort3A_371, %masked_sort3A_372, %masked_sort3A_373 = tpu.sort %select_n3A_366, %select_n3A_367 masked %masked_sort3A_370 {descending = true} : (vector<16xf32>, vector<16xi32>, vector<16xi1>) -> (vector<16xi1>, vector<16xf32>, vector<16xi32>)
        %masked_sort3A_374 = arith.constant dense<true> : vector<16xi1>
        %masked_sort3A_375, %masked_sort3A_376, %masked_sort3A_377 = tpu.sort %select_n3A_368, %select_n3A_369 masked %masked_sort3A_374 {descending = true} : (vector<16xf32>, vector<16xi32>, vector<16xi1>) -> (vector<16xi1>, vector<16xf32>, vector<16xi32>)
        scf.yield %masked_sort3A_372, %masked_sort3A_376, %masked_sort3A_373, %masked_sort3A_377 : vector<16xf32>, vector<16xf32>, vector<16xi32>, vector<16xi32>
      }
      %while3A_243 = arith.constant 1 : i32
      %while3A_244:4 = scf.for %while3A_313 = %while3A_240 to %while3A_236 step %while3A_243 iter_args(%while3A_314 = %while3A_242#0, %while3A_315 = %while3A_242#1, %while3A_316 = %while3A_242#2, %while3A_317 = %while3A_242#3) -> (vector<16xf32>, vector<16xf32>, vector<16xi32>, vector<16xi32>)  : i32 {
        %mul3A_318 = arith.constant 16 : i32
        %mul3A_319 = arith.muli %while3A_313, %mul3A_318 : i32
        %get3A_320 = arith.index_cast %mul3A_319 : i32 to index
        %get3A_321 = tpu.vector_load %arg10[%get3A_320] {strides = array<i32>} : memref<2016xf32, #tpu.memory_space<vmem>>, vector<16xf32>,
        %mul3A_322 = arith.constant 16 : i32
        %mul3A_323 = arith.muli %while3A_313, %mul3A_322 : i32
        %get3A_324 = arith.index_cast %mul3A_323 : i32 to index
        %get3A_325 = tpu.vector_load %arg11[%get3A_324] {strides = array<i32>} : memref<2016xi32, #tpu.memory_space<vmem>>, vector<16xi32>,
        %masked_sort3A_326 = arith.constant dense<true> : vector<16xi1>
        %masked_sort3A_327, %masked_sort3A_328, %masked_sort3A_329 = tpu.sort %get3A_321, %get3A_325 masked %masked_sort3A_326 {descending = true} : (vector<16xf32>, vector<16xi32>, vector<16xi1>) -> (vector<16xi1>, vector<16xf32>, vector<16xi32>)
        %rev3A_330 = arith.constant 15 : i32
        %rev3A_331 = vector.broadcast %rev3A_330 : i32 to vector<16xi32>
        %rev3A_332 = tpu.iota {dimensions = array<i32: 0>} : vector<16xi32>
        %rev3A_333 = arith.subi %rev3A_331, %rev3A_332 : vector<16xi32>
        %rev3A_334 = tpu.dynamic_gather %masked_sort3A_328[%rev3A_333] in [0] : vector<16xf32>, vector<16xi32> -> vector<16xf32>
        %rev3A_335 = arith.constant 15 : i32
        %rev3A_336 = vector.broadcast %rev3A_335 : i32 to vector<16xi32>
        %rev3A_337 = tpu.iota {dimensions = array<i32: 0>} : vector<16xi32>
        %rev3A_338 = arith.subi %rev3A_336, %rev3A_337 : vector<16xi32>
        %rev3A_339 = tpu.dynamic_gather %masked_sort3A_329[%rev3A_338] in [0] : vector<16xi32>, vector<16xi32> -> vector<16xi32>
        %gt3A_340 = arith.cmpf ogt, %while3A_315, %rev3A_334 : vector<16xf32>
        %eq3A_341 = arith.cmpf oeq, %while3A_315, %rev3A_334 : vector<16xf32>
        %le3A_342 = arith.cmpi sle, %while3A_317, %rev3A_339 : vector<16xi32>
        %and3A_343 = arith.andi %eq3A_341, %le3A_342 : vector<16xi1>
        %or3A_344 = arith.ori %gt3A_340, %and3A_343 : vector<16xi1>
        %select_n3A_345 = arith.select %or3A_344, %while3A_315, %rev3A_334 : vector<16xi1>, vector<16xf32>
        %select_n3A_346 = arith.select %or3A_344, %while3A_317, %rev3A_339 : vector<16xi1>, vector<16xi32>
        %masked_sort3A_347 = arith.constant dense<true> : vector<16xi1>
        %masked_sort3A_348, %masked_sort3A_349, %masked_sort3A_350 = tpu.sort %select_n3A_345, %select_n3A_346 masked %masked_sort3A_347 {descending = true} : (vector<16xf32>, vector<16xi32>, vector<16xi1>) -> (vector<16xi1>, vector<16xf32>, vector<16xi32>)
        %rev3A_351 = arith.constant 15 : i32
        %rev3A_352 = vector.broadcast %rev3A_351 : i32 to vector<16xi32>
        %rev3A_353 = tpu.iota {dimensions = array<i32: 0>} : vector<16xi32>
        %rev3A_354 = arith.subi %rev3A_352, %rev3A_353 : vector<16xi32>
        %rev3A_355 = tpu.dynamic_gather %masked_sort3A_349[%rev3A_354] in [0] : vector<16xf32>, vector<16xi32> -> vector<16xf32>
        %rev3A_356 = arith.constant 15 : i32
        %rev3A_357 = vector.broadcast %rev3A_356 : i32 to vector<16xi32>
        %rev3A_358 = tpu.iota {dimensions = array<i32: 0>} : vector<16xi32>
        %rev3A_359 = arith.subi %rev3A_357, %rev3A_358 : vector<16xi32>
        %rev3A_360 = tpu.dynamic_gather %masked_sort3A_350[%rev3A_359] in [0] : vector<16xi32>, vector<16xi32> -> vector<16xi32>
        %gt3A_361 = arith.cmpf ogt, %while3A_314, %rev3A_355 : vector<16xf32>
        %eq3A_362 = arith.cmpf oeq, %while3A_314, %rev3A_355 : vector<16xf32>
        %le3A_363 = arith.cmpi sle, %while3A_316, %rev3A_360 : vector<16xi32>
        %and3A_364 = arith.andi %eq3A_362, %le3A_363 : vector<16xi1>
        %or3A_365 = arith.ori %gt3A_361, %and3A_364 : vector<16xi1>
        %select_n3A_366 = arith.select %or3A_365, %while3A_314, %rev3A_355 : vector<16xi1>, vector<16xf32>
        %select_n3A_367 = arith.select %or3A_365, %while3A_316, %rev3A_360 : vector<16xi1>, vector<16xi32>
        %select_n3A_368 = arith.select %or3A_365, %rev3A_355, %while3A_314 : vector<16xi1>, vector<16xf32>
        %select_n3A_369 = arith.select %or3A_365, %rev3A_360, %while3A_316 : vector<16xi1>, vector<16xi32>
        %masked_sort3A_370 = arith.constant dense<true> : vector<16xi1>
        %masked_sort3A_371, %masked_sort3A_372, %masked_sort3A_373 = tpu.sort %select_n3A_366, %select_n3A_367 masked %masked_sort3A_370 {descending = true} : (vector<16xf32>, vector<16xi32>, vector<16xi1>) -> (vector<16xi1>, vector<16xf32>, vector<16xi32>)
        %masked_sort3A_374 = arith.constant dense<true> : vector<16xi1>
        %masked_sort3A_375, %masked_sort3A_376, %masked_sort3A_377 = tpu.sort %select_n3A_368, %select_n3A_369 masked %masked_sort3A_374 {descending = true} : (vector<16xf32>, vector<16xi32>, vector<16xi1>) -> (vector<16xi1>, vector<16xf32>, vector<16xi32>)
        scf.yield %masked_sort3A_372, %masked_sort3A_376, %masked_sort3A_373, %masked_sort3A_377 : vector<16xf32>, vector<16xf32>, vector<16xi32>, vector<16xi32>
      }
      %mul3A_245 = arith.constant 16 : i32
      %mul3A_246 = arith.muli %select_n3A_218, %mul3A_245 : i32
      %get3A_247 = arith.index_cast %mul3A_246 : i32 to index
      %get3A_248 = tpu.vector_load %arg10[%get3A_247] {strides = array<i32>} : memref<2016xf32, #tpu.memory_space<vmem>>, vector<16xf32>,
      %mul3A_249 = arith.constant 16 : i32
      %mul3A_250 = arith.muli %select_n3A_218, %mul3A_249 : i32
      %get3A_251 = arith.index_cast %mul3A_250 : i32 to index
      %get3A_252 = tpu.vector_load %arg11[%get3A_251] {strides = array<i32>} : memref<2016xi32, #tpu.memory_space<vmem>>, vector<16xi32>,
      %lt3A_253 = vector.broadcast %select_n3A_234 : i32 to vector<16xi32>
      %lt3A_254 = arith.cmpi slt, %iota3A, %lt3A_253 : vector<16xi32>
      %jit3A_255 = arith.constant -3.000000e+38 : f32
      %broadcast_in_dim3A_256 = vector.broadcast %jit3A_255 : f32 to vector<16xf32>
      %select_n3A_257 = arith.select %lt3A_254, %get3A_248, %broadcast_in_dim3A_256 : vector<16xi1>, vector<16xf32>
      %jit3A_258 = arith.constant 1073741824 : i32
      %broadcast_in_dim3A_259 = vector.broadcast %jit3A_258 : i32 to vector<16xi32>
      %select_n3A_260 = arith.select %lt3A_254, %get3A_252, %broadcast_in_dim3A_259 : vector<16xi1>, vector<16xi32>
      %masked_sort3A_261 = arith.constant dense<true> : vector<16xi1>
      %masked_sort3A_262, %masked_sort3A_263, %masked_sort3A_264 = tpu.sort %select_n3A_257, %select_n3A_260 masked %masked_sort3A_261 {descending = true} : (vector<16xf32>, vector<16xi32>, vector<16xi1>) -> (vector<16xi1>, vector<16xf32>, vector<16xi32>)
      %rev3A_265 = arith.constant 15 : i32
      %rev3A_266 = vector.broadcast %rev3A_265 : i32 to vector<16xi32>
      %rev3A_267 = tpu.iota {dimensions = array<i32: 0>} : vector<16xi32>
      %rev3A_268 = arith.subi %rev3A_266, %rev3A_267 : vector<16xi32>
      %rev3A_269 = tpu.dynamic_gather %masked_sort3A_263[%rev3A_268] in [0] : vector<16xf32>, vector<16xi32> -> vector<16xf32>
      %rev3A_270 = arith.constant 15 : i32
      %rev3A_271 = vector.broadcast %rev3A_270 : i32 to vector<16xi32>
      %rev3A_272 = tpu.iota {dimensions = array<i32: 0>} : vector<16xi32>
      %rev3A_273 = arith.subi %rev3A_271, %rev3A_272 : vector<16xi32>
      %rev3A_274 = tpu.dynamic_gather %masked_sort3A_264[%rev3A_273] in [0] : vector<16xi32>, vector<16xi32> -> vector<16xi32>
      %gt3A_275 = arith.cmpf ogt, %while3A_244#1, %rev3A_269 : vector<16xf32>
      %eq3A_276 = arith.cmpf oeq, %while3A_244#1, %rev3A_269 : vector<16xf32>
      %le3A_277 = arith.cmpi sle, %while3A_244#3, %rev3A_274 : vector<16xi32>
      %and3A_278 = arith.andi %eq3A_276, %le3A_277 : vector<16xi1>
      %or3A_279 = arith.ori %gt3A_275, %and3A_278 : vector<16xi1>
      %select_n3A_280 = arith.select %or3A_279, %while3A_244#1, %rev3A_269 : vector<16xi1>, vector<16xf32>
      %select_n3A_281 = arith.select %or3A_279, %while3A_244#3, %rev3A_274 : vector<16xi1>, vector<16xi32>
      %masked_sort3A_282 = arith.constant dense<true> : vector<16xi1>
      %masked_sort3A_283, %masked_sort3A_284, %masked_sort3A_285 = tpu.sort %select_n3A_280, %select_n3A_281 masked %masked_sort3A_282 {descending = true} : (vector<16xf32>, vector<16xi32>, vector<16xi1>) -> (vector<16xi1>, vector<16xf32>, vector<16xi32>)
      %rev3A_286 = arith.constant 15 : i32
      %rev3A_287 = vector.broadcast %rev3A_286 : i32 to vector<16xi32>
      %rev3A_288 = tpu.iota {dimensions = array<i32: 0>} : vector<16xi32>
      %rev3A_289 = arith.subi %rev3A_287, %rev3A_288 : vector<16xi32>
      %rev3A_290 = tpu.dynamic_gather %masked_sort3A_284[%rev3A_289] in [0] : vector<16xf32>, vector<16xi32> -> vector<16xf32>
      %rev3A_291 = arith.constant 15 : i32
      %rev3A_292 = vector.broadcast %rev3A_291 : i32 to vector<16xi32>
      %rev3A_293 = tpu.iota {dimensions = array<i32: 0>} : vector<16xi32>
      %rev3A_294 = arith.subi %rev3A_292, %rev3A_293 : vector<16xi32>
      %rev3A_295 = tpu.dynamic_gather %masked_sort3A_285[%rev3A_294] in [0] : vector<16xi32>, vector<16xi32> -> vector<16xi32>
      %gt3A_296 = arith.cmpf ogt, %while3A_244#0, %rev3A_290 : vector<16xf32>
      %eq3A_297 = arith.cmpf oeq, %while3A_244#0, %rev3A_290 : vector<16xf32>
      %le3A_298 = arith.cmpi sle, %while3A_244#2, %rev3A_295 : vector<16xi32>
      %and3A_299 = arith.andi %eq3A_297, %le3A_298 : vector<16xi1>
      %or3A_300 = arith.ori %gt3A_296, %and3A_299 : vector<16xi1>
      %select_n3A_301 = arith.select %or3A_300, %while3A_244#0, %rev3A_290 : vector<16xi1>, vector<16xf32>
      %select_n3A_302 = arith.select %or3A_300, %while3A_244#2, %rev3A_295 : vector<16xi1>, vector<16xi32>
      %select_n3A_303 = arith.select %or3A_300, %rev3A_290, %while3A_244#0 : vector<16xi1>, vector<16xf32>
      %select_n3A_304 = arith.select %or3A_300, %rev3A_295, %while3A_244#2 : vector<16xi1>, vector<16xi32>
      %masked_sort3A_305 = arith.constant dense<true> : vector<16xi1>
      %masked_sort3A_306, %masked_sort3A_307, %masked_sort3A_308 = tpu.sort %select_n3A_301, %select_n3A_302 masked %masked_sort3A_305 {descending = true} : (vector<16xf32>, vector<16xi32>, vector<16xi1>) -> (vector<16xi1>, vector<16xf32>, vector<16xi32>)
      %masked_sort3A_309 = arith.constant dense<true> : vector<16xi1>
      %masked_sort3A_310, %masked_sort3A_311, %masked_sort3A_312 = tpu.sort %select_n3A_303, %select_n3A_304 masked %masked_sort3A_309 {descending = true} : (vector<16xf32>, vector<16xi32>, vector<16xi1>) -> (vector<16xi1>, vector<16xf32>, vector<16xi32>)
      scf.yield %masked_sort3A_307, %masked_sort3A_311, %masked_sort3A_308, %masked_sort3A_312 : vector<16xf32>, vector<16xf32>, vector<16xi32>, vector<16xi32>
    }
    %scan3A_126 = arith.constant 32 : i32
    %swap3A = arith.constant 0 : index
    %swap3A_127 = tpu.vector_load %arg12[%swap3A] {strides = array<i32>} : memref<32xf32, #tpu.memory_space<vmem>>, vector<16xf32>,
    tpu.vector_store %arg12[%swap3A], %scan3A_125#0 {strides = array<i32>} : memref<32xf32, #tpu.memory_space<vmem>>, vector<16xf32>,
    %swap3A_128 = arith.constant 16 : index
    %swap3A_129 = tpu.vector_load %arg12[%swap3A_128] {strides = array<i32>} : memref<32xf32, #tpu.memory_space<vmem>>, vector<16xf32>,
    tpu.vector_store %arg12[%swap3A_128], %scan3A_125#1 {strides = array<i32>} : memref<32xf32, #tpu.memory_space<vmem>>, vector<16xf32>,
    %swap3A_130 = arith.constant 0 : index
    %swap3A_131 = tpu.vector_load %arg13[%swap3A_130] {strides = array<i32>} : memref<32xi32, #tpu.memory_space<vmem>>, vector<16xi32>,
    tpu.vector_store %arg13[%swap3A_130], %scan3A_125#2 {strides = array<i32>} : memref<32xi32, #tpu.memory_space<vmem>>, vector<16xi32>,
    %swap3A_132 = arith.constant 16 : index
    %swap3A_133 = tpu.vector_load %arg13[%swap3A_132] {strides = array<i32>} : memref<32xi32, #tpu.memory_space<vmem>>, vector<16xi32>,
    tpu.vector_store %arg13[%swap3A_132], %scan3A_125#3 {strides = array<i32>} : memref<32xi32, #tpu.memory_space<vmem>>, vector<16xi32>,
    %mul3A_134 = arith.constant 32 : i32
    %mul3A_135 = arith.muli %add3A, %mul3A_134 : i32
    "tpu.region"() ({
      %run_scoped3A = tpu.sem_alloc : memref<!tpu.dma_semaphore, #tpu.memory_space<semaphore_mem>>
      %dma_start3A_138 = tpu.memref_slice %arg4[%mul3A_135] : memref<1024xf32, #tpu.memory_space<hbm>> -> memref<32xf32, #tpu.memory_space<hbm>>
      %dma_start3A_139 = tpu.memref_slice %arg4[%mul3A_135] : memref<1024xf32, #tpu.memory_space<hbm>> -> memref<32xf32, #tpu.memory_space<hbm>>
      tpu.enqueue_dma source(%arg12 : memref<32xf32, #tpu.memory_space<vmem>>) target(%dma_start3A_139 : memref<32xf32, #tpu.memory_space<hbm>>) target_semaphore(%run_scoped3A : memref<!tpu.dma_semaphore, #tpu.memory_space<semaphore_mem>>)
      %dma_wait3A = tpu.memref_slice %arg4[%mul3A_135] : memref<1024xf32, #tpu.memory_space<hbm>> -> memref<32xf32, #tpu.memory_space<hbm>>
      %dma_wait3A_140 = tpu.memref_slice %arg4[%mul3A_135] : memref<1024xf32, #tpu.memory_space<hbm>> -> memref<32xf32, #tpu.memory_space<hbm>>
      tpu.wait_dma2 semaphore(%run_scoped3A : memref<!tpu.dma_semaphore, #tpu.memory_space<semaphore_mem>>) src(%arg12 : memref<32xf32, #tpu.memory_space<vmem>>) dst(%dma_wait3A_140 : memref<32xf32, #tpu.memory_space<hbm>>)
      tpu.yield
    }) : () -> ()
    %mul3A_136 = arith.constant 32 : i32
    %mul3A_137 = arith.muli %add3A, %mul3A_136 : i32
    "tpu.region"() ({
      %run_scoped3A = tpu.sem_alloc : memref<!tpu.dma_semaphore, #tpu.memory_space<semaphore_mem>>
      %dma_start3A_138 = tpu.memref_slice %arg5[%mul3A_137] : memref<1024xi32, #tpu.memory_space<hbm>> -> memref<32xi32, #tpu.memory_space<hbm>>
      %dma_start3A_139 = tpu.memref_slice %arg5[%mul3A_137] : memref<1024xi32, #tpu.memory_space<hbm>> -> memref<32xi32, #tpu.memory_space<hbm>>
      tpu.enqueue_dma source(%arg13 : memref<32xi32, #tpu.memory_space<vmem>>) target(%dma_start3A_139 : memref<32xi32, #tpu.memory_space<hbm>>) target_semaphore(%run_scoped3A : memref<!tpu.dma_semaphore, #tpu.memory_space<semaphore_mem>>)
      %dma_wait3A = tpu.memref_slice %arg5[%mul3A_137] : memref<1024xi32, #tpu.memory_space<hbm>> -> memref<32xi32, #tpu.memory_space<hbm>>
      %dma_wait3A_140 = tpu.memref_slice %arg5[%mul3A_137] : memref<1024xi32, #tpu.memory_space<hbm>> -> memref<32xi32, #tpu.memory_space<hbm>>
      tpu.wait_dma2 semaphore(%run_scoped3A : memref<!tpu.dma_semaphore, #tpu.memory_space<semaphore_mem>>) src(%arg13 : memref<32xi32, #tpu.memory_space<vmem>>) dst(%dma_wait3A_140 : memref<32xi32, #tpu.memory_space<hbm>>)
      tpu.yield
    }) : () -> ()
    return
  }
}

module attributes {stable_mosaic.version = 14 : i64} {
  func.func @_tc_merge_body(%arg0: memref<8x128xf32, #tpu.memory_space<vmem>>, %arg1: memref<8x128xi32, #tpu.memory_space<vmem>>, %arg2: memref<1x32xf32, #tpu.memory_space<vmem>>, %arg3: memref<1x32xi32, #tpu.memory_space<vmem>>, %arg4: memref<1x32xi32, #tpu.memory_space<vmem>>) attributes {dimension_semantics = [], scalar_prefetch = 0 : i64, scratch_operands = 0 : i64, tpu.core_type = #tpu.core_type<tc>} {
    %get3A = arith.constant 0 : index
    %get3A_0 = arith.constant 0 : index
    %get3A_1 = vector.load %arg0[%get3A, %get3A_0] : memref<8x128xf32, #tpu.memory_space<vmem>>, vector<8x128xf32>
    %get3A_2 = arith.constant 0 : index
    %get3A_3 = arith.constant 0 : index
    %get3A_4 = vector.load %arg1[%get3A_2, %get3A_3] : memref<8x128xi32, #tpu.memory_space<vmem>>, vector<8x128xi32>
    %iota3A = tpu.iota {dimensions = array<i32: 1>} : vector<1x32xi32>
    %broadcast_in_dim3A = arith.constant 0.000000e+00 : f32
    %broadcast_in_dim3A_5 = vector.broadcast %broadcast_in_dim3A : f32 to vector<1x32xf32>
    %broadcast_in_dim3A_6 = arith.constant 0 : i32
    %broadcast_in_dim3A_7 = vector.broadcast %broadcast_in_dim3A_6 : i32 to vector<1x32xi32>
    %reduce_max3A = vector.shape_cast %get3A_1 : vector<8x128xf32> to vector<1x8x128xf32>
    %reduce_max3A_8 = arith.constant dense<0xFF800000> : vector<1xf32>
    %reduce_max3A_9 = vector.multi_reduction <maximumf>, %reduce_max3A, %reduce_max3A_8 [1, 2] : vector<1x8x128xf32> to vector<1xf32>
    %reduce_max3A_10 = vector.shape_cast %reduce_max3A_9 : vector<1xf32> to vector<1x1x1xf32>
    %reduce_max3A_11 = vector.extract %reduce_max3A_10[0, 0, 0] : f32 from vector<1x1x1xf32>
    %eq3A = vector.broadcast %reduce_max3A_11 : f32 to vector<8x128xf32>
    %eq3A_12 = arith.cmpf oeq, %get3A_1, %eq3A : vector<8x128xf32>
    %jit3A = arith.constant 1073741824 : i32
    %broadcast_in_dim3A_13 = vector.broadcast %jit3A : i32 to vector<8x128xi32>
    %select_n3A = arith.select %eq3A_12, %get3A_4, %broadcast_in_dim3A_13 : vector<8x128xi1>, vector<8x128xi32>
    %reduce_min3A = vector.shape_cast %select_n3A : vector<8x128xi32> to vector<1x8x128xi32>
    %reduce_min3A_14 = arith.constant dense<2147483647> : vector<1xi32>
    %reduce_min3A_15 = vector.multi_reduction <minsi>, %reduce_min3A, %reduce_min3A_14 [1, 2] : vector<1x8x128xi32> to vector<1xi32>
    %reduce_min3A_16 = vector.shape_cast %reduce_min3A_15 : vector<1xi32> to vector<1x1x1xi32>
    %reduce_min3A_17 = vector.extract %reduce_min3A_16[0, 0, 0] : i32 from vector<1x1x1xi32>
    %eq3A_18 = arith.constant 0 : i32
    %eq3A_19 = vector.broadcast %eq3A_18 : i32 to vector<1x32xi32>
    %eq3A_20 = arith.cmpi eq, %iota3A, %eq3A_19 : vector<1x32xi32>
    %broadcast_in_dim3A_21 = vector.broadcast %reduce_max3A_11 : f32 to vector<1x32xf32>
    %select_n3A_22 = arith.select %eq3A_20, %broadcast_in_dim3A_21, %broadcast_in_dim3A_5 : vector<1x32xi1>, vector<1x32xf32>
    %eq3A_23 = arith.constant 0 : i32
    %eq3A_24 = vector.broadcast %eq3A_23 : i32 to vector<1x32xi32>
    %eq3A_25 = arith.cmpi eq, %iota3A, %eq3A_24 : vector<1x32xi32>
    %broadcast_in_dim3A_26 = vector.broadcast %reduce_min3A_17 : i32 to vector<1x32xi32>
    %select_n3A_27 = arith.select %eq3A_25, %broadcast_in_dim3A_26, %broadcast_in_dim3A_7 : vector<1x32xi1>, vector<1x32xi32>
    %eq3A_28 = vector.broadcast %reduce_min3A_17 : i32 to vector<8x128xi32>
    %eq3A_29 = arith.cmpi eq, %get3A_4, %eq3A_28 : vector<8x128xi32>
    %jit3A_30 = arith.constant -3.000000e+38 : f32
    %broadcast_in_dim3A_31 = vector.broadcast %jit3A_30 : f32 to vector<8x128xf32>
    %select_n3A_32 = arith.select %eq3A_29, %broadcast_in_dim3A_31, %get3A_1 : vector<8x128xi1>, vector<8x128xf32>
    %reduce_max3A_33 = vector.shape_cast %select_n3A_32 : vector<8x128xf32> to vector<1x8x128xf32>
    %reduce_max3A_34 = arith.constant dense<0xFF800000> : vector<1xf32>
    %reduce_max3A_35 = vector.multi_reduction <maximumf>, %reduce_max3A_33, %reduce_max3A_34 [1, 2] : vector<1x8x128xf32> to vector<1xf32>
    %reduce_max3A_36 = vector.shape_cast %reduce_max3A_35 : vector<1xf32> to vector<1x1x1xf32>
    %reduce_max3A_37 = vector.extract %reduce_max3A_36[0, 0, 0] : f32 from vector<1x1x1xf32>
    %eq3A_38 = vector.broadcast %reduce_max3A_37 : f32 to vector<8x128xf32>
    %eq3A_39 = arith.cmpf oeq, %select_n3A_32, %eq3A_38 : vector<8x128xf32>
    %jit3A_40 = arith.constant 1073741824 : i32
    %broadcast_in_dim3A_41 = vector.broadcast %jit3A_40 : i32 to vector<8x128xi32>
    %select_n3A_42 = arith.select %eq3A_39, %get3A_4, %broadcast_in_dim3A_41 : vector<8x128xi1>, vector<8x128xi32>
    %reduce_min3A_43 = vector.shape_cast %select_n3A_42 : vector<8x128xi32> to vector<1x8x128xi32>
    %reduce_min3A_44 = arith.constant dense<2147483647> : vector<1xi32>
    %reduce_min3A_45 = vector.multi_reduction <minsi>, %reduce_min3A_43, %reduce_min3A_44 [1, 2] : vector<1x8x128xi32> to vector<1xi32>
    %reduce_min3A_46 = vector.shape_cast %reduce_min3A_45 : vector<1xi32> to vector<1x1x1xi32>
    %reduce_min3A_47 = vector.extract %reduce_min3A_46[0, 0, 0] : i32 from vector<1x1x1xi32>
    %eq3A_48 = arith.constant 1 : i32
    %eq3A_49 = vector.broadcast %eq3A_48 : i32 to vector<1x32xi32>
    %eq3A_50 = arith.cmpi eq, %iota3A, %eq3A_49 : vector<1x32xi32>
    %broadcast_in_dim3A_51 = vector.broadcast %reduce_max3A_37 : f32 to vector<1x32xf32>
    %select_n3A_52 = arith.select %eq3A_50, %broadcast_in_dim3A_51, %select_n3A_22 : vector<1x32xi1>, vector<1x32xf32>
    %eq3A_53 = arith.constant 1 : i32
    %eq3A_54 = vector.broadcast %eq3A_53 : i32 to vector<1x32xi32>
    %eq3A_55 = arith.cmpi eq, %iota3A, %eq3A_54 : vector<1x32xi32>
    %broadcast_in_dim3A_56 = vector.broadcast %reduce_min3A_47 : i32 to vector<1x32xi32>
    %select_n3A_57 = arith.select %eq3A_55, %broadcast_in_dim3A_56, %select_n3A_27 : vector<1x32xi1>, vector<1x32xi32>
    %eq3A_58 = vector.broadcast %reduce_min3A_47 : i32 to vector<8x128xi32>
    %eq3A_59 = arith.cmpi eq, %get3A_4, %eq3A_58 : vector<8x128xi32>
    %jit3A_60 = arith.constant -3.000000e+38 : f32
    %broadcast_in_dim3A_61 = vector.broadcast %jit3A_60 : f32 to vector<8x128xf32>
    %select_n3A_62 = arith.select %eq3A_59, %broadcast_in_dim3A_61, %select_n3A_32 : vector<8x128xi1>, vector<8x128xf32>
    %reduce_max3A_63 = vector.shape_cast %select_n3A_62 : vector<8x128xf32> to vector<1x8x128xf32>
    %reduce_max3A_64 = arith.constant dense<0xFF800000> : vector<1xf32>
    %reduce_max3A_65 = vector.multi_reduction <maximumf>, %reduce_max3A_63, %reduce_max3A_64 [1, 2] : vector<1x8x128xf32> to vector<1xf32>
    %reduce_max3A_66 = vector.shape_cast %reduce_max3A_65 : vector<1xf32> to vector<1x1x1xf32>
    %reduce_max3A_67 = vector.extract %reduce_max3A_66[0, 0, 0] : f32 from vector<1x1x1xf32>
    %eq3A_68 = vector.broadcast %reduce_max3A_67 : f32 to vector<8x128xf32>
    %eq3A_69 = arith.cmpf oeq, %select_n3A_62, %eq3A_68 : vector<8x128xf32>
    %jit3A_70 = arith.constant 1073741824 : i32
    %broadcast_in_dim3A_71 = vector.broadcast %jit3A_70 : i32 to vector<8x128xi32>
    %select_n3A_72 = arith.select %eq3A_69, %get3A_4, %broadcast_in_dim3A_71 : vector<8x128xi1>, vector<8x128xi32>
    %reduce_min3A_73 = vector.shape_cast %select_n3A_72 : vector<8x128xi32> to vector<1x8x128xi32>
    %reduce_min3A_74 = arith.constant dense<2147483647> : vector<1xi32>
    %reduce_min3A_75 = vector.multi_reduction <minsi>, %reduce_min3A_73, %reduce_min3A_74 [1, 2] : vector<1x8x128xi32> to vector<1xi32>
    %reduce_min3A_76 = vector.shape_cast %reduce_min3A_75 : vector<1xi32> to vector<1x1x1xi32>
    %reduce_min3A_77 = vector.extract %reduce_min3A_76[0, 0, 0] : i32 from vector<1x1x1xi32>
    %eq3A_78 = arith.constant 2 : i32
    %eq3A_79 = vector.broadcast %eq3A_78 : i32 to vector<1x32xi32>
    %eq3A_80 = arith.cmpi eq, %iota3A, %eq3A_79 : vector<1x32xi32>
    %broadcast_in_dim3A_81 = vector.broadcast %reduce_max3A_67 : f32 to vector<1x32xf32>
    %select_n3A_82 = arith.select %eq3A_80, %broadcast_in_dim3A_81, %select_n3A_52 : vector<1x32xi1>, vector<1x32xf32>
    %eq3A_83 = arith.constant 2 : i32
    %eq3A_84 = vector.broadcast %eq3A_83 : i32 to vector<1x32xi32>
    %eq3A_85 = arith.cmpi eq, %iota3A, %eq3A_84 : vector<1x32xi32>
    %broadcast_in_dim3A_86 = vector.broadcast %reduce_min3A_77 : i32 to vector<1x32xi32>
    %select_n3A_87 = arith.select %eq3A_85, %broadcast_in_dim3A_86, %select_n3A_57 : vector<1x32xi1>, vector<1x32xi32>
    %eq3A_88 = vector.broadcast %reduce_min3A_77 : i32 to vector<8x128xi32>
    %eq3A_89 = arith.cmpi eq, %get3A_4, %eq3A_88 : vector<8x128xi32>
    %jit3A_90 = arith.constant -3.000000e+38 : f32
    %broadcast_in_dim3A_91 = vector.broadcast %jit3A_90 : f32 to vector<8x128xf32>
    %select_n3A_92 = arith.select %eq3A_89, %broadcast_in_dim3A_91, %select_n3A_62 : vector<8x128xi1>, vector<8x128xf32>
    %reduce_max3A_93 = vector.shape_cast %select_n3A_92 : vector<8x128xf32> to vector<1x8x128xf32>
    %reduce_max3A_94 = arith.constant dense<0xFF800000> : vector<1xf32>
    %reduce_max3A_95 = vector.multi_reduction <maximumf>, %reduce_max3A_93, %reduce_max3A_94 [1, 2] : vector<1x8x128xf32> to vector<1xf32>
    %reduce_max3A_96 = vector.shape_cast %reduce_max3A_95 : vector<1xf32> to vector<1x1x1xf32>
    %reduce_max3A_97 = vector.extract %reduce_max3A_96[0, 0, 0] : f32 from vector<1x1x1xf32>
    %eq3A_98 = vector.broadcast %reduce_max3A_97 : f32 to vector<8x128xf32>
    %eq3A_99 = arith.cmpf oeq, %select_n3A_92, %eq3A_98 : vector<8x128xf32>
    %jit3A_100 = arith.constant 1073741824 : i32
    %broadcast_in_dim3A_101 = vector.broadcast %jit3A_100 : i32 to vector<8x128xi32>
    %select_n3A_102 = arith.select %eq3A_99, %get3A_4, %broadcast_in_dim3A_101 : vector<8x128xi1>, vector<8x128xi32>
    %reduce_min3A_103 = vector.shape_cast %select_n3A_102 : vector<8x128xi32> to vector<1x8x128xi32>
    %reduce_min3A_104 = arith.constant dense<2147483647> : vector<1xi32>
    %reduce_min3A_105 = vector.multi_reduction <minsi>, %reduce_min3A_103, %reduce_min3A_104 [1, 2] : vector<1x8x128xi32> to vector<1xi32>
    %reduce_min3A_106 = vector.shape_cast %reduce_min3A_105 : vector<1xi32> to vector<1x1x1xi32>
    %reduce_min3A_107 = vector.extract %reduce_min3A_106[0, 0, 0] : i32 from vector<1x1x1xi32>
    %eq3A_108 = arith.constant 3 : i32
    %eq3A_109 = vector.broadcast %eq3A_108 : i32 to vector<1x32xi32>
    %eq3A_110 = arith.cmpi eq, %iota3A, %eq3A_109 : vector<1x32xi32>
    %broadcast_in_dim3A_111 = vector.broadcast %reduce_max3A_97 : f32 to vector<1x32xf32>
    %select_n3A_112 = arith.select %eq3A_110, %broadcast_in_dim3A_111, %select_n3A_82 : vector<1x32xi1>, vector<1x32xf32>
    %eq3A_113 = arith.constant 3 : i32
    %eq3A_114 = vector.broadcast %eq3A_113 : i32 to vector<1x32xi32>
    %eq3A_115 = arith.cmpi eq, %iota3A, %eq3A_114 : vector<1x32xi32>
    %broadcast_in_dim3A_116 = vector.broadcast %reduce_min3A_107 : i32 to vector<1x32xi32>
    %select_n3A_117 = arith.select %eq3A_115, %broadcast_in_dim3A_116, %select_n3A_87 : vector<1x32xi1>, vector<1x32xi32>
    %eq3A_118 = vector.broadcast %reduce_min3A_107 : i32 to vector<8x128xi32>
    %eq3A_119 = arith.cmpi eq, %get3A_4, %eq3A_118 : vector<8x128xi32>
    %jit3A_120 = arith.constant -3.000000e+38 : f32
    %broadcast_in_dim3A_121 = vector.broadcast %jit3A_120 : f32 to vector<8x128xf32>
    %select_n3A_122 = arith.select %eq3A_119, %broadcast_in_dim3A_121, %select_n3A_92 : vector<8x128xi1>, vector<8x128xf32>
    %reduce_max3A_123 = vector.shape_cast %select_n3A_122 : vector<8x128xf32> to vector<1x8x128xf32>
    %reduce_max3A_124 = arith.constant dense<0xFF800000> : vector<1xf32>
    %reduce_max3A_125 = vector.multi_reduction <maximumf>, %reduce_max3A_123, %reduce_max3A_124 [1, 2] : vector<1x8x128xf32> to vector<1xf32>
    %reduce_max3A_126 = vector.shape_cast %reduce_max3A_125 : vector<1xf32> to vector<1x1x1xf32>
    %reduce_max3A_127 = vector.extract %reduce_max3A_126[0, 0, 0] : f32 from vector<1x1x1xf32>
    %eq3A_128 = vector.broadcast %reduce_max3A_127 : f32 to vector<8x128xf32>
    %eq3A_129 = arith.cmpf oeq, %select_n3A_122, %eq3A_128 : vector<8x128xf32>
    %jit3A_130 = arith.constant 1073741824 : i32
    %broadcast_in_dim3A_131 = vector.broadcast %jit3A_130 : i32 to vector<8x128xi32>
    %select_n3A_132 = arith.select %eq3A_129, %get3A_4, %broadcast_in_dim3A_131 : vector<8x128xi1>, vector<8x128xi32>
    %reduce_min3A_133 = vector.shape_cast %select_n3A_132 : vector<8x128xi32> to vector<1x8x128xi32>
    %reduce_min3A_134 = arith.constant dense<2147483647> : vector<1xi32>
    %reduce_min3A_135 = vector.multi_reduction <minsi>, %reduce_min3A_133, %reduce_min3A_134 [1, 2] : vector<1x8x128xi32> to vector<1xi32>
    %reduce_min3A_136 = vector.shape_cast %reduce_min3A_135 : vector<1xi32> to vector<1x1x1xi32>
    %reduce_min3A_137 = vector.extract %reduce_min3A_136[0, 0, 0] : i32 from vector<1x1x1xi32>
    %eq3A_138 = arith.constant 4 : i32
    %eq3A_139 = vector.broadcast %eq3A_138 : i32 to vector<1x32xi32>
    %eq3A_140 = arith.cmpi eq, %iota3A, %eq3A_139 : vector<1x32xi32>
    %broadcast_in_dim3A_141 = vector.broadcast %reduce_max3A_127 : f32 to vector<1x32xf32>
    %select_n3A_142 = arith.select %eq3A_140, %broadcast_in_dim3A_141, %select_n3A_112 : vector<1x32xi1>, vector<1x32xf32>
    %eq3A_143 = arith.constant 4 : i32
    %eq3A_144 = vector.broadcast %eq3A_143 : i32 to vector<1x32xi32>
    %eq3A_145 = arith.cmpi eq, %iota3A, %eq3A_144 : vector<1x32xi32>
    %broadcast_in_dim3A_146 = vector.broadcast %reduce_min3A_137 : i32 to vector<1x32xi32>
    %select_n3A_147 = arith.select %eq3A_145, %broadcast_in_dim3A_146, %select_n3A_117 : vector<1x32xi1>, vector<1x32xi32>
    %eq3A_148 = vector.broadcast %reduce_min3A_137 : i32 to vector<8x128xi32>
    %eq3A_149 = arith.cmpi eq, %get3A_4, %eq3A_148 : vector<8x128xi32>
    %jit3A_150 = arith.constant -3.000000e+38 : f32
    %broadcast_in_dim3A_151 = vector.broadcast %jit3A_150 : f32 to vector<8x128xf32>
    %select_n3A_152 = arith.select %eq3A_149, %broadcast_in_dim3A_151, %select_n3A_122 : vector<8x128xi1>, vector<8x128xf32>
    %reduce_max3A_153 = vector.shape_cast %select_n3A_152 : vector<8x128xf32> to vector<1x8x128xf32>
    %reduce_max3A_154 = arith.constant dense<0xFF800000> : vector<1xf32>
    %reduce_max3A_155 = vector.multi_reduction <maximumf>, %reduce_max3A_153, %reduce_max3A_154 [1, 2] : vector<1x8x128xf32> to vector<1xf32>
    %reduce_max3A_156 = vector.shape_cast %reduce_max3A_155 : vector<1xf32> to vector<1x1x1xf32>
    %reduce_max3A_157 = vector.extract %reduce_max3A_156[0, 0, 0] : f32 from vector<1x1x1xf32>
    %eq3A_158 = vector.broadcast %reduce_max3A_157 : f32 to vector<8x128xf32>
    %eq3A_159 = arith.cmpf oeq, %select_n3A_152, %eq3A_158 : vector<8x128xf32>
    %jit3A_160 = arith.constant 1073741824 : i32
    %broadcast_in_dim3A_161 = vector.broadcast %jit3A_160 : i32 to vector<8x128xi32>
    %select_n3A_162 = arith.select %eq3A_159, %get3A_4, %broadcast_in_dim3A_161 : vector<8x128xi1>, vector<8x128xi32>
    %reduce_min3A_163 = vector.shape_cast %select_n3A_162 : vector<8x128xi32> to vector<1x8x128xi32>
    %reduce_min3A_164 = arith.constant dense<2147483647> : vector<1xi32>
    %reduce_min3A_165 = vector.multi_reduction <minsi>, %reduce_min3A_163, %reduce_min3A_164 [1, 2] : vector<1x8x128xi32> to vector<1xi32>
    %reduce_min3A_166 = vector.shape_cast %reduce_min3A_165 : vector<1xi32> to vector<1x1x1xi32>
    %reduce_min3A_167 = vector.extract %reduce_min3A_166[0, 0, 0] : i32 from vector<1x1x1xi32>
    %eq3A_168 = arith.constant 5 : i32
    %eq3A_169 = vector.broadcast %eq3A_168 : i32 to vector<1x32xi32>
    %eq3A_170 = arith.cmpi eq, %iota3A, %eq3A_169 : vector<1x32xi32>
    %broadcast_in_dim3A_171 = vector.broadcast %reduce_max3A_157 : f32 to vector<1x32xf32>
    %select_n3A_172 = arith.select %eq3A_170, %broadcast_in_dim3A_171, %select_n3A_142 : vector<1x32xi1>, vector<1x32xf32>
    %eq3A_173 = arith.constant 5 : i32
    %eq3A_174 = vector.broadcast %eq3A_173 : i32 to vector<1x32xi32>
    %eq3A_175 = arith.cmpi eq, %iota3A, %eq3A_174 : vector<1x32xi32>
    %broadcast_in_dim3A_176 = vector.broadcast %reduce_min3A_167 : i32 to vector<1x32xi32>
    %select_n3A_177 = arith.select %eq3A_175, %broadcast_in_dim3A_176, %select_n3A_147 : vector<1x32xi1>, vector<1x32xi32>
    %eq3A_178 = vector.broadcast %reduce_min3A_167 : i32 to vector<8x128xi32>
    %eq3A_179 = arith.cmpi eq, %get3A_4, %eq3A_178 : vector<8x128xi32>
    %jit3A_180 = arith.constant -3.000000e+38 : f32
    %broadcast_in_dim3A_181 = vector.broadcast %jit3A_180 : f32 to vector<8x128xf32>
    %select_n3A_182 = arith.select %eq3A_179, %broadcast_in_dim3A_181, %select_n3A_152 : vector<8x128xi1>, vector<8x128xf32>
    %reduce_max3A_183 = vector.shape_cast %select_n3A_182 : vector<8x128xf32> to vector<1x8x128xf32>
    %reduce_max3A_184 = arith.constant dense<0xFF800000> : vector<1xf32>
    %reduce_max3A_185 = vector.multi_reduction <maximumf>, %reduce_max3A_183, %reduce_max3A_184 [1, 2] : vector<1x8x128xf32> to vector<1xf32>
    %reduce_max3A_186 = vector.shape_cast %reduce_max3A_185 : vector<1xf32> to vector<1x1x1xf32>
    %reduce_max3A_187 = vector.extract %reduce_max3A_186[0, 0, 0] : f32 from vector<1x1x1xf32>
    %eq3A_188 = vector.broadcast %reduce_max3A_187 : f32 to vector<8x128xf32>
    %eq3A_189 = arith.cmpf oeq, %select_n3A_182, %eq3A_188 : vector<8x128xf32>
    %jit3A_190 = arith.constant 1073741824 : i32
    %broadcast_in_dim3A_191 = vector.broadcast %jit3A_190 : i32 to vector<8x128xi32>
    %select_n3A_192 = arith.select %eq3A_189, %get3A_4, %broadcast_in_dim3A_191 : vector<8x128xi1>, vector<8x128xi32>
    %reduce_min3A_193 = vector.shape_cast %select_n3A_192 : vector<8x128xi32> to vector<1x8x128xi32>
    %reduce_min3A_194 = arith.constant dense<2147483647> : vector<1xi32>
    %reduce_min3A_195 = vector.multi_reduction <minsi>, %reduce_min3A_193, %reduce_min3A_194 [1, 2] : vector<1x8x128xi32> to vector<1xi32>
    %reduce_min3A_196 = vector.shape_cast %reduce_min3A_195 : vector<1xi32> to vector<1x1x1xi32>
    %reduce_min3A_197 = vector.extract %reduce_min3A_196[0, 0, 0] : i32 from vector<1x1x1xi32>
    %eq3A_198 = arith.constant 6 : i32
    %eq3A_199 = vector.broadcast %eq3A_198 : i32 to vector<1x32xi32>
    %eq3A_200 = arith.cmpi eq, %iota3A, %eq3A_199 : vector<1x32xi32>
    %broadcast_in_dim3A_201 = vector.broadcast %reduce_max3A_187 : f32 to vector<1x32xf32>
    %select_n3A_202 = arith.select %eq3A_200, %broadcast_in_dim3A_201, %select_n3A_172 : vector<1x32xi1>, vector<1x32xf32>
    %eq3A_203 = arith.constant 6 : i32
    %eq3A_204 = vector.broadcast %eq3A_203 : i32 to vector<1x32xi32>
    %eq3A_205 = arith.cmpi eq, %iota3A, %eq3A_204 : vector<1x32xi32>
    %broadcast_in_dim3A_206 = vector.broadcast %reduce_min3A_197 : i32 to vector<1x32xi32>
    %select_n3A_207 = arith.select %eq3A_205, %broadcast_in_dim3A_206, %select_n3A_177 : vector<1x32xi1>, vector<1x32xi32>
    %eq3A_208 = vector.broadcast %reduce_min3A_197 : i32 to vector<8x128xi32>
    %eq3A_209 = arith.cmpi eq, %get3A_4, %eq3A_208 : vector<8x128xi32>
    %jit3A_210 = arith.constant -3.000000e+38 : f32
    %broadcast_in_dim3A_211 = vector.broadcast %jit3A_210 : f32 to vector<8x128xf32>
    %select_n3A_212 = arith.select %eq3A_209, %broadcast_in_dim3A_211, %select_n3A_182 : vector<8x128xi1>, vector<8x128xf32>
    %reduce_max3A_213 = vector.shape_cast %select_n3A_212 : vector<8x128xf32> to vector<1x8x128xf32>
    %reduce_max3A_214 = arith.constant dense<0xFF800000> : vector<1xf32>
    %reduce_max3A_215 = vector.multi_reduction <maximumf>, %reduce_max3A_213, %reduce_max3A_214 [1, 2] : vector<1x8x128xf32> to vector<1xf32>
    %reduce_max3A_216 = vector.shape_cast %reduce_max3A_215 : vector<1xf32> to vector<1x1x1xf32>
    %reduce_max3A_217 = vector.extract %reduce_max3A_216[0, 0, 0] : f32 from vector<1x1x1xf32>
    %eq3A_218 = vector.broadcast %reduce_max3A_217 : f32 to vector<8x128xf32>
    %eq3A_219 = arith.cmpf oeq, %select_n3A_212, %eq3A_218 : vector<8x128xf32>
    %jit3A_220 = arith.constant 1073741824 : i32
    %broadcast_in_dim3A_221 = vector.broadcast %jit3A_220 : i32 to vector<8x128xi32>
    %select_n3A_222 = arith.select %eq3A_219, %get3A_4, %broadcast_in_dim3A_221 : vector<8x128xi1>, vector<8x128xi32>
    %reduce_min3A_223 = vector.shape_cast %select_n3A_222 : vector<8x128xi32> to vector<1x8x128xi32>
    %reduce_min3A_224 = arith.constant dense<2147483647> : vector<1xi32>
    %reduce_min3A_225 = vector.multi_reduction <minsi>, %reduce_min3A_223, %reduce_min3A_224 [1, 2] : vector<1x8x128xi32> to vector<1xi32>
    %reduce_min3A_226 = vector.shape_cast %reduce_min3A_225 : vector<1xi32> to vector<1x1x1xi32>
    %reduce_min3A_227 = vector.extract %reduce_min3A_226[0, 0, 0] : i32 from vector<1x1x1xi32>
    %eq3A_228 = arith.constant 7 : i32
    %eq3A_229 = vector.broadcast %eq3A_228 : i32 to vector<1x32xi32>
    %eq3A_230 = arith.cmpi eq, %iota3A, %eq3A_229 : vector<1x32xi32>
    %broadcast_in_dim3A_231 = vector.broadcast %reduce_max3A_217 : f32 to vector<1x32xf32>
    %select_n3A_232 = arith.select %eq3A_230, %broadcast_in_dim3A_231, %select_n3A_202 : vector<1x32xi1>, vector<1x32xf32>
    %eq3A_233 = arith.constant 7 : i32
    %eq3A_234 = vector.broadcast %eq3A_233 : i32 to vector<1x32xi32>
    %eq3A_235 = arith.cmpi eq, %iota3A, %eq3A_234 : vector<1x32xi32>
    %broadcast_in_dim3A_236 = vector.broadcast %reduce_min3A_227 : i32 to vector<1x32xi32>
    %select_n3A_237 = arith.select %eq3A_235, %broadcast_in_dim3A_236, %select_n3A_207 : vector<1x32xi1>, vector<1x32xi32>
    %eq3A_238 = vector.broadcast %reduce_min3A_227 : i32 to vector<8x128xi32>
    %eq3A_239 = arith.cmpi eq, %get3A_4, %eq3A_238 : vector<8x128xi32>
    %jit3A_240 = arith.constant -3.000000e+38 : f32
    %broadcast_in_dim3A_241 = vector.broadcast %jit3A_240 : f32 to vector<8x128xf32>
    %select_n3A_242 = arith.select %eq3A_239, %broadcast_in_dim3A_241, %select_n3A_212 : vector<8x128xi1>, vector<8x128xf32>
    %reduce_max3A_243 = vector.shape_cast %select_n3A_242 : vector<8x128xf32> to vector<1x8x128xf32>
    %reduce_max3A_244 = arith.constant dense<0xFF800000> : vector<1xf32>
    %reduce_max3A_245 = vector.multi_reduction <maximumf>, %reduce_max3A_243, %reduce_max3A_244 [1, 2] : vector<1x8x128xf32> to vector<1xf32>
    %reduce_max3A_246 = vector.shape_cast %reduce_max3A_245 : vector<1xf32> to vector<1x1x1xf32>
    %reduce_max3A_247 = vector.extract %reduce_max3A_246[0, 0, 0] : f32 from vector<1x1x1xf32>
    %eq3A_248 = vector.broadcast %reduce_max3A_247 : f32 to vector<8x128xf32>
    %eq3A_249 = arith.cmpf oeq, %select_n3A_242, %eq3A_248 : vector<8x128xf32>
    %jit3A_250 = arith.constant 1073741824 : i32
    %broadcast_in_dim3A_251 = vector.broadcast %jit3A_250 : i32 to vector<8x128xi32>
    %select_n3A_252 = arith.select %eq3A_249, %get3A_4, %broadcast_in_dim3A_251 : vector<8x128xi1>, vector<8x128xi32>
    %reduce_min3A_253 = vector.shape_cast %select_n3A_252 : vector<8x128xi32> to vector<1x8x128xi32>
    %reduce_min3A_254 = arith.constant dense<2147483647> : vector<1xi32>
    %reduce_min3A_255 = vector.multi_reduction <minsi>, %reduce_min3A_253, %reduce_min3A_254 [1, 2] : vector<1x8x128xi32> to vector<1xi32>
    %reduce_min3A_256 = vector.shape_cast %reduce_min3A_255 : vector<1xi32> to vector<1x1x1xi32>
    %reduce_min3A_257 = vector.extract %reduce_min3A_256[0, 0, 0] : i32 from vector<1x1x1xi32>
    %eq3A_258 = arith.constant 8 : i32
    %eq3A_259 = vector.broadcast %eq3A_258 : i32 to vector<1x32xi32>
    %eq3A_260 = arith.cmpi eq, %iota3A, %eq3A_259 : vector<1x32xi32>
    %broadcast_in_dim3A_261 = vector.broadcast %reduce_max3A_247 : f32 to vector<1x32xf32>
    %select_n3A_262 = arith.select %eq3A_260, %broadcast_in_dim3A_261, %select_n3A_232 : vector<1x32xi1>, vector<1x32xf32>
    %eq3A_263 = arith.constant 8 : i32
    %eq3A_264 = vector.broadcast %eq3A_263 : i32 to vector<1x32xi32>
    %eq3A_265 = arith.cmpi eq, %iota3A, %eq3A_264 : vector<1x32xi32>
    %broadcast_in_dim3A_266 = vector.broadcast %reduce_min3A_257 : i32 to vector<1x32xi32>
    %select_n3A_267 = arith.select %eq3A_265, %broadcast_in_dim3A_266, %select_n3A_237 : vector<1x32xi1>, vector<1x32xi32>
    %eq3A_268 = vector.broadcast %reduce_min3A_257 : i32 to vector<8x128xi32>
    %eq3A_269 = arith.cmpi eq, %get3A_4, %eq3A_268 : vector<8x128xi32>
    %jit3A_270 = arith.constant -3.000000e+38 : f32
    %broadcast_in_dim3A_271 = vector.broadcast %jit3A_270 : f32 to vector<8x128xf32>
    %select_n3A_272 = arith.select %eq3A_269, %broadcast_in_dim3A_271, %select_n3A_242 : vector<8x128xi1>, vector<8x128xf32>
    %reduce_max3A_273 = vector.shape_cast %select_n3A_272 : vector<8x128xf32> to vector<1x8x128xf32>
    %reduce_max3A_274 = arith.constant dense<0xFF800000> : vector<1xf32>
    %reduce_max3A_275 = vector.multi_reduction <maximumf>, %reduce_max3A_273, %reduce_max3A_274 [1, 2] : vector<1x8x128xf32> to vector<1xf32>
    %reduce_max3A_276 = vector.shape_cast %reduce_max3A_275 : vector<1xf32> to vector<1x1x1xf32>
    %reduce_max3A_277 = vector.extract %reduce_max3A_276[0, 0, 0] : f32 from vector<1x1x1xf32>
    %eq3A_278 = vector.broadcast %reduce_max3A_277 : f32 to vector<8x128xf32>
    %eq3A_279 = arith.cmpf oeq, %select_n3A_272, %eq3A_278 : vector<8x128xf32>
    %jit3A_280 = arith.constant 1073741824 : i32
    %broadcast_in_dim3A_281 = vector.broadcast %jit3A_280 : i32 to vector<8x128xi32>
    %select_n3A_282 = arith.select %eq3A_279, %get3A_4, %broadcast_in_dim3A_281 : vector<8x128xi1>, vector<8x128xi32>
    %reduce_min3A_283 = vector.shape_cast %select_n3A_282 : vector<8x128xi32> to vector<1x8x128xi32>
    %reduce_min3A_284 = arith.constant dense<2147483647> : vector<1xi32>
    %reduce_min3A_285 = vector.multi_reduction <minsi>, %reduce_min3A_283, %reduce_min3A_284 [1, 2] : vector<1x8x128xi32> to vector<1xi32>
    %reduce_min3A_286 = vector.shape_cast %reduce_min3A_285 : vector<1xi32> to vector<1x1x1xi32>
    %reduce_min3A_287 = vector.extract %reduce_min3A_286[0, 0, 0] : i32 from vector<1x1x1xi32>
    %eq3A_288 = arith.constant 9 : i32
    %eq3A_289 = vector.broadcast %eq3A_288 : i32 to vector<1x32xi32>
    %eq3A_290 = arith.cmpi eq, %iota3A, %eq3A_289 : vector<1x32xi32>
    %broadcast_in_dim3A_291 = vector.broadcast %reduce_max3A_277 : f32 to vector<1x32xf32>
    %select_n3A_292 = arith.select %eq3A_290, %broadcast_in_dim3A_291, %select_n3A_262 : vector<1x32xi1>, vector<1x32xf32>
    %eq3A_293 = arith.constant 9 : i32
    %eq3A_294 = vector.broadcast %eq3A_293 : i32 to vector<1x32xi32>
    %eq3A_295 = arith.cmpi eq, %iota3A, %eq3A_294 : vector<1x32xi32>
    %broadcast_in_dim3A_296 = vector.broadcast %reduce_min3A_287 : i32 to vector<1x32xi32>
    %select_n3A_297 = arith.select %eq3A_295, %broadcast_in_dim3A_296, %select_n3A_267 : vector<1x32xi1>, vector<1x32xi32>
    %eq3A_298 = vector.broadcast %reduce_min3A_287 : i32 to vector<8x128xi32>
    %eq3A_299 = arith.cmpi eq, %get3A_4, %eq3A_298 : vector<8x128xi32>
    %jit3A_300 = arith.constant -3.000000e+38 : f32
    %broadcast_in_dim3A_301 = vector.broadcast %jit3A_300 : f32 to vector<8x128xf32>
    %select_n3A_302 = arith.select %eq3A_299, %broadcast_in_dim3A_301, %select_n3A_272 : vector<8x128xi1>, vector<8x128xf32>
    %reduce_max3A_303 = vector.shape_cast %select_n3A_302 : vector<8x128xf32> to vector<1x8x128xf32>
    %reduce_max3A_304 = arith.constant dense<0xFF800000> : vector<1xf32>
    %reduce_max3A_305 = vector.multi_reduction <maximumf>, %reduce_max3A_303, %reduce_max3A_304 [1, 2] : vector<1x8x128xf32> to vector<1xf32>
    %reduce_max3A_306 = vector.shape_cast %reduce_max3A_305 : vector<1xf32> to vector<1x1x1xf32>
    %reduce_max3A_307 = vector.extract %reduce_max3A_306[0, 0, 0] : f32 from vector<1x1x1xf32>
    %eq3A_308 = vector.broadcast %reduce_max3A_307 : f32 to vector<8x128xf32>
    %eq3A_309 = arith.cmpf oeq, %select_n3A_302, %eq3A_308 : vector<8x128xf32>
    %jit3A_310 = arith.constant 1073741824 : i32
    %broadcast_in_dim3A_311 = vector.broadcast %jit3A_310 : i32 to vector<8x128xi32>
    %select_n3A_312 = arith.select %eq3A_309, %get3A_4, %broadcast_in_dim3A_311 : vector<8x128xi1>, vector<8x128xi32>
    %reduce_min3A_313 = vector.shape_cast %select_n3A_312 : vector<8x128xi32> to vector<1x8x128xi32>
    %reduce_min3A_314 = arith.constant dense<2147483647> : vector<1xi32>
    %reduce_min3A_315 = vector.multi_reduction <minsi>, %reduce_min3A_313, %reduce_min3A_314 [1, 2] : vector<1x8x128xi32> to vector<1xi32>
    %reduce_min3A_316 = vector.shape_cast %reduce_min3A_315 : vector<1xi32> to vector<1x1x1xi32>
    %reduce_min3A_317 = vector.extract %reduce_min3A_316[0, 0, 0] : i32 from vector<1x1x1xi32>
    %eq3A_318 = arith.constant 10 : i32
    %eq3A_319 = vector.broadcast %eq3A_318 : i32 to vector<1x32xi32>
    %eq3A_320 = arith.cmpi eq, %iota3A, %eq3A_319 : vector<1x32xi32>
    %broadcast_in_dim3A_321 = vector.broadcast %reduce_max3A_307 : f32 to vector<1x32xf32>
    %select_n3A_322 = arith.select %eq3A_320, %broadcast_in_dim3A_321, %select_n3A_292 : vector<1x32xi1>, vector<1x32xf32>
    %eq3A_323 = arith.constant 10 : i32
    %eq3A_324 = vector.broadcast %eq3A_323 : i32 to vector<1x32xi32>
    %eq3A_325 = arith.cmpi eq, %iota3A, %eq3A_324 : vector<1x32xi32>
    %broadcast_in_dim3A_326 = vector.broadcast %reduce_min3A_317 : i32 to vector<1x32xi32>
    %select_n3A_327 = arith.select %eq3A_325, %broadcast_in_dim3A_326, %select_n3A_297 : vector<1x32xi1>, vector<1x32xi32>
    %eq3A_328 = vector.broadcast %reduce_min3A_317 : i32 to vector<8x128xi32>
    %eq3A_329 = arith.cmpi eq, %get3A_4, %eq3A_328 : vector<8x128xi32>
    %jit3A_330 = arith.constant -3.000000e+38 : f32
    %broadcast_in_dim3A_331 = vector.broadcast %jit3A_330 : f32 to vector<8x128xf32>
    %select_n3A_332 = arith.select %eq3A_329, %broadcast_in_dim3A_331, %select_n3A_302 : vector<8x128xi1>, vector<8x128xf32>
    %reduce_max3A_333 = vector.shape_cast %select_n3A_332 : vector<8x128xf32> to vector<1x8x128xf32>
    %reduce_max3A_334 = arith.constant dense<0xFF800000> : vector<1xf32>
    %reduce_max3A_335 = vector.multi_reduction <maximumf>, %reduce_max3A_333, %reduce_max3A_334 [1, 2] : vector<1x8x128xf32> to vector<1xf32>
    %reduce_max3A_336 = vector.shape_cast %reduce_max3A_335 : vector<1xf32> to vector<1x1x1xf32>
    %reduce_max3A_337 = vector.extract %reduce_max3A_336[0, 0, 0] : f32 from vector<1x1x1xf32>
    %eq3A_338 = vector.broadcast %reduce_max3A_337 : f32 to vector<8x128xf32>
    %eq3A_339 = arith.cmpf oeq, %select_n3A_332, %eq3A_338 : vector<8x128xf32>
    %jit3A_340 = arith.constant 1073741824 : i32
    %broadcast_in_dim3A_341 = vector.broadcast %jit3A_340 : i32 to vector<8x128xi32>
    %select_n3A_342 = arith.select %eq3A_339, %get3A_4, %broadcast_in_dim3A_341 : vector<8x128xi1>, vector<8x128xi32>
    %reduce_min3A_343 = vector.shape_cast %select_n3A_342 : vector<8x128xi32> to vector<1x8x128xi32>
    %reduce_min3A_344 = arith.constant dense<2147483647> : vector<1xi32>
    %reduce_min3A_345 = vector.multi_reduction <minsi>, %reduce_min3A_343, %reduce_min3A_344 [1, 2] : vector<1x8x128xi32> to vector<1xi32>
    %reduce_min3A_346 = vector.shape_cast %reduce_min3A_345 : vector<1xi32> to vector<1x1x1xi32>
    %reduce_min3A_347 = vector.extract %reduce_min3A_346[0, 0, 0] : i32 from vector<1x1x1xi32>
    %eq3A_348 = arith.constant 11 : i32
    %eq3A_349 = vector.broadcast %eq3A_348 : i32 to vector<1x32xi32>
    %eq3A_350 = arith.cmpi eq, %iota3A, %eq3A_349 : vector<1x32xi32>
    %broadcast_in_dim3A_351 = vector.broadcast %reduce_max3A_337 : f32 to vector<1x32xf32>
    %select_n3A_352 = arith.select %eq3A_350, %broadcast_in_dim3A_351, %select_n3A_322 : vector<1x32xi1>, vector<1x32xf32>
    %eq3A_353 = arith.constant 11 : i32
    %eq3A_354 = vector.broadcast %eq3A_353 : i32 to vector<1x32xi32>
    %eq3A_355 = arith.cmpi eq, %iota3A, %eq3A_354 : vector<1x32xi32>
    %broadcast_in_dim3A_356 = vector.broadcast %reduce_min3A_347 : i32 to vector<1x32xi32>
    %select_n3A_357 = arith.select %eq3A_355, %broadcast_in_dim3A_356, %select_n3A_327 : vector<1x32xi1>, vector<1x32xi32>
    %eq3A_358 = vector.broadcast %reduce_min3A_347 : i32 to vector<8x128xi32>
    %eq3A_359 = arith.cmpi eq, %get3A_4, %eq3A_358 : vector<8x128xi32>
    %jit3A_360 = arith.constant -3.000000e+38 : f32
    %broadcast_in_dim3A_361 = vector.broadcast %jit3A_360 : f32 to vector<8x128xf32>
    %select_n3A_362 = arith.select %eq3A_359, %broadcast_in_dim3A_361, %select_n3A_332 : vector<8x128xi1>, vector<8x128xf32>
    %reduce_max3A_363 = vector.shape_cast %select_n3A_362 : vector<8x128xf32> to vector<1x8x128xf32>
    %reduce_max3A_364 = arith.constant dense<0xFF800000> : vector<1xf32>
    %reduce_max3A_365 = vector.multi_reduction <maximumf>, %reduce_max3A_363, %reduce_max3A_364 [1, 2] : vector<1x8x128xf32> to vector<1xf32>
    %reduce_max3A_366 = vector.shape_cast %reduce_max3A_365 : vector<1xf32> to vector<1x1x1xf32>
    %reduce_max3A_367 = vector.extract %reduce_max3A_366[0, 0, 0] : f32 from vector<1x1x1xf32>
    %eq3A_368 = vector.broadcast %reduce_max3A_367 : f32 to vector<8x128xf32>
    %eq3A_369 = arith.cmpf oeq, %select_n3A_362, %eq3A_368 : vector<8x128xf32>
    %jit3A_370 = arith.constant 1073741824 : i32
    %broadcast_in_dim3A_371 = vector.broadcast %jit3A_370 : i32 to vector<8x128xi32>
    %select_n3A_372 = arith.select %eq3A_369, %get3A_4, %broadcast_in_dim3A_371 : vector<8x128xi1>, vector<8x128xi32>
    %reduce_min3A_373 = vector.shape_cast %select_n3A_372 : vector<8x128xi32> to vector<1x8x128xi32>
    %reduce_min3A_374 = arith.constant dense<2147483647> : vector<1xi32>
    %reduce_min3A_375 = vector.multi_reduction <minsi>, %reduce_min3A_373, %reduce_min3A_374 [1, 2] : vector<1x8x128xi32> to vector<1xi32>
    %reduce_min3A_376 = vector.shape_cast %reduce_min3A_375 : vector<1xi32> to vector<1x1x1xi32>
    %reduce_min3A_377 = vector.extract %reduce_min3A_376[0, 0, 0] : i32 from vector<1x1x1xi32>
    %eq3A_378 = arith.constant 12 : i32
    %eq3A_379 = vector.broadcast %eq3A_378 : i32 to vector<1x32xi32>
    %eq3A_380 = arith.cmpi eq, %iota3A, %eq3A_379 : vector<1x32xi32>
    %broadcast_in_dim3A_381 = vector.broadcast %reduce_max3A_367 : f32 to vector<1x32xf32>
    %select_n3A_382 = arith.select %eq3A_380, %broadcast_in_dim3A_381, %select_n3A_352 : vector<1x32xi1>, vector<1x32xf32>
    %eq3A_383 = arith.constant 12 : i32
    %eq3A_384 = vector.broadcast %eq3A_383 : i32 to vector<1x32xi32>
    %eq3A_385 = arith.cmpi eq, %iota3A, %eq3A_384 : vector<1x32xi32>
    %broadcast_in_dim3A_386 = vector.broadcast %reduce_min3A_377 : i32 to vector<1x32xi32>
    %select_n3A_387 = arith.select %eq3A_385, %broadcast_in_dim3A_386, %select_n3A_357 : vector<1x32xi1>, vector<1x32xi32>
    %eq3A_388 = vector.broadcast %reduce_min3A_377 : i32 to vector<8x128xi32>
    %eq3A_389 = arith.cmpi eq, %get3A_4, %eq3A_388 : vector<8x128xi32>
    %jit3A_390 = arith.constant -3.000000e+38 : f32
    %broadcast_in_dim3A_391 = vector.broadcast %jit3A_390 : f32 to vector<8x128xf32>
    %select_n3A_392 = arith.select %eq3A_389, %broadcast_in_dim3A_391, %select_n3A_362 : vector<8x128xi1>, vector<8x128xf32>
    %reduce_max3A_393 = vector.shape_cast %select_n3A_392 : vector<8x128xf32> to vector<1x8x128xf32>
    %reduce_max3A_394 = arith.constant dense<0xFF800000> : vector<1xf32>
    %reduce_max3A_395 = vector.multi_reduction <maximumf>, %reduce_max3A_393, %reduce_max3A_394 [1, 2] : vector<1x8x128xf32> to vector<1xf32>
    %reduce_max3A_396 = vector.shape_cast %reduce_max3A_395 : vector<1xf32> to vector<1x1x1xf32>
    %reduce_max3A_397 = vector.extract %reduce_max3A_396[0, 0, 0] : f32 from vector<1x1x1xf32>
    %eq3A_398 = vector.broadcast %reduce_max3A_397 : f32 to vector<8x128xf32>
    %eq3A_399 = arith.cmpf oeq, %select_n3A_392, %eq3A_398 : vector<8x128xf32>
    %jit3A_400 = arith.constant 1073741824 : i32
    %broadcast_in_dim3A_401 = vector.broadcast %jit3A_400 : i32 to vector<8x128xi32>
    %select_n3A_402 = arith.select %eq3A_399, %get3A_4, %broadcast_in_dim3A_401 : vector<8x128xi1>, vector<8x128xi32>
    %reduce_min3A_403 = vector.shape_cast %select_n3A_402 : vector<8x128xi32> to vector<1x8x128xi32>
    %reduce_min3A_404 = arith.constant dense<2147483647> : vector<1xi32>
    %reduce_min3A_405 = vector.multi_reduction <minsi>, %reduce_min3A_403, %reduce_min3A_404 [1, 2] : vector<1x8x128xi32> to vector<1xi32>
    %reduce_min3A_406 = vector.shape_cast %reduce_min3A_405 : vector<1xi32> to vector<1x1x1xi32>
    %reduce_min3A_407 = vector.extract %reduce_min3A_406[0, 0, 0] : i32 from vector<1x1x1xi32>
    %eq3A_408 = arith.constant 13 : i32
    %eq3A_409 = vector.broadcast %eq3A_408 : i32 to vector<1x32xi32>
    %eq3A_410 = arith.cmpi eq, %iota3A, %eq3A_409 : vector<1x32xi32>
    %broadcast_in_dim3A_411 = vector.broadcast %reduce_max3A_397 : f32 to vector<1x32xf32>
    %select_n3A_412 = arith.select %eq3A_410, %broadcast_in_dim3A_411, %select_n3A_382 : vector<1x32xi1>, vector<1x32xf32>
    %eq3A_413 = arith.constant 13 : i32
    %eq3A_414 = vector.broadcast %eq3A_413 : i32 to vector<1x32xi32>
    %eq3A_415 = arith.cmpi eq, %iota3A, %eq3A_414 : vector<1x32xi32>
    %broadcast_in_dim3A_416 = vector.broadcast %reduce_min3A_407 : i32 to vector<1x32xi32>
    %select_n3A_417 = arith.select %eq3A_415, %broadcast_in_dim3A_416, %select_n3A_387 : vector<1x32xi1>, vector<1x32xi32>
    %eq3A_418 = vector.broadcast %reduce_min3A_407 : i32 to vector<8x128xi32>
    %eq3A_419 = arith.cmpi eq, %get3A_4, %eq3A_418 : vector<8x128xi32>
    %jit3A_420 = arith.constant -3.000000e+38 : f32
    %broadcast_in_dim3A_421 = vector.broadcast %jit3A_420 : f32 to vector<8x128xf32>
    %select_n3A_422 = arith.select %eq3A_419, %broadcast_in_dim3A_421, %select_n3A_392 : vector<8x128xi1>, vector<8x128xf32>
    %reduce_max3A_423 = vector.shape_cast %select_n3A_422 : vector<8x128xf32> to vector<1x8x128xf32>
    %reduce_max3A_424 = arith.constant dense<0xFF800000> : vector<1xf32>
    %reduce_max3A_425 = vector.multi_reduction <maximumf>, %reduce_max3A_423, %reduce_max3A_424 [1, 2] : vector<1x8x128xf32> to vector<1xf32>
    %reduce_max3A_426 = vector.shape_cast %reduce_max3A_425 : vector<1xf32> to vector<1x1x1xf32>
    %reduce_max3A_427 = vector.extract %reduce_max3A_426[0, 0, 0] : f32 from vector<1x1x1xf32>
    %eq3A_428 = vector.broadcast %reduce_max3A_427 : f32 to vector<8x128xf32>
    %eq3A_429 = arith.cmpf oeq, %select_n3A_422, %eq3A_428 : vector<8x128xf32>
    %jit3A_430 = arith.constant 1073741824 : i32
    %broadcast_in_dim3A_431 = vector.broadcast %jit3A_430 : i32 to vector<8x128xi32>
    %select_n3A_432 = arith.select %eq3A_429, %get3A_4, %broadcast_in_dim3A_431 : vector<8x128xi1>, vector<8x128xi32>
    %reduce_min3A_433 = vector.shape_cast %select_n3A_432 : vector<8x128xi32> to vector<1x8x128xi32>
    %reduce_min3A_434 = arith.constant dense<2147483647> : vector<1xi32>
    %reduce_min3A_435 = vector.multi_reduction <minsi>, %reduce_min3A_433, %reduce_min3A_434 [1, 2] : vector<1x8x128xi32> to vector<1xi32>
    %reduce_min3A_436 = vector.shape_cast %reduce_min3A_435 : vector<1xi32> to vector<1x1x1xi32>
    %reduce_min3A_437 = vector.extract %reduce_min3A_436[0, 0, 0] : i32 from vector<1x1x1xi32>
    %eq3A_438 = arith.constant 14 : i32
    %eq3A_439 = vector.broadcast %eq3A_438 : i32 to vector<1x32xi32>
    %eq3A_440 = arith.cmpi eq, %iota3A, %eq3A_439 : vector<1x32xi32>
    %broadcast_in_dim3A_441 = vector.broadcast %reduce_max3A_427 : f32 to vector<1x32xf32>
    %select_n3A_442 = arith.select %eq3A_440, %broadcast_in_dim3A_441, %select_n3A_412 : vector<1x32xi1>, vector<1x32xf32>
    %eq3A_443 = arith.constant 14 : i32
    %eq3A_444 = vector.broadcast %eq3A_443 : i32 to vector<1x32xi32>
    %eq3A_445 = arith.cmpi eq, %iota3A, %eq3A_444 : vector<1x32xi32>
    %broadcast_in_dim3A_446 = vector.broadcast %reduce_min3A_437 : i32 to vector<1x32xi32>
    %select_n3A_447 = arith.select %eq3A_445, %broadcast_in_dim3A_446, %select_n3A_417 : vector<1x32xi1>, vector<1x32xi32>
    %eq3A_448 = vector.broadcast %reduce_min3A_437 : i32 to vector<8x128xi32>
    %eq3A_449 = arith.cmpi eq, %get3A_4, %eq3A_448 : vector<8x128xi32>
    %jit3A_450 = arith.constant -3.000000e+38 : f32
    %broadcast_in_dim3A_451 = vector.broadcast %jit3A_450 : f32 to vector<8x128xf32>
    %select_n3A_452 = arith.select %eq3A_449, %broadcast_in_dim3A_451, %select_n3A_422 : vector<8x128xi1>, vector<8x128xf32>
    %reduce_max3A_453 = vector.shape_cast %select_n3A_452 : vector<8x128xf32> to vector<1x8x128xf32>
    %reduce_max3A_454 = arith.constant dense<0xFF800000> : vector<1xf32>
    %reduce_max3A_455 = vector.multi_reduction <maximumf>, %reduce_max3A_453, %reduce_max3A_454 [1, 2] : vector<1x8x128xf32> to vector<1xf32>
    %reduce_max3A_456 = vector.shape_cast %reduce_max3A_455 : vector<1xf32> to vector<1x1x1xf32>
    %reduce_max3A_457 = vector.extract %reduce_max3A_456[0, 0, 0] : f32 from vector<1x1x1xf32>
    %eq3A_458 = vector.broadcast %reduce_max3A_457 : f32 to vector<8x128xf32>
    %eq3A_459 = arith.cmpf oeq, %select_n3A_452, %eq3A_458 : vector<8x128xf32>
    %jit3A_460 = arith.constant 1073741824 : i32
    %broadcast_in_dim3A_461 = vector.broadcast %jit3A_460 : i32 to vector<8x128xi32>
    %select_n3A_462 = arith.select %eq3A_459, %get3A_4, %broadcast_in_dim3A_461 : vector<8x128xi1>, vector<8x128xi32>
    %reduce_min3A_463 = vector.shape_cast %select_n3A_462 : vector<8x128xi32> to vector<1x8x128xi32>
    %reduce_min3A_464 = arith.constant dense<2147483647> : vector<1xi32>
    %reduce_min3A_465 = vector.multi_reduction <minsi>, %reduce_min3A_463, %reduce_min3A_464 [1, 2] : vector<1x8x128xi32> to vector<1xi32>
    %reduce_min3A_466 = vector.shape_cast %reduce_min3A_465 : vector<1xi32> to vector<1x1x1xi32>
    %reduce_min3A_467 = vector.extract %reduce_min3A_466[0, 0, 0] : i32 from vector<1x1x1xi32>
    %eq3A_468 = arith.constant 15 : i32
    %eq3A_469 = vector.broadcast %eq3A_468 : i32 to vector<1x32xi32>
    %eq3A_470 = arith.cmpi eq, %iota3A, %eq3A_469 : vector<1x32xi32>
    %broadcast_in_dim3A_471 = vector.broadcast %reduce_max3A_457 : f32 to vector<1x32xf32>
    %select_n3A_472 = arith.select %eq3A_470, %broadcast_in_dim3A_471, %select_n3A_442 : vector<1x32xi1>, vector<1x32xf32>
    %eq3A_473 = arith.constant 15 : i32
    %eq3A_474 = vector.broadcast %eq3A_473 : i32 to vector<1x32xi32>
    %eq3A_475 = arith.cmpi eq, %iota3A, %eq3A_474 : vector<1x32xi32>
    %broadcast_in_dim3A_476 = vector.broadcast %reduce_min3A_467 : i32 to vector<1x32xi32>
    %select_n3A_477 = arith.select %eq3A_475, %broadcast_in_dim3A_476, %select_n3A_447 : vector<1x32xi1>, vector<1x32xi32>
    %eq3A_478 = vector.broadcast %reduce_min3A_467 : i32 to vector<8x128xi32>
    %eq3A_479 = arith.cmpi eq, %get3A_4, %eq3A_478 : vector<8x128xi32>
    %jit3A_480 = arith.constant -3.000000e+38 : f32
    %broadcast_in_dim3A_481 = vector.broadcast %jit3A_480 : f32 to vector<8x128xf32>
    %select_n3A_482 = arith.select %eq3A_479, %broadcast_in_dim3A_481, %select_n3A_452 : vector<8x128xi1>, vector<8x128xf32>
    %reduce_max3A_483 = vector.shape_cast %select_n3A_482 : vector<8x128xf32> to vector<1x8x128xf32>
    %reduce_max3A_484 = arith.constant dense<0xFF800000> : vector<1xf32>
    %reduce_max3A_485 = vector.multi_reduction <maximumf>, %reduce_max3A_483, %reduce_max3A_484 [1, 2] : vector<1x8x128xf32> to vector<1xf32>
    %reduce_max3A_486 = vector.shape_cast %reduce_max3A_485 : vector<1xf32> to vector<1x1x1xf32>
    %reduce_max3A_487 = vector.extract %reduce_max3A_486[0, 0, 0] : f32 from vector<1x1x1xf32>
    %eq3A_488 = vector.broadcast %reduce_max3A_487 : f32 to vector<8x128xf32>
    %eq3A_489 = arith.cmpf oeq, %select_n3A_482, %eq3A_488 : vector<8x128xf32>
    %jit3A_490 = arith.constant 1073741824 : i32
    %broadcast_in_dim3A_491 = vector.broadcast %jit3A_490 : i32 to vector<8x128xi32>
    %select_n3A_492 = arith.select %eq3A_489, %get3A_4, %broadcast_in_dim3A_491 : vector<8x128xi1>, vector<8x128xi32>
    %reduce_min3A_493 = vector.shape_cast %select_n3A_492 : vector<8x128xi32> to vector<1x8x128xi32>
    %reduce_min3A_494 = arith.constant dense<2147483647> : vector<1xi32>
    %reduce_min3A_495 = vector.multi_reduction <minsi>, %reduce_min3A_493, %reduce_min3A_494 [1, 2] : vector<1x8x128xi32> to vector<1xi32>
    %reduce_min3A_496 = vector.shape_cast %reduce_min3A_495 : vector<1xi32> to vector<1x1x1xi32>
    %reduce_min3A_497 = vector.extract %reduce_min3A_496[0, 0, 0] : i32 from vector<1x1x1xi32>
    %eq3A_498 = arith.constant 16 : i32
    %eq3A_499 = vector.broadcast %eq3A_498 : i32 to vector<1x32xi32>
    %eq3A_500 = arith.cmpi eq, %iota3A, %eq3A_499 : vector<1x32xi32>
    %broadcast_in_dim3A_501 = vector.broadcast %reduce_max3A_487 : f32 to vector<1x32xf32>
    %select_n3A_502 = arith.select %eq3A_500, %broadcast_in_dim3A_501, %select_n3A_472 : vector<1x32xi1>, vector<1x32xf32>
    %eq3A_503 = arith.constant 16 : i32
    %eq3A_504 = vector.broadcast %eq3A_503 : i32 to vector<1x32xi32>
    %eq3A_505 = arith.cmpi eq, %iota3A, %eq3A_504 : vector<1x32xi32>
    %broadcast_in_dim3A_506 = vector.broadcast %reduce_min3A_497 : i32 to vector<1x32xi32>
    %select_n3A_507 = arith.select %eq3A_505, %broadcast_in_dim3A_506, %select_n3A_477 : vector<1x32xi1>, vector<1x32xi32>
    %eq3A_508 = vector.broadcast %reduce_min3A_497 : i32 to vector<8x128xi32>
    %eq3A_509 = arith.cmpi eq, %get3A_4, %eq3A_508 : vector<8x128xi32>
    %jit3A_510 = arith.constant -3.000000e+38 : f32
    %broadcast_in_dim3A_511 = vector.broadcast %jit3A_510 : f32 to vector<8x128xf32>
    %select_n3A_512 = arith.select %eq3A_509, %broadcast_in_dim3A_511, %select_n3A_482 : vector<8x128xi1>, vector<8x128xf32>
    %reduce_max3A_513 = vector.shape_cast %select_n3A_512 : vector<8x128xf32> to vector<1x8x128xf32>
    %reduce_max3A_514 = arith.constant dense<0xFF800000> : vector<1xf32>
    %reduce_max3A_515 = vector.multi_reduction <maximumf>, %reduce_max3A_513, %reduce_max3A_514 [1, 2] : vector<1x8x128xf32> to vector<1xf32>
    %reduce_max3A_516 = vector.shape_cast %reduce_max3A_515 : vector<1xf32> to vector<1x1x1xf32>
    %reduce_max3A_517 = vector.extract %reduce_max3A_516[0, 0, 0] : f32 from vector<1x1x1xf32>
    %eq3A_518 = vector.broadcast %reduce_max3A_517 : f32 to vector<8x128xf32>
    %eq3A_519 = arith.cmpf oeq, %select_n3A_512, %eq3A_518 : vector<8x128xf32>
    %jit3A_520 = arith.constant 1073741824 : i32
    %broadcast_in_dim3A_521 = vector.broadcast %jit3A_520 : i32 to vector<8x128xi32>
    %select_n3A_522 = arith.select %eq3A_519, %get3A_4, %broadcast_in_dim3A_521 : vector<8x128xi1>, vector<8x128xi32>
    %reduce_min3A_523 = vector.shape_cast %select_n3A_522 : vector<8x128xi32> to vector<1x8x128xi32>
    %reduce_min3A_524 = arith.constant dense<2147483647> : vector<1xi32>
    %reduce_min3A_525 = vector.multi_reduction <minsi>, %reduce_min3A_523, %reduce_min3A_524 [1, 2] : vector<1x8x128xi32> to vector<1xi32>
    %reduce_min3A_526 = vector.shape_cast %reduce_min3A_525 : vector<1xi32> to vector<1x1x1xi32>
    %reduce_min3A_527 = vector.extract %reduce_min3A_526[0, 0, 0] : i32 from vector<1x1x1xi32>
    %eq3A_528 = arith.constant 17 : i32
    %eq3A_529 = vector.broadcast %eq3A_528 : i32 to vector<1x32xi32>
    %eq3A_530 = arith.cmpi eq, %iota3A, %eq3A_529 : vector<1x32xi32>
    %broadcast_in_dim3A_531 = vector.broadcast %reduce_max3A_517 : f32 to vector<1x32xf32>
    %select_n3A_532 = arith.select %eq3A_530, %broadcast_in_dim3A_531, %select_n3A_502 : vector<1x32xi1>, vector<1x32xf32>
    %eq3A_533 = arith.constant 17 : i32
    %eq3A_534 = vector.broadcast %eq3A_533 : i32 to vector<1x32xi32>
    %eq3A_535 = arith.cmpi eq, %iota3A, %eq3A_534 : vector<1x32xi32>
    %broadcast_in_dim3A_536 = vector.broadcast %reduce_min3A_527 : i32 to vector<1x32xi32>
    %select_n3A_537 = arith.select %eq3A_535, %broadcast_in_dim3A_536, %select_n3A_507 : vector<1x32xi1>, vector<1x32xi32>
    %eq3A_538 = vector.broadcast %reduce_min3A_527 : i32 to vector<8x128xi32>
    %eq3A_539 = arith.cmpi eq, %get3A_4, %eq3A_538 : vector<8x128xi32>
    %jit3A_540 = arith.constant -3.000000e+38 : f32
    %broadcast_in_dim3A_541 = vector.broadcast %jit3A_540 : f32 to vector<8x128xf32>
    %select_n3A_542 = arith.select %eq3A_539, %broadcast_in_dim3A_541, %select_n3A_512 : vector<8x128xi1>, vector<8x128xf32>
    %reduce_max3A_543 = vector.shape_cast %select_n3A_542 : vector<8x128xf32> to vector<1x8x128xf32>
    %reduce_max3A_544 = arith.constant dense<0xFF800000> : vector<1xf32>
    %reduce_max3A_545 = vector.multi_reduction <maximumf>, %reduce_max3A_543, %reduce_max3A_544 [1, 2] : vector<1x8x128xf32> to vector<1xf32>
    %reduce_max3A_546 = vector.shape_cast %reduce_max3A_545 : vector<1xf32> to vector<1x1x1xf32>
    %reduce_max3A_547 = vector.extract %reduce_max3A_546[0, 0, 0] : f32 from vector<1x1x1xf32>
    %eq3A_548 = vector.broadcast %reduce_max3A_547 : f32 to vector<8x128xf32>
    %eq3A_549 = arith.cmpf oeq, %select_n3A_542, %eq3A_548 : vector<8x128xf32>
    %jit3A_550 = arith.constant 1073741824 : i32
    %broadcast_in_dim3A_551 = vector.broadcast %jit3A_550 : i32 to vector<8x128xi32>
    %select_n3A_552 = arith.select %eq3A_549, %get3A_4, %broadcast_in_dim3A_551 : vector<8x128xi1>, vector<8x128xi32>
    %reduce_min3A_553 = vector.shape_cast %select_n3A_552 : vector<8x128xi32> to vector<1x8x128xi32>
    %reduce_min3A_554 = arith.constant dense<2147483647> : vector<1xi32>
    %reduce_min3A_555 = vector.multi_reduction <minsi>, %reduce_min3A_553, %reduce_min3A_554 [1, 2] : vector<1x8x128xi32> to vector<1xi32>
    %reduce_min3A_556 = vector.shape_cast %reduce_min3A_555 : vector<1xi32> to vector<1x1x1xi32>
    %reduce_min3A_557 = vector.extract %reduce_min3A_556[0, 0, 0] : i32 from vector<1x1x1xi32>
    %eq3A_558 = arith.constant 18 : i32
    %eq3A_559 = vector.broadcast %eq3A_558 : i32 to vector<1x32xi32>
    %eq3A_560 = arith.cmpi eq, %iota3A, %eq3A_559 : vector<1x32xi32>
    %broadcast_in_dim3A_561 = vector.broadcast %reduce_max3A_547 : f32 to vector<1x32xf32>
    %select_n3A_562 = arith.select %eq3A_560, %broadcast_in_dim3A_561, %select_n3A_532 : vector<1x32xi1>, vector<1x32xf32>
    %eq3A_563 = arith.constant 18 : i32
    %eq3A_564 = vector.broadcast %eq3A_563 : i32 to vector<1x32xi32>
    %eq3A_565 = arith.cmpi eq, %iota3A, %eq3A_564 : vector<1x32xi32>
    %broadcast_in_dim3A_566 = vector.broadcast %reduce_min3A_557 : i32 to vector<1x32xi32>
    %select_n3A_567 = arith.select %eq3A_565, %broadcast_in_dim3A_566, %select_n3A_537 : vector<1x32xi1>, vector<1x32xi32>
    %eq3A_568 = vector.broadcast %reduce_min3A_557 : i32 to vector<8x128xi32>
    %eq3A_569 = arith.cmpi eq, %get3A_4, %eq3A_568 : vector<8x128xi32>
    %jit3A_570 = arith.constant -3.000000e+38 : f32
    %broadcast_in_dim3A_571 = vector.broadcast %jit3A_570 : f32 to vector<8x128xf32>
    %select_n3A_572 = arith.select %eq3A_569, %broadcast_in_dim3A_571, %select_n3A_542 : vector<8x128xi1>, vector<8x128xf32>
    %reduce_max3A_573 = vector.shape_cast %select_n3A_572 : vector<8x128xf32> to vector<1x8x128xf32>
    %reduce_max3A_574 = arith.constant dense<0xFF800000> : vector<1xf32>
    %reduce_max3A_575 = vector.multi_reduction <maximumf>, %reduce_max3A_573, %reduce_max3A_574 [1, 2] : vector<1x8x128xf32> to vector<1xf32>
    %reduce_max3A_576 = vector.shape_cast %reduce_max3A_575 : vector<1xf32> to vector<1x1x1xf32>
    %reduce_max3A_577 = vector.extract %reduce_max3A_576[0, 0, 0] : f32 from vector<1x1x1xf32>
    %eq3A_578 = vector.broadcast %reduce_max3A_577 : f32 to vector<8x128xf32>
    %eq3A_579 = arith.cmpf oeq, %select_n3A_572, %eq3A_578 : vector<8x128xf32>
    %jit3A_580 = arith.constant 1073741824 : i32
    %broadcast_in_dim3A_581 = vector.broadcast %jit3A_580 : i32 to vector<8x128xi32>
    %select_n3A_582 = arith.select %eq3A_579, %get3A_4, %broadcast_in_dim3A_581 : vector<8x128xi1>, vector<8x128xi32>
    %reduce_min3A_583 = vector.shape_cast %select_n3A_582 : vector<8x128xi32> to vector<1x8x128xi32>
    %reduce_min3A_584 = arith.constant dense<2147483647> : vector<1xi32>
    %reduce_min3A_585 = vector.multi_reduction <minsi>, %reduce_min3A_583, %reduce_min3A_584 [1, 2] : vector<1x8x128xi32> to vector<1xi32>
    %reduce_min3A_586 = vector.shape_cast %reduce_min3A_585 : vector<1xi32> to vector<1x1x1xi32>
    %reduce_min3A_587 = vector.extract %reduce_min3A_586[0, 0, 0] : i32 from vector<1x1x1xi32>
    %eq3A_588 = arith.constant 19 : i32
    %eq3A_589 = vector.broadcast %eq3A_588 : i32 to vector<1x32xi32>
    %eq3A_590 = arith.cmpi eq, %iota3A, %eq3A_589 : vector<1x32xi32>
    %broadcast_in_dim3A_591 = vector.broadcast %reduce_max3A_577 : f32 to vector<1x32xf32>
    %select_n3A_592 = arith.select %eq3A_590, %broadcast_in_dim3A_591, %select_n3A_562 : vector<1x32xi1>, vector<1x32xf32>
    %eq3A_593 = arith.constant 19 : i32
    %eq3A_594 = vector.broadcast %eq3A_593 : i32 to vector<1x32xi32>
    %eq3A_595 = arith.cmpi eq, %iota3A, %eq3A_594 : vector<1x32xi32>
    %broadcast_in_dim3A_596 = vector.broadcast %reduce_min3A_587 : i32 to vector<1x32xi32>
    %select_n3A_597 = arith.select %eq3A_595, %broadcast_in_dim3A_596, %select_n3A_567 : vector<1x32xi1>, vector<1x32xi32>
    %eq3A_598 = vector.broadcast %reduce_min3A_587 : i32 to vector<8x128xi32>
    %eq3A_599 = arith.cmpi eq, %get3A_4, %eq3A_598 : vector<8x128xi32>
    %jit3A_600 = arith.constant -3.000000e+38 : f32
    %broadcast_in_dim3A_601 = vector.broadcast %jit3A_600 : f32 to vector<8x128xf32>
    %select_n3A_602 = arith.select %eq3A_599, %broadcast_in_dim3A_601, %select_n3A_572 : vector<8x128xi1>, vector<8x128xf32>
    %reduce_max3A_603 = vector.shape_cast %select_n3A_602 : vector<8x128xf32> to vector<1x8x128xf32>
    %reduce_max3A_604 = arith.constant dense<0xFF800000> : vector<1xf32>
    %reduce_max3A_605 = vector.multi_reduction <maximumf>, %reduce_max3A_603, %reduce_max3A_604 [1, 2] : vector<1x8x128xf32> to vector<1xf32>
    %reduce_max3A_606 = vector.shape_cast %reduce_max3A_605 : vector<1xf32> to vector<1x1x1xf32>
    %reduce_max3A_607 = vector.extract %reduce_max3A_606[0, 0, 0] : f32 from vector<1x1x1xf32>
    %eq3A_608 = vector.broadcast %reduce_max3A_607 : f32 to vector<8x128xf32>
    %eq3A_609 = arith.cmpf oeq, %select_n3A_602, %eq3A_608 : vector<8x128xf32>
    %jit3A_610 = arith.constant 1073741824 : i32
    %broadcast_in_dim3A_611 = vector.broadcast %jit3A_610 : i32 to vector<8x128xi32>
    %select_n3A_612 = arith.select %eq3A_609, %get3A_4, %broadcast_in_dim3A_611 : vector<8x128xi1>, vector<8x128xi32>
    %reduce_min3A_613 = vector.shape_cast %select_n3A_612 : vector<8x128xi32> to vector<1x8x128xi32>
    %reduce_min3A_614 = arith.constant dense<2147483647> : vector<1xi32>
    %reduce_min3A_615 = vector.multi_reduction <minsi>, %reduce_min3A_613, %reduce_min3A_614 [1, 2] : vector<1x8x128xi32> to vector<1xi32>
    %reduce_min3A_616 = vector.shape_cast %reduce_min3A_615 : vector<1xi32> to vector<1x1x1xi32>
    %reduce_min3A_617 = vector.extract %reduce_min3A_616[0, 0, 0] : i32 from vector<1x1x1xi32>
    %eq3A_618 = arith.constant 20 : i32
    %eq3A_619 = vector.broadcast %eq3A_618 : i32 to vector<1x32xi32>
    %eq3A_620 = arith.cmpi eq, %iota3A, %eq3A_619 : vector<1x32xi32>
    %broadcast_in_dim3A_621 = vector.broadcast %reduce_max3A_607 : f32 to vector<1x32xf32>
    %select_n3A_622 = arith.select %eq3A_620, %broadcast_in_dim3A_621, %select_n3A_592 : vector<1x32xi1>, vector<1x32xf32>
    %eq3A_623 = arith.constant 20 : i32
    %eq3A_624 = vector.broadcast %eq3A_623 : i32 to vector<1x32xi32>
    %eq3A_625 = arith.cmpi eq, %iota3A, %eq3A_624 : vector<1x32xi32>
    %broadcast_in_dim3A_626 = vector.broadcast %reduce_min3A_617 : i32 to vector<1x32xi32>
    %select_n3A_627 = arith.select %eq3A_625, %broadcast_in_dim3A_626, %select_n3A_597 : vector<1x32xi1>, vector<1x32xi32>
    %eq3A_628 = vector.broadcast %reduce_min3A_617 : i32 to vector<8x128xi32>
    %eq3A_629 = arith.cmpi eq, %get3A_4, %eq3A_628 : vector<8x128xi32>
    %jit3A_630 = arith.constant -3.000000e+38 : f32
    %broadcast_in_dim3A_631 = vector.broadcast %jit3A_630 : f32 to vector<8x128xf32>
    %select_n3A_632 = arith.select %eq3A_629, %broadcast_in_dim3A_631, %select_n3A_602 : vector<8x128xi1>, vector<8x128xf32>
    %reduce_max3A_633 = vector.shape_cast %select_n3A_632 : vector<8x128xf32> to vector<1x8x128xf32>
    %reduce_max3A_634 = arith.constant dense<0xFF800000> : vector<1xf32>
    %reduce_max3A_635 = vector.multi_reduction <maximumf>, %reduce_max3A_633, %reduce_max3A_634 [1, 2] : vector<1x8x128xf32> to vector<1xf32>
    %reduce_max3A_636 = vector.shape_cast %reduce_max3A_635 : vector<1xf32> to vector<1x1x1xf32>
    %reduce_max3A_637 = vector.extract %reduce_max3A_636[0, 0, 0] : f32 from vector<1x1x1xf32>
    %eq3A_638 = vector.broadcast %reduce_max3A_637 : f32 to vector<8x128xf32>
    %eq3A_639 = arith.cmpf oeq, %select_n3A_632, %eq3A_638 : vector<8x128xf32>
    %jit3A_640 = arith.constant 1073741824 : i32
    %broadcast_in_dim3A_641 = vector.broadcast %jit3A_640 : i32 to vector<8x128xi32>
    %select_n3A_642 = arith.select %eq3A_639, %get3A_4, %broadcast_in_dim3A_641 : vector<8x128xi1>, vector<8x128xi32>
    %reduce_min3A_643 = vector.shape_cast %select_n3A_642 : vector<8x128xi32> to vector<1x8x128xi32>
    %reduce_min3A_644 = arith.constant dense<2147483647> : vector<1xi32>
    %reduce_min3A_645 = vector.multi_reduction <minsi>, %reduce_min3A_643, %reduce_min3A_644 [1, 2] : vector<1x8x128xi32> to vector<1xi32>
    %reduce_min3A_646 = vector.shape_cast %reduce_min3A_645 : vector<1xi32> to vector<1x1x1xi32>
    %reduce_min3A_647 = vector.extract %reduce_min3A_646[0, 0, 0] : i32 from vector<1x1x1xi32>
    %eq3A_648 = arith.constant 21 : i32
    %eq3A_649 = vector.broadcast %eq3A_648 : i32 to vector<1x32xi32>
    %eq3A_650 = arith.cmpi eq, %iota3A, %eq3A_649 : vector<1x32xi32>
    %broadcast_in_dim3A_651 = vector.broadcast %reduce_max3A_637 : f32 to vector<1x32xf32>
    %select_n3A_652 = arith.select %eq3A_650, %broadcast_in_dim3A_651, %select_n3A_622 : vector<1x32xi1>, vector<1x32xf32>
    %eq3A_653 = arith.constant 21 : i32
    %eq3A_654 = vector.broadcast %eq3A_653 : i32 to vector<1x32xi32>
    %eq3A_655 = arith.cmpi eq, %iota3A, %eq3A_654 : vector<1x32xi32>
    %broadcast_in_dim3A_656 = vector.broadcast %reduce_min3A_647 : i32 to vector<1x32xi32>
    %select_n3A_657 = arith.select %eq3A_655, %broadcast_in_dim3A_656, %select_n3A_627 : vector<1x32xi1>, vector<1x32xi32>
    %eq3A_658 = vector.broadcast %reduce_min3A_647 : i32 to vector<8x128xi32>
    %eq3A_659 = arith.cmpi eq, %get3A_4, %eq3A_658 : vector<8x128xi32>
    %jit3A_660 = arith.constant -3.000000e+38 : f32
    %broadcast_in_dim3A_661 = vector.broadcast %jit3A_660 : f32 to vector<8x128xf32>
    %select_n3A_662 = arith.select %eq3A_659, %broadcast_in_dim3A_661, %select_n3A_632 : vector<8x128xi1>, vector<8x128xf32>
    %reduce_max3A_663 = vector.shape_cast %select_n3A_662 : vector<8x128xf32> to vector<1x8x128xf32>
    %reduce_max3A_664 = arith.constant dense<0xFF800000> : vector<1xf32>
    %reduce_max3A_665 = vector.multi_reduction <maximumf>, %reduce_max3A_663, %reduce_max3A_664 [1, 2] : vector<1x8x128xf32> to vector<1xf32>
    %reduce_max3A_666 = vector.shape_cast %reduce_max3A_665 : vector<1xf32> to vector<1x1x1xf32>
    %reduce_max3A_667 = vector.extract %reduce_max3A_666[0, 0, 0] : f32 from vector<1x1x1xf32>
    %eq3A_668 = vector.broadcast %reduce_max3A_667 : f32 to vector<8x128xf32>
    %eq3A_669 = arith.cmpf oeq, %select_n3A_662, %eq3A_668 : vector<8x128xf32>
    %jit3A_670 = arith.constant 1073741824 : i32
    %broadcast_in_dim3A_671 = vector.broadcast %jit3A_670 : i32 to vector<8x128xi32>
    %select_n3A_672 = arith.select %eq3A_669, %get3A_4, %broadcast_in_dim3A_671 : vector<8x128xi1>, vector<8x128xi32>
    %reduce_min3A_673 = vector.shape_cast %select_n3A_672 : vector<8x128xi32> to vector<1x8x128xi32>
    %reduce_min3A_674 = arith.constant dense<2147483647> : vector<1xi32>
    %reduce_min3A_675 = vector.multi_reduction <minsi>, %reduce_min3A_673, %reduce_min3A_674 [1, 2] : vector<1x8x128xi32> to vector<1xi32>
    %reduce_min3A_676 = vector.shape_cast %reduce_min3A_675 : vector<1xi32> to vector<1x1x1xi32>
    %reduce_min3A_677 = vector.extract %reduce_min3A_676[0, 0, 0] : i32 from vector<1x1x1xi32>
    %eq3A_678 = arith.constant 22 : i32
    %eq3A_679 = vector.broadcast %eq3A_678 : i32 to vector<1x32xi32>
    %eq3A_680 = arith.cmpi eq, %iota3A, %eq3A_679 : vector<1x32xi32>
    %broadcast_in_dim3A_681 = vector.broadcast %reduce_max3A_667 : f32 to vector<1x32xf32>
    %select_n3A_682 = arith.select %eq3A_680, %broadcast_in_dim3A_681, %select_n3A_652 : vector<1x32xi1>, vector<1x32xf32>
    %eq3A_683 = arith.constant 22 : i32
    %eq3A_684 = vector.broadcast %eq3A_683 : i32 to vector<1x32xi32>
    %eq3A_685 = arith.cmpi eq, %iota3A, %eq3A_684 : vector<1x32xi32>
    %broadcast_in_dim3A_686 = vector.broadcast %reduce_min3A_677 : i32 to vector<1x32xi32>
    %select_n3A_687 = arith.select %eq3A_685, %broadcast_in_dim3A_686, %select_n3A_657 : vector<1x32xi1>, vector<1x32xi32>
    %eq3A_688 = vector.broadcast %reduce_min3A_677 : i32 to vector<8x128xi32>
    %eq3A_689 = arith.cmpi eq, %get3A_4, %eq3A_688 : vector<8x128xi32>
    %jit3A_690 = arith.constant -3.000000e+38 : f32
    %broadcast_in_dim3A_691 = vector.broadcast %jit3A_690 : f32 to vector<8x128xf32>
    %select_n3A_692 = arith.select %eq3A_689, %broadcast_in_dim3A_691, %select_n3A_662 : vector<8x128xi1>, vector<8x128xf32>
    %reduce_max3A_693 = vector.shape_cast %select_n3A_692 : vector<8x128xf32> to vector<1x8x128xf32>
    %reduce_max3A_694 = arith.constant dense<0xFF800000> : vector<1xf32>
    %reduce_max3A_695 = vector.multi_reduction <maximumf>, %reduce_max3A_693, %reduce_max3A_694 [1, 2] : vector<1x8x128xf32> to vector<1xf32>
    %reduce_max3A_696 = vector.shape_cast %reduce_max3A_695 : vector<1xf32> to vector<1x1x1xf32>
    %reduce_max3A_697 = vector.extract %reduce_max3A_696[0, 0, 0] : f32 from vector<1x1x1xf32>
    %eq3A_698 = vector.broadcast %reduce_max3A_697 : f32 to vector<8x128xf32>
    %eq3A_699 = arith.cmpf oeq, %select_n3A_692, %eq3A_698 : vector<8x128xf32>
    %jit3A_700 = arith.constant 1073741824 : i32
    %broadcast_in_dim3A_701 = vector.broadcast %jit3A_700 : i32 to vector<8x128xi32>
    %select_n3A_702 = arith.select %eq3A_699, %get3A_4, %broadcast_in_dim3A_701 : vector<8x128xi1>, vector<8x128xi32>
    %reduce_min3A_703 = vector.shape_cast %select_n3A_702 : vector<8x128xi32> to vector<1x8x128xi32>
    %reduce_min3A_704 = arith.constant dense<2147483647> : vector<1xi32>
    %reduce_min3A_705 = vector.multi_reduction <minsi>, %reduce_min3A_703, %reduce_min3A_704 [1, 2] : vector<1x8x128xi32> to vector<1xi32>
    %reduce_min3A_706 = vector.shape_cast %reduce_min3A_705 : vector<1xi32> to vector<1x1x1xi32>
    %reduce_min3A_707 = vector.extract %reduce_min3A_706[0, 0, 0] : i32 from vector<1x1x1xi32>
    %eq3A_708 = arith.constant 23 : i32
    %eq3A_709 = vector.broadcast %eq3A_708 : i32 to vector<1x32xi32>
    %eq3A_710 = arith.cmpi eq, %iota3A, %eq3A_709 : vector<1x32xi32>
    %broadcast_in_dim3A_711 = vector.broadcast %reduce_max3A_697 : f32 to vector<1x32xf32>
    %select_n3A_712 = arith.select %eq3A_710, %broadcast_in_dim3A_711, %select_n3A_682 : vector<1x32xi1>, vector<1x32xf32>
    %eq3A_713 = arith.constant 23 : i32
    %eq3A_714 = vector.broadcast %eq3A_713 : i32 to vector<1x32xi32>
    %eq3A_715 = arith.cmpi eq, %iota3A, %eq3A_714 : vector<1x32xi32>
    %broadcast_in_dim3A_716 = vector.broadcast %reduce_min3A_707 : i32 to vector<1x32xi32>
    %select_n3A_717 = arith.select %eq3A_715, %broadcast_in_dim3A_716, %select_n3A_687 : vector<1x32xi1>, vector<1x32xi32>
    %eq3A_718 = vector.broadcast %reduce_min3A_707 : i32 to vector<8x128xi32>
    %eq3A_719 = arith.cmpi eq, %get3A_4, %eq3A_718 : vector<8x128xi32>
    %jit3A_720 = arith.constant -3.000000e+38 : f32
    %broadcast_in_dim3A_721 = vector.broadcast %jit3A_720 : f32 to vector<8x128xf32>
    %select_n3A_722 = arith.select %eq3A_719, %broadcast_in_dim3A_721, %select_n3A_692 : vector<8x128xi1>, vector<8x128xf32>
    %reduce_max3A_723 = vector.shape_cast %select_n3A_722 : vector<8x128xf32> to vector<1x8x128xf32>
    %reduce_max3A_724 = arith.constant dense<0xFF800000> : vector<1xf32>
    %reduce_max3A_725 = vector.multi_reduction <maximumf>, %reduce_max3A_723, %reduce_max3A_724 [1, 2] : vector<1x8x128xf32> to vector<1xf32>
    %reduce_max3A_726 = vector.shape_cast %reduce_max3A_725 : vector<1xf32> to vector<1x1x1xf32>
    %reduce_max3A_727 = vector.extract %reduce_max3A_726[0, 0, 0] : f32 from vector<1x1x1xf32>
    %eq3A_728 = vector.broadcast %reduce_max3A_727 : f32 to vector<8x128xf32>
    %eq3A_729 = arith.cmpf oeq, %select_n3A_722, %eq3A_728 : vector<8x128xf32>
    %jit3A_730 = arith.constant 1073741824 : i32
    %broadcast_in_dim3A_731 = vector.broadcast %jit3A_730 : i32 to vector<8x128xi32>
    %select_n3A_732 = arith.select %eq3A_729, %get3A_4, %broadcast_in_dim3A_731 : vector<8x128xi1>, vector<8x128xi32>
    %reduce_min3A_733 = vector.shape_cast %select_n3A_732 : vector<8x128xi32> to vector<1x8x128xi32>
    %reduce_min3A_734 = arith.constant dense<2147483647> : vector<1xi32>
    %reduce_min3A_735 = vector.multi_reduction <minsi>, %reduce_min3A_733, %reduce_min3A_734 [1, 2] : vector<1x8x128xi32> to vector<1xi32>
    %reduce_min3A_736 = vector.shape_cast %reduce_min3A_735 : vector<1xi32> to vector<1x1x1xi32>
    %reduce_min3A_737 = vector.extract %reduce_min3A_736[0, 0, 0] : i32 from vector<1x1x1xi32>
    %eq3A_738 = arith.constant 24 : i32
    %eq3A_739 = vector.broadcast %eq3A_738 : i32 to vector<1x32xi32>
    %eq3A_740 = arith.cmpi eq, %iota3A, %eq3A_739 : vector<1x32xi32>
    %broadcast_in_dim3A_741 = vector.broadcast %reduce_max3A_727 : f32 to vector<1x32xf32>
    %select_n3A_742 = arith.select %eq3A_740, %broadcast_in_dim3A_741, %select_n3A_712 : vector<1x32xi1>, vector<1x32xf32>
    %eq3A_743 = arith.constant 24 : i32
    %eq3A_744 = vector.broadcast %eq3A_743 : i32 to vector<1x32xi32>
    %eq3A_745 = arith.cmpi eq, %iota3A, %eq3A_744 : vector<1x32xi32>
    %broadcast_in_dim3A_746 = vector.broadcast %reduce_min3A_737 : i32 to vector<1x32xi32>
    %select_n3A_747 = arith.select %eq3A_745, %broadcast_in_dim3A_746, %select_n3A_717 : vector<1x32xi1>, vector<1x32xi32>
    %eq3A_748 = vector.broadcast %reduce_min3A_737 : i32 to vector<8x128xi32>
    %eq3A_749 = arith.cmpi eq, %get3A_4, %eq3A_748 : vector<8x128xi32>
    %jit3A_750 = arith.constant -3.000000e+38 : f32
    %broadcast_in_dim3A_751 = vector.broadcast %jit3A_750 : f32 to vector<8x128xf32>
    %select_n3A_752 = arith.select %eq3A_749, %broadcast_in_dim3A_751, %select_n3A_722 : vector<8x128xi1>, vector<8x128xf32>
    %reduce_max3A_753 = vector.shape_cast %select_n3A_752 : vector<8x128xf32> to vector<1x8x128xf32>
    %reduce_max3A_754 = arith.constant dense<0xFF800000> : vector<1xf32>
    %reduce_max3A_755 = vector.multi_reduction <maximumf>, %reduce_max3A_753, %reduce_max3A_754 [1, 2] : vector<1x8x128xf32> to vector<1xf32>
    %reduce_max3A_756 = vector.shape_cast %reduce_max3A_755 : vector<1xf32> to vector<1x1x1xf32>
    %reduce_max3A_757 = vector.extract %reduce_max3A_756[0, 0, 0] : f32 from vector<1x1x1xf32>
    %eq3A_758 = vector.broadcast %reduce_max3A_757 : f32 to vector<8x128xf32>
    %eq3A_759 = arith.cmpf oeq, %select_n3A_752, %eq3A_758 : vector<8x128xf32>
    %jit3A_760 = arith.constant 1073741824 : i32
    %broadcast_in_dim3A_761 = vector.broadcast %jit3A_760 : i32 to vector<8x128xi32>
    %select_n3A_762 = arith.select %eq3A_759, %get3A_4, %broadcast_in_dim3A_761 : vector<8x128xi1>, vector<8x128xi32>
    %reduce_min3A_763 = vector.shape_cast %select_n3A_762 : vector<8x128xi32> to vector<1x8x128xi32>
    %reduce_min3A_764 = arith.constant dense<2147483647> : vector<1xi32>
    %reduce_min3A_765 = vector.multi_reduction <minsi>, %reduce_min3A_763, %reduce_min3A_764 [1, 2] : vector<1x8x128xi32> to vector<1xi32>
    %reduce_min3A_766 = vector.shape_cast %reduce_min3A_765 : vector<1xi32> to vector<1x1x1xi32>
    %reduce_min3A_767 = vector.extract %reduce_min3A_766[0, 0, 0] : i32 from vector<1x1x1xi32>
    %eq3A_768 = arith.constant 25 : i32
    %eq3A_769 = vector.broadcast %eq3A_768 : i32 to vector<1x32xi32>
    %eq3A_770 = arith.cmpi eq, %iota3A, %eq3A_769 : vector<1x32xi32>
    %broadcast_in_dim3A_771 = vector.broadcast %reduce_max3A_757 : f32 to vector<1x32xf32>
    %select_n3A_772 = arith.select %eq3A_770, %broadcast_in_dim3A_771, %select_n3A_742 : vector<1x32xi1>, vector<1x32xf32>
    %eq3A_773 = arith.constant 25 : i32
    %eq3A_774 = vector.broadcast %eq3A_773 : i32 to vector<1x32xi32>
    %eq3A_775 = arith.cmpi eq, %iota3A, %eq3A_774 : vector<1x32xi32>
    %broadcast_in_dim3A_776 = vector.broadcast %reduce_min3A_767 : i32 to vector<1x32xi32>
    %select_n3A_777 = arith.select %eq3A_775, %broadcast_in_dim3A_776, %select_n3A_747 : vector<1x32xi1>, vector<1x32xi32>
    %eq3A_778 = vector.broadcast %reduce_min3A_767 : i32 to vector<8x128xi32>
    %eq3A_779 = arith.cmpi eq, %get3A_4, %eq3A_778 : vector<8x128xi32>
    %jit3A_780 = arith.constant -3.000000e+38 : f32
    %broadcast_in_dim3A_781 = vector.broadcast %jit3A_780 : f32 to vector<8x128xf32>
    %select_n3A_782 = arith.select %eq3A_779, %broadcast_in_dim3A_781, %select_n3A_752 : vector<8x128xi1>, vector<8x128xf32>
    %reduce_max3A_783 = vector.shape_cast %select_n3A_782 : vector<8x128xf32> to vector<1x8x128xf32>
    %reduce_max3A_784 = arith.constant dense<0xFF800000> : vector<1xf32>
    %reduce_max3A_785 = vector.multi_reduction <maximumf>, %reduce_max3A_783, %reduce_max3A_784 [1, 2] : vector<1x8x128xf32> to vector<1xf32>
    %reduce_max3A_786 = vector.shape_cast %reduce_max3A_785 : vector<1xf32> to vector<1x1x1xf32>
    %reduce_max3A_787 = vector.extract %reduce_max3A_786[0, 0, 0] : f32 from vector<1x1x1xf32>
    %eq3A_788 = vector.broadcast %reduce_max3A_787 : f32 to vector<8x128xf32>
    %eq3A_789 = arith.cmpf oeq, %select_n3A_782, %eq3A_788 : vector<8x128xf32>
    %jit3A_790 = arith.constant 1073741824 : i32
    %broadcast_in_dim3A_791 = vector.broadcast %jit3A_790 : i32 to vector<8x128xi32>
    %select_n3A_792 = arith.select %eq3A_789, %get3A_4, %broadcast_in_dim3A_791 : vector<8x128xi1>, vector<8x128xi32>
    %reduce_min3A_793 = vector.shape_cast %select_n3A_792 : vector<8x128xi32> to vector<1x8x128xi32>
    %reduce_min3A_794 = arith.constant dense<2147483647> : vector<1xi32>
    %reduce_min3A_795 = vector.multi_reduction <minsi>, %reduce_min3A_793, %reduce_min3A_794 [1, 2] : vector<1x8x128xi32> to vector<1xi32>
    %reduce_min3A_796 = vector.shape_cast %reduce_min3A_795 : vector<1xi32> to vector<1x1x1xi32>
    %reduce_min3A_797 = vector.extract %reduce_min3A_796[0, 0, 0] : i32 from vector<1x1x1xi32>
    %eq3A_798 = arith.constant 26 : i32
    %eq3A_799 = vector.broadcast %eq3A_798 : i32 to vector<1x32xi32>
    %eq3A_800 = arith.cmpi eq, %iota3A, %eq3A_799 : vector<1x32xi32>
    %broadcast_in_dim3A_801 = vector.broadcast %reduce_max3A_787 : f32 to vector<1x32xf32>
    %select_n3A_802 = arith.select %eq3A_800, %broadcast_in_dim3A_801, %select_n3A_772 : vector<1x32xi1>, vector<1x32xf32>
    %eq3A_803 = arith.constant 26 : i32
    %eq3A_804 = vector.broadcast %eq3A_803 : i32 to vector<1x32xi32>
    %eq3A_805 = arith.cmpi eq, %iota3A, %eq3A_804 : vector<1x32xi32>
    %broadcast_in_dim3A_806 = vector.broadcast %reduce_min3A_797 : i32 to vector<1x32xi32>
    %select_n3A_807 = arith.select %eq3A_805, %broadcast_in_dim3A_806, %select_n3A_777 : vector<1x32xi1>, vector<1x32xi32>
    %eq3A_808 = vector.broadcast %reduce_min3A_797 : i32 to vector<8x128xi32>
    %eq3A_809 = arith.cmpi eq, %get3A_4, %eq3A_808 : vector<8x128xi32>
    %jit3A_810 = arith.constant -3.000000e+38 : f32
    %broadcast_in_dim3A_811 = vector.broadcast %jit3A_810 : f32 to vector<8x128xf32>
    %select_n3A_812 = arith.select %eq3A_809, %broadcast_in_dim3A_811, %select_n3A_782 : vector<8x128xi1>, vector<8x128xf32>
    %reduce_max3A_813 = vector.shape_cast %select_n3A_812 : vector<8x128xf32> to vector<1x8x128xf32>
    %reduce_max3A_814 = arith.constant dense<0xFF800000> : vector<1xf32>
    %reduce_max3A_815 = vector.multi_reduction <maximumf>, %reduce_max3A_813, %reduce_max3A_814 [1, 2] : vector<1x8x128xf32> to vector<1xf32>
    %reduce_max3A_816 = vector.shape_cast %reduce_max3A_815 : vector<1xf32> to vector<1x1x1xf32>
    %reduce_max3A_817 = vector.extract %reduce_max3A_816[0, 0, 0] : f32 from vector<1x1x1xf32>
    %eq3A_818 = vector.broadcast %reduce_max3A_817 : f32 to vector<8x128xf32>
    %eq3A_819 = arith.cmpf oeq, %select_n3A_812, %eq3A_818 : vector<8x128xf32>
    %jit3A_820 = arith.constant 1073741824 : i32
    %broadcast_in_dim3A_821 = vector.broadcast %jit3A_820 : i32 to vector<8x128xi32>
    %select_n3A_822 = arith.select %eq3A_819, %get3A_4, %broadcast_in_dim3A_821 : vector<8x128xi1>, vector<8x128xi32>
    %reduce_min3A_823 = vector.shape_cast %select_n3A_822 : vector<8x128xi32> to vector<1x8x128xi32>
    %reduce_min3A_824 = arith.constant dense<2147483647> : vector<1xi32>
    %reduce_min3A_825 = vector.multi_reduction <minsi>, %reduce_min3A_823, %reduce_min3A_824 [1, 2] : vector<1x8x128xi32> to vector<1xi32>
    %reduce_min3A_826 = vector.shape_cast %reduce_min3A_825 : vector<1xi32> to vector<1x1x1xi32>
    %reduce_min3A_827 = vector.extract %reduce_min3A_826[0, 0, 0] : i32 from vector<1x1x1xi32>
    %eq3A_828 = arith.constant 27 : i32
    %eq3A_829 = vector.broadcast %eq3A_828 : i32 to vector<1x32xi32>
    %eq3A_830 = arith.cmpi eq, %iota3A, %eq3A_829 : vector<1x32xi32>
    %broadcast_in_dim3A_831 = vector.broadcast %reduce_max3A_817 : f32 to vector<1x32xf32>
    %select_n3A_832 = arith.select %eq3A_830, %broadcast_in_dim3A_831, %select_n3A_802 : vector<1x32xi1>, vector<1x32xf32>
    %eq3A_833 = arith.constant 27 : i32
    %eq3A_834 = vector.broadcast %eq3A_833 : i32 to vector<1x32xi32>
    %eq3A_835 = arith.cmpi eq, %iota3A, %eq3A_834 : vector<1x32xi32>
    %broadcast_in_dim3A_836 = vector.broadcast %reduce_min3A_827 : i32 to vector<1x32xi32>
    %select_n3A_837 = arith.select %eq3A_835, %broadcast_in_dim3A_836, %select_n3A_807 : vector<1x32xi1>, vector<1x32xi32>
    %eq3A_838 = vector.broadcast %reduce_min3A_827 : i32 to vector<8x128xi32>
    %eq3A_839 = arith.cmpi eq, %get3A_4, %eq3A_838 : vector<8x128xi32>
    %jit3A_840 = arith.constant -3.000000e+38 : f32
    %broadcast_in_dim3A_841 = vector.broadcast %jit3A_840 : f32 to vector<8x128xf32>
    %select_n3A_842 = arith.select %eq3A_839, %broadcast_in_dim3A_841, %select_n3A_812 : vector<8x128xi1>, vector<8x128xf32>
    %reduce_max3A_843 = vector.shape_cast %select_n3A_842 : vector<8x128xf32> to vector<1x8x128xf32>
    %reduce_max3A_844 = arith.constant dense<0xFF800000> : vector<1xf32>
    %reduce_max3A_845 = vector.multi_reduction <maximumf>, %reduce_max3A_843, %reduce_max3A_844 [1, 2] : vector<1x8x128xf32> to vector<1xf32>
    %reduce_max3A_846 = vector.shape_cast %reduce_max3A_845 : vector<1xf32> to vector<1x1x1xf32>
    %reduce_max3A_847 = vector.extract %reduce_max3A_846[0, 0, 0] : f32 from vector<1x1x1xf32>
    %eq3A_848 = vector.broadcast %reduce_max3A_847 : f32 to vector<8x128xf32>
    %eq3A_849 = arith.cmpf oeq, %select_n3A_842, %eq3A_848 : vector<8x128xf32>
    %jit3A_850 = arith.constant 1073741824 : i32
    %broadcast_in_dim3A_851 = vector.broadcast %jit3A_850 : i32 to vector<8x128xi32>
    %select_n3A_852 = arith.select %eq3A_849, %get3A_4, %broadcast_in_dim3A_851 : vector<8x128xi1>, vector<8x128xi32>
    %reduce_min3A_853 = vector.shape_cast %select_n3A_852 : vector<8x128xi32> to vector<1x8x128xi32>
    %reduce_min3A_854 = arith.constant dense<2147483647> : vector<1xi32>
    %reduce_min3A_855 = vector.multi_reduction <minsi>, %reduce_min3A_853, %reduce_min3A_854 [1, 2] : vector<1x8x128xi32> to vector<1xi32>
    %reduce_min3A_856 = vector.shape_cast %reduce_min3A_855 : vector<1xi32> to vector<1x1x1xi32>
    %reduce_min3A_857 = vector.extract %reduce_min3A_856[0, 0, 0] : i32 from vector<1x1x1xi32>
    %eq3A_858 = arith.constant 28 : i32
    %eq3A_859 = vector.broadcast %eq3A_858 : i32 to vector<1x32xi32>
    %eq3A_860 = arith.cmpi eq, %iota3A, %eq3A_859 : vector<1x32xi32>
    %broadcast_in_dim3A_861 = vector.broadcast %reduce_max3A_847 : f32 to vector<1x32xf32>
    %select_n3A_862 = arith.select %eq3A_860, %broadcast_in_dim3A_861, %select_n3A_832 : vector<1x32xi1>, vector<1x32xf32>
    %eq3A_863 = arith.constant 28 : i32
    %eq3A_864 = vector.broadcast %eq3A_863 : i32 to vector<1x32xi32>
    %eq3A_865 = arith.cmpi eq, %iota3A, %eq3A_864 : vector<1x32xi32>
    %broadcast_in_dim3A_866 = vector.broadcast %reduce_min3A_857 : i32 to vector<1x32xi32>
    %select_n3A_867 = arith.select %eq3A_865, %broadcast_in_dim3A_866, %select_n3A_837 : vector<1x32xi1>, vector<1x32xi32>
    %eq3A_868 = vector.broadcast %reduce_min3A_857 : i32 to vector<8x128xi32>
    %eq3A_869 = arith.cmpi eq, %get3A_4, %eq3A_868 : vector<8x128xi32>
    %jit3A_870 = arith.constant -3.000000e+38 : f32
    %broadcast_in_dim3A_871 = vector.broadcast %jit3A_870 : f32 to vector<8x128xf32>
    %select_n3A_872 = arith.select %eq3A_869, %broadcast_in_dim3A_871, %select_n3A_842 : vector<8x128xi1>, vector<8x128xf32>
    %reduce_max3A_873 = vector.shape_cast %select_n3A_872 : vector<8x128xf32> to vector<1x8x128xf32>
    %reduce_max3A_874 = arith.constant dense<0xFF800000> : vector<1xf32>
    %reduce_max3A_875 = vector.multi_reduction <maximumf>, %reduce_max3A_873, %reduce_max3A_874 [1, 2] : vector<1x8x128xf32> to vector<1xf32>
    %reduce_max3A_876 = vector.shape_cast %reduce_max3A_875 : vector<1xf32> to vector<1x1x1xf32>
    %reduce_max3A_877 = vector.extract %reduce_max3A_876[0, 0, 0] : f32 from vector<1x1x1xf32>
    %eq3A_878 = vector.broadcast %reduce_max3A_877 : f32 to vector<8x128xf32>
    %eq3A_879 = arith.cmpf oeq, %select_n3A_872, %eq3A_878 : vector<8x128xf32>
    %jit3A_880 = arith.constant 1073741824 : i32
    %broadcast_in_dim3A_881 = vector.broadcast %jit3A_880 : i32 to vector<8x128xi32>
    %select_n3A_882 = arith.select %eq3A_879, %get3A_4, %broadcast_in_dim3A_881 : vector<8x128xi1>, vector<8x128xi32>
    %reduce_min3A_883 = vector.shape_cast %select_n3A_882 : vector<8x128xi32> to vector<1x8x128xi32>
    %reduce_min3A_884 = arith.constant dense<2147483647> : vector<1xi32>
    %reduce_min3A_885 = vector.multi_reduction <minsi>, %reduce_min3A_883, %reduce_min3A_884 [1, 2] : vector<1x8x128xi32> to vector<1xi32>
    %reduce_min3A_886 = vector.shape_cast %reduce_min3A_885 : vector<1xi32> to vector<1x1x1xi32>
    %reduce_min3A_887 = vector.extract %reduce_min3A_886[0, 0, 0] : i32 from vector<1x1x1xi32>
    %eq3A_888 = arith.constant 29 : i32
    %eq3A_889 = vector.broadcast %eq3A_888 : i32 to vector<1x32xi32>
    %eq3A_890 = arith.cmpi eq, %iota3A, %eq3A_889 : vector<1x32xi32>
    %broadcast_in_dim3A_891 = vector.broadcast %reduce_max3A_877 : f32 to vector<1x32xf32>
    %select_n3A_892 = arith.select %eq3A_890, %broadcast_in_dim3A_891, %select_n3A_862 : vector<1x32xi1>, vector<1x32xf32>
    %eq3A_893 = arith.constant 29 : i32
    %eq3A_894 = vector.broadcast %eq3A_893 : i32 to vector<1x32xi32>
    %eq3A_895 = arith.cmpi eq, %iota3A, %eq3A_894 : vector<1x32xi32>
    %broadcast_in_dim3A_896 = vector.broadcast %reduce_min3A_887 : i32 to vector<1x32xi32>
    %select_n3A_897 = arith.select %eq3A_895, %broadcast_in_dim3A_896, %select_n3A_867 : vector<1x32xi1>, vector<1x32xi32>
    %eq3A_898 = vector.broadcast %reduce_min3A_887 : i32 to vector<8x128xi32>
    %eq3A_899 = arith.cmpi eq, %get3A_4, %eq3A_898 : vector<8x128xi32>
    %jit3A_900 = arith.constant -3.000000e+38 : f32
    %broadcast_in_dim3A_901 = vector.broadcast %jit3A_900 : f32 to vector<8x128xf32>
    %select_n3A_902 = arith.select %eq3A_899, %broadcast_in_dim3A_901, %select_n3A_872 : vector<8x128xi1>, vector<8x128xf32>
    %reduce_max3A_903 = vector.shape_cast %select_n3A_902 : vector<8x128xf32> to vector<1x8x128xf32>
    %reduce_max3A_904 = arith.constant dense<0xFF800000> : vector<1xf32>
    %reduce_max3A_905 = vector.multi_reduction <maximumf>, %reduce_max3A_903, %reduce_max3A_904 [1, 2] : vector<1x8x128xf32> to vector<1xf32>
    %reduce_max3A_906 = vector.shape_cast %reduce_max3A_905 : vector<1xf32> to vector<1x1x1xf32>
    %reduce_max3A_907 = vector.extract %reduce_max3A_906[0, 0, 0] : f32 from vector<1x1x1xf32>
    %eq3A_908 = vector.broadcast %reduce_max3A_907 : f32 to vector<8x128xf32>
    %eq3A_909 = arith.cmpf oeq, %select_n3A_902, %eq3A_908 : vector<8x128xf32>
    %jit3A_910 = arith.constant 1073741824 : i32
    %broadcast_in_dim3A_911 = vector.broadcast %jit3A_910 : i32 to vector<8x128xi32>
    %select_n3A_912 = arith.select %eq3A_909, %get3A_4, %broadcast_in_dim3A_911 : vector<8x128xi1>, vector<8x128xi32>
    %reduce_min3A_913 = vector.shape_cast %select_n3A_912 : vector<8x128xi32> to vector<1x8x128xi32>
    %reduce_min3A_914 = arith.constant dense<2147483647> : vector<1xi32>
    %reduce_min3A_915 = vector.multi_reduction <minsi>, %reduce_min3A_913, %reduce_min3A_914 [1, 2] : vector<1x8x128xi32> to vector<1xi32>
    %reduce_min3A_916 = vector.shape_cast %reduce_min3A_915 : vector<1xi32> to vector<1x1x1xi32>
    %reduce_min3A_917 = vector.extract %reduce_min3A_916[0, 0, 0] : i32 from vector<1x1x1xi32>
    %eq3A_918 = arith.constant 30 : i32
    %eq3A_919 = vector.broadcast %eq3A_918 : i32 to vector<1x32xi32>
    %eq3A_920 = arith.cmpi eq, %iota3A, %eq3A_919 : vector<1x32xi32>
    %broadcast_in_dim3A_921 = vector.broadcast %reduce_max3A_907 : f32 to vector<1x32xf32>
    %select_n3A_922 = arith.select %eq3A_920, %broadcast_in_dim3A_921, %select_n3A_892 : vector<1x32xi1>, vector<1x32xf32>
    %eq3A_923 = arith.constant 30 : i32
    %eq3A_924 = vector.broadcast %eq3A_923 : i32 to vector<1x32xi32>
    %eq3A_925 = arith.cmpi eq, %iota3A, %eq3A_924 : vector<1x32xi32>
    %broadcast_in_dim3A_926 = vector.broadcast %reduce_min3A_917 : i32 to vector<1x32xi32>
    %select_n3A_927 = arith.select %eq3A_925, %broadcast_in_dim3A_926, %select_n3A_897 : vector<1x32xi1>, vector<1x32xi32>
    %eq3A_928 = vector.broadcast %reduce_min3A_917 : i32 to vector<8x128xi32>
    %eq3A_929 = arith.cmpi eq, %get3A_4, %eq3A_928 : vector<8x128xi32>
    %jit3A_930 = arith.constant -3.000000e+38 : f32
    %broadcast_in_dim3A_931 = vector.broadcast %jit3A_930 : f32 to vector<8x128xf32>
    %select_n3A_932 = arith.select %eq3A_929, %broadcast_in_dim3A_931, %select_n3A_902 : vector<8x128xi1>, vector<8x128xf32>
    %reduce_max3A_933 = vector.shape_cast %select_n3A_932 : vector<8x128xf32> to vector<1x8x128xf32>
    %reduce_max3A_934 = arith.constant dense<0xFF800000> : vector<1xf32>
    %reduce_max3A_935 = vector.multi_reduction <maximumf>, %reduce_max3A_933, %reduce_max3A_934 [1, 2] : vector<1x8x128xf32> to vector<1xf32>
    %reduce_max3A_936 = vector.shape_cast %reduce_max3A_935 : vector<1xf32> to vector<1x1x1xf32>
    %reduce_max3A_937 = vector.extract %reduce_max3A_936[0, 0, 0] : f32 from vector<1x1x1xf32>
    %eq3A_938 = vector.broadcast %reduce_max3A_937 : f32 to vector<8x128xf32>
    %eq3A_939 = arith.cmpf oeq, %select_n3A_932, %eq3A_938 : vector<8x128xf32>
    %jit3A_940 = arith.constant 1073741824 : i32
    %broadcast_in_dim3A_941 = vector.broadcast %jit3A_940 : i32 to vector<8x128xi32>
    %select_n3A_942 = arith.select %eq3A_939, %get3A_4, %broadcast_in_dim3A_941 : vector<8x128xi1>, vector<8x128xi32>
    %reduce_min3A_943 = vector.shape_cast %select_n3A_942 : vector<8x128xi32> to vector<1x8x128xi32>
    %reduce_min3A_944 = arith.constant dense<2147483647> : vector<1xi32>
    %reduce_min3A_945 = vector.multi_reduction <minsi>, %reduce_min3A_943, %reduce_min3A_944 [1, 2] : vector<1x8x128xi32> to vector<1xi32>
    %reduce_min3A_946 = vector.shape_cast %reduce_min3A_945 : vector<1xi32> to vector<1x1x1xi32>
    %reduce_min3A_947 = vector.extract %reduce_min3A_946[0, 0, 0] : i32 from vector<1x1x1xi32>
    %eq3A_948 = arith.constant 31 : i32
    %eq3A_949 = vector.broadcast %eq3A_948 : i32 to vector<1x32xi32>
    %eq3A_950 = arith.cmpi eq, %iota3A, %eq3A_949 : vector<1x32xi32>
    %broadcast_in_dim3A_951 = vector.broadcast %reduce_max3A_937 : f32 to vector<1x32xf32>
    %select_n3A_952 = arith.select %eq3A_950, %broadcast_in_dim3A_951, %select_n3A_922 : vector<1x32xi1>, vector<1x32xf32>
    %eq3A_953 = arith.constant 31 : i32
    %eq3A_954 = vector.broadcast %eq3A_953 : i32 to vector<1x32xi32>
    %eq3A_955 = arith.cmpi eq, %iota3A, %eq3A_954 : vector<1x32xi32>
    %broadcast_in_dim3A_956 = vector.broadcast %reduce_min3A_947 : i32 to vector<1x32xi32>
    %select_n3A_957 = arith.select %eq3A_955, %broadcast_in_dim3A_956, %select_n3A_927 : vector<1x32xi1>, vector<1x32xi32>
    %swap3A = arith.constant 0 : index
    %swap3A_958 = arith.constant 0 : index
    %swap3A_959 = vector.load %arg2[%swap3A, %swap3A_958] : memref<1x32xf32, #tpu.memory_space<vmem>>, vector<1x32xf32>
    tpu.vector_store %arg2[%swap3A, %swap3A_958], %select_n3A_952 {strides = array<i32>} : memref<1x32xf32, #tpu.memory_space<vmem>>, vector<1x32xf32>,
    %jit3A_960 = arith.constant 1000000 : i32
    %div3A = vector.broadcast %jit3A_960 : i32 to vector<1x32xi32>
    %div3A_961 = arith.divsi %select_n3A_957, %div3A : vector<1x32xi32>
    %sign3A = arith.constant 0 : i32
    %sign3A_962 = vector.broadcast %sign3A : i32 to vector<1x32xi32>
    %sign3A_963 = arith.cmpi sgt, %select_n3A_957, %sign3A_962 : vector<1x32xi32>
    %sign3A_964 = arith.extui %sign3A_963 : vector<1x32xi1> to vector<1x32xi32>
    %sign3A_965 = arith.constant 0 : i32
    %sign3A_966 = vector.broadcast %sign3A_965 : i32 to vector<1x32xi32>
    %sign3A_967 = arith.cmpi slt, %select_n3A_957, %sign3A_966 : vector<1x32xi32>
    %sign3A_968 = arith.extui %sign3A_967 : vector<1x32xi1> to vector<1x32xi32>
    %sign3A_969 = arith.subi %sign3A_964, %sign3A_968 : vector<1x32xi32>
    %sign3A_970 = arith.constant 0 : i32
    %sign3A_971 = arith.cmpi sgt, %jit3A_960, %sign3A_970 : i32
    %sign3A_972 = arith.extui %sign3A_971 : i1 to i32
    %sign3A_973 = arith.constant 0 : i32
    %sign3A_974 = arith.cmpi slt, %jit3A_960, %sign3A_973 : i32
    %sign3A_975 = arith.extui %sign3A_974 : i1 to i32
    %sign3A_976 = arith.subi %sign3A_972, %sign3A_975 : i32
    %ne3A = vector.broadcast %sign3A_976 : i32 to vector<1x32xi32>
    %ne3A_977 = arith.cmpi ne, %sign3A_969, %ne3A : vector<1x32xi32>
    %rem3A = vector.broadcast %jit3A_960 : i32 to vector<1x32xi32>
    %rem3A_978 = arith.remsi %select_n3A_957, %rem3A : vector<1x32xi32>
    %ne3A_979 = arith.constant 0 : i32
    %ne3A_980 = vector.broadcast %ne3A_979 : i32 to vector<1x32xi32>
    %ne3A_981 = arith.cmpi ne, %rem3A_978, %ne3A_980 : vector<1x32xi32>
    %and3A = arith.andi %ne3A_977, %ne3A_981 : vector<1x32xi1>
    %sub3A = arith.constant 1 : i32
    %sub3A_982 = vector.broadcast %sub3A : i32 to vector<1x32xi32>
    %sub3A_983 = arith.subi %div3A_961, %sub3A_982 : vector<1x32xi32>
    %select_n3A_984 = arith.select %and3A, %sub3A_983, %div3A_961 : vector<1x32xi1>, vector<1x32xi32>
    %swap3A_985 = arith.constant 0 : index
    %swap3A_986 = arith.constant 0 : index
    %swap3A_987 = vector.load %arg3[%swap3A_985, %swap3A_986] : memref<1x32xi32, #tpu.memory_space<vmem>>, vector<1x32xi32>
    tpu.vector_store %arg3[%swap3A_985, %swap3A_986], %select_n3A_984 {strides = array<i32>} : memref<1x32xi32, #tpu.memory_space<vmem>>, vector<1x32xi32>,
    %jit3A_988 = arith.constant 1000000 : i32
    %eq3A_989 = arith.constant 0 : i32
    %eq3A_990 = arith.cmpi eq, %jit3A_988, %eq3A_989 : i32
    %jit3A_991 = arith.constant 1 : i32
    %select_n3A_992 = arith.select %eq3A_990, %jit3A_991, %jit3A_988 : i32
    %rem3A_993 = vector.broadcast %select_n3A_992 : i32 to vector<1x32xi32>
    %rem3A_994 = arith.remsi %select_n3A_957, %rem3A_993 : vector<1x32xi32>
    %ne3A_995 = arith.constant 0 : i32
    %ne3A_996 = vector.broadcast %ne3A_995 : i32 to vector<1x32xi32>
    %ne3A_997 = arith.cmpi ne, %rem3A_994, %ne3A_996 : vector<1x32xi32>
    %lt3A = arith.constant 0 : i32
    %lt3A_998 = vector.broadcast %lt3A : i32 to vector<1x32xi32>
    %lt3A_999 = arith.cmpi slt, %rem3A_994, %lt3A_998 : vector<1x32xi32>
    %lt3A_1000 = arith.constant 0 : i32
    %lt3A_1001 = arith.cmpi slt, %select_n3A_992, %lt3A_1000 : i32
    %ne3A_1002 = vector.broadcast %lt3A_1001 : i1 to vector<1x32xi1>
    %ne3A_1003 = vector.broadcast %ne3A_1002 : vector<1x32xi1> to vector<1x32xi1>
    %ne3A_1004 = arith.xori %lt3A_999, %ne3A_1003 : vector<1x32xi1>
    %and3A_1005 = arith.andi %ne3A_1004, %ne3A_997 : vector<1x32xi1>
    %add3A = vector.broadcast %select_n3A_992 : i32 to vector<1x32xi32>
    %add3A_1006 = arith.addi %rem3A_994, %add3A : vector<1x32xi32>
    %select_n3A_1007 = arith.select %and3A_1005, %add3A_1006, %rem3A_994 : vector<1x32xi1>, vector<1x32xi32>
    %swap3A_1008 = arith.constant 0 : index
    %swap3A_1009 = arith.constant 0 : index
    %swap3A_1010 = vector.load %arg4[%swap3A_1008, %swap3A_1009] : memref<1x32xi32, #tpu.memory_space<vmem>>, vector<1x32xi32>
    tpu.vector_store %arg4[%swap3A_1008, %swap3A_1009], %select_n3A_1007 {strides = array<i32>} : memref<1x32xi32, #tpu.memory_space<vmem>>, vector<1x32xi32>,
    return
  }
}

</mosaic_0001>

<sc_bundles>
// kernel: kernel.4.cloned.1.call-start
scs
__scs_entry_jumppad:
0x0: {  	(pc) =	sbr.rel $0x88, $3  }
0x1: {  	(tag) =	ssettag $0x0;
	lr =	simm.s32 $0x1  }
0x2: {  	[smem:$0x3F9F] =	sst lr;
	_ =	strace $0xD0000000  }
0x3: {  	_ = 	snop  }
0x4: {  	_ = 	snop  }
0x5: {  	_ = 	snop  }
0x6: {  	_ = 	snop  }
0x7: {  	_ = 	snop  }
__scs_overlays_trampoline_lowered:
0x8: {  	[smem:$0x3FAE] =	sst s0  }
0x9: {  	[smem:$0x3FAF] =	sst s1  }
0xa: {  	[smem:$0x3FB0] =	sst s2  }
0xb: {  	[smem:$0x3FB1] =	sst s3  }
0xc: {  	[smem:$0x3FB2] =	sst s4  }
0xd: {  	[smem:$0x3FB3] =	sst s5  }
0xe: {  	[smem:$0x3FB4] =	sst s6  }
0xf: {  	[smem:$0x3FB5] =	sst s7  }
0x10: {  	[smem:$0x3FB6] =	sst s8  }
0x11: {  	[smem:$0x3FB7] =	sst s9;
	s0 =	simm.s32 @!p0 $0x0  }
0x12: {  	s1 =	sld [smem:$0x3F9D];
	s0 =	simm.s32 @p0 $0x1  }
0x13: {  	[smem:$0x3FB8] =	sst s0;
	s0 =	simm.s32 @!p1 $0x0  }
0x14: {  	s2 =	sld [smem:$0x3F9C];
	s0 =	simm.s32 @p1 $0x1  }
0x15: {  	[smem:$0x3FB9] =	sst s0;
	s0 =	simm.s32 @!p2 $0x0  }
0x16: {  	s3 =	sld [smem:$0x3FDB];
	s0 =	simm.s32 @p2 $0x1  }
0x17: {  	s4 =	simm.s32 $0x1BF5;
	[smem:$0x3FBB] =	sst s0  }
0x18: {  	s0 =	sld [smem:$0x3F9E];
	_ =	swait.ge [sflag:s4], $0x0  }
0x19: {  	s7 =	sld [smem:$0x3F9F]  }
0x1a: {  	s8 =	sadd.s32 $0xFFFFE003, lr  }
0x1b: {  	s9 =	sadd.s32 $0xFFFFFEF7, lr;
	s5 =	simm.s32 $0xFFFFFFFF;
	p2 =	slt.u32 s8, $0xFFFFF086  }
0x1c: {  	p1 =	slt.u32 s9, $0xF7A;
	s5 =	simm.s32 @!p2 $0x0  }
0x1d: {  	s5 =	simm.s32 @p1 $0x1;
	p0 =	seq.s32 s7, s2  }
0x1e: {  	s7 =	smul.u32 @!p0 $0xF7A, s2;
	p2 =	seq.s32 @!p0 s5, $0x0  }
0x1f: {  	s9 =	smul.u32 $0xF7A, s1;
	s8 =	simm.s32 @!p0 $0x1BF5;
	p2 =	por !p2, p0  }
0x20: {  	[sflag:s8] =	ssyncset.s32 @!p0 $0xFFFFF086;
	s6 =	sadd.s32 @!p0 s3, s7;
	s7 =	simm.s32 @!p0 $0x108  }
0x21: {  	s3 =	sadd.s32 s3, s9;
	s6 =	sadd.s32 @!p0 $0x88, s6;
	s7 =	simm.s32 @p2 $0x1082  }
0x22: {  	[simem:s7], [sflag:s8] =	dma.local @!p0 [hbm:s6], $0xF7A  }
0x23: {  	s9 =	sor.u32 $0xD0000000, s2;
	s6 =	simm.s32 $0x108;
	_ =	swait.ge @!p0 [sflag:s8], $0x0  }
0x24: {  	s3 =	sadd.s32 $0x88, s3;
	s6 =	simm.s32 @!p1 $0x1082;
	[sflag:s4] =	ssyncset.s32 $0xFFFFF086  }
0x25: {  	[simem:s6], [sflag:s4] =	dma.local [hbm:s3], $0xF7A  }
0x26: {  	[smem:$0x3F9F] =	sst s1;
	(tag) =	ssettag s2;
	_ =	strace s9  }
0x27: {  	s1 =	sld [smem:$0x3FAF]  }
0x28: {  	s2 =	sld [smem:$0x3FB0]  }
0x29: {  	s4 =	sld [smem:$0x3FB2]  }
0x2a: {  	p0 =	seq.s32 s5, $0x0;
	s5 =	sld [smem:$0x3FB3]  }
0x2b: {  	s6 =	sld [smem:$0x3FB4]  }
0x2c: {  	s7 =	sld [smem:$0x3FB5]  }
0x2d: {  	s3 =	simm.s32 $0x108;
	s8 =	sld [smem:$0x3FB6]  }
0x2e: {  	s3 =	simm.s32 @!p0 $0x1082;
	s9 =	sld [smem:$0x3FB7]  }
0x2f: {  	lr =	sadd.s32 s0, s3;
	s0 =	sld [smem:$0x3FAE]  }
0x30: {  	s3 =	sld [smem:$0x3FB1]  }
0x31: {  	[smem:$0x3FBA] =	sst s10  }
0x32: {  	s10 =	sld [smem:$0x3FB8];
	_ =	sdelay $0x3  }
0x33: {  	p0 =	seq.s32 s10, $0x1;
	s10 =	sld [smem:$0x3FBA];
	_ =	sdelay $0x3  }
0x34: {  	[smem:$0x3FBA] =	sst s10  }
0x35: {  	s10 =	sld [smem:$0x3FB9];
	_ =	sdelay $0x3  }
0x36: {  	p1 =	seq.s32 s10, $0x1;
	s10 =	sld [smem:$0x3FBA];
	_ =	sdelay $0x3  }
0x37: {  	[smem:$0x3FBA] =	sst s10  }
0x38: {  	s10 =	sld [smem:$0x3FBB]  }
0x39: {  	_ = 	snop;
	(pc) =	sbr.ind lr, $3  }
0x3a: {  	_ = 	snop  }
0x3b: {  	_ = 	snop  }
0x3c: {  	p2 =	seq.s32 s10, $0x1;
	s10 =	sld [smem:$0x3FBA]  }
0x3d: {  	_ =	shalt  }
0x3e: {  	_ =	shalt  }
0x3f: {  	_ =	shalt  }
0x40: {  	_ =	shalt  }
0x41: {  	_ =	shalt  }
0x42: {  	_ =	shalt  }
0x43: {  	_ =	shalt  }
0x44: {  	_ =	shalt  }
0x45: {  	_ =	shalt  }
0x46: {  	_ =	shalt  }
0x47: {  	_ =	shalt  }
0x48: {  	_ =	shalt  }
0x49: {  	_ =	shalt  }
0x4a: {  	_ =	shalt  }
0x4b: {  	_ =	shalt  }
0x4c: {  	_ =	shalt  }
0x4d: {  	_ =	shalt  }
0x4e: {  	_ =	shalt  }
0x4f: {  	_ =	shalt  }
0x50: {  	_ =	shalt  }
0x51: {  	_ =	shalt  }
0x52: {  	_ =	shalt  }
0x53: {  	_ =	shalt  }
0x54: {  	_ =	shalt  }
0x55: {  	_ =	shalt  }
0x56: {  	_ =	shalt  }
0x57: {  	_ =	shalt  }
0x58: {  	_ =	shalt  }
0x59: {  	_ =	shalt  }
0x5a: {  	_ =	shalt  }
0x5b: {  	_ =	shalt  }
0x5c: {  	_ =	shalt  }
0x5d: {  	_ =	shalt  }
0x5e: {  	_ =	shalt  }
0x5f: {  	_ =	shalt  }
0x60: {  	_ =	shalt  }
0x61: {  	_ =	shalt  }
0x62: {  	_ =	shalt  }
0x63: {  	_ =	shalt  }
0x64: {  	_ =	shalt  }
0x65: {  	_ =	shalt  }
0x66: {  	_ =	shalt  }
0x67: {  	_ =	shalt  }
0x68: {  	_ =	shalt  }
0x69: {  	_ =	shalt  }
0x6a: {  	_ =	shalt  }
0x6b: {  	_ =	shalt  }
0x6c: {  	_ =	shalt  }
0x6d: {  	_ =	shalt  }
0x6e: {  	_ =	shalt  }
0x6f: {  	_ =	shalt  }
0x70: {  	_ =	shalt  }
0x71: {  	_ =	shalt  }
0x72: {  	_ =	shalt  }
0x73: {  	_ =	shalt  }
0x74: {  	_ =	shalt  }
0x75: {  	_ =	shalt  }
0x76: {  	_ =	shalt  }
0x77: {  	_ =	shalt  }
0x78: {  	_ =	shalt  }
0x79: {  	_ =	shalt  }
0x7a: {  	_ =	shalt  }
0x7b: {  	_ =	shalt  }
0x7c: {  	_ =	shalt  }
0x7d: {  	_ =	shalt  }
0x7e: {  	_ =	shalt  }
0x7f: {  	_ =	shalt  }
0x80: {  	_ =	shalt  }
0x81: {  	_ =	shalt  }
0x82: {  	_ =	shalt  }
0x83: {  	_ =	shalt  }
0x84: {  	_ =	shalt  }
0x85: {  	_ =	shalt  }
0x86: {  	_ =	shalt  }
0x87: {  	_ =	shalt  }
.Lfunc_end0:
.L_simem_size_0:
called_computation_lowered:
.L_overlay_start_0:
0x88: {  	s2 =	sld [smem:$0x3FD9]  }
0x89: {  	s3 =	sld [smem:$0x3FFE];
	_ =	sdelay $0x1  }
0x8a: {  	s1 =	srdreg.scid  }
0x8b: {  	s0 =	sand.u32 $0x1, s1  }
0x8c: {  	s17 =	sshll.u32 s0, $0xA;
	s2 =	sadd.s32 s3, s2  }
0x8d: {  	s2 =	sadd.s32 s2, s17  }
0x8e: {  	[smem:$0x3FC6] =	sst s2  }
0x8f: {  	_ = 	snop  }
0x90: {  	s2 =	sld [smem:$0x3FC9];
	(tm) =	ssettm $0x1  }
0x91: {  	s18 =	sld [smem:$0x3FFB];
	_ =	sdelay $0x3  }
0x92: {  	_ =	strace s18  }
0x93: {  	s3 =	sld [smem:$0x3FFC];
	_ =	sdelay $0x3  }
0x94: {  	_ =	strace s3  }
0x95: {  	s3 =	sld [smem:$0x3FFD];
	_ =	sdelay $0x3  }
0x96: {  	_ =	strace s3  }
0x97: {  	_ =	strace $0x8FFFFFFF  }
0x98: {  	s19 =	sld [smem:$0x3FDB];
	_ =	sdelay $0x1  }
0x99: {  	s4 =	simm.s32 $_scs_section_size  }
0x9a: {  	s5 =	simm.s32 $_size__tile_overlayer_lowered;
	s6 =	simm.s32 $_tile_overlayer_lowered  }
0x9b: {  	s22 =	simm.s32 $0x1BFF;
	s21 =	sshll.u32 s6, $0x1;
	s3 =	sadd.s32 s4, s19  }
0x9c: {  	s7 =	simm.s32 $0x0;
	s20 =	sshll.u32 s5, $0x1;
	s5 =	sadd.s32 s21, s3  }
0x9d: {  	[timem:s7], [sflag:s22] =	dma.local [hbm:s5], s20  }
0x9e: {  	_ =	swait.ge [sflag:s22], s20  }
0x9f: {  	s4 =	ssub.s32 $0x0, s20;
	[sflag:s22] =	ssyncset.done $0x0  }
0xa0: {  	[sflag:s22] =	ssyncadd.s32 s4;
	_ =	sdelay $0x1  }
0xa1: {  	s23 =	simm.s32 $0x1B8B  }
0xa2: {  	_ =	swait.ge [sflag:s23], $0x1  }
0xa3: {  	[sflag:s23] =	ssyncset.done $0x0  }
0xa4: {  	s25 =	simm.s32 $0x1B8E;
	s24 =	sld [smem:$0x3FFE];
	[sflag:s23] =	ssyncadd.s32 $0xFFFFFFFF  }
0xa5: {  	s26 =	simm.s32 $execute0_lowered;
	[smem:$0x3FD2] =	sst s25  }
0xa6: {  	s5 =	sshll.u32 s26, $0x1;
	_ =	strace $0x80000046;
	[dreg:$0x1] =	wrdreg $0xFFFFFFFF  }
0xa7: {  	s28 =	simm.s32 $_size_execute0_lowered;
	s3 =	sadd.s32 s3, s5;
	[dreg:$0x0] =	wrdreg $0x0  }
0xa8: {  	s5 =	sshll.u32 s28, $0x1;
	[dreg:$0x2] =	wrdreg s3  }
0xa9: {  	[dreg:$0x3] =	wrdreg s5  }
0xaa: {  	[dreg:$0x4] =	wrdreg $0xC0  }
0xab: {  	_ =	task [dreg:s7], $0x5FFFF  }
0xac: {  	[dreg:$0x1] =	wrdreg $0xFFFFFFFF  }
0xad: {  	[dreg:$0x0] =	wrdreg $0x60  }
0xae: {  	[dreg:$0x2] =	wrdreg s2  }
0xaf: {  	[dreg:$0x3] =	wrdreg s24  }
0xb0: {  	[dreg:$0x4] =	wrdreg $0x9  }
0xb1: {  	_ =	task.clear_ibuf [dreg:s7], $0x5FFFF;
	_ =	strace $0x90000046  }
0xb2: {  	s29 =	simm.s32 $0x9;
	_ =	strace $0x80000048  }
0xb3: {  	_ =	swait.ge [sflag:s29], $0x1  }
0xb4: {  	[sflag:s29] =	ssyncadd.s32 $0xFFFFFFFF  }
0xb5: {  	_ =	strace $0x90000048  }
0xb6: {  	_ =	sfence  }
0xb7: {  	s30 =	sld [smem:$0x0];
	_ =	sdelay $0x2  }
0xb8: {  	s31 =	sshll.u32 s1, $0xD;
	s1 =	sshrl.u32 s1, $0x2  }
0xb9: {  	s3 =	sand.u32 $0x4000, s31;
	s1 =	sadd.s32 s1, s30  }
0xba: {  	s0 =	sor.u32 s3, s0;
	s1 =	sshll.u32 s1, $0x11  }
0xbb: {  	s0 =	sor.u32 s1, s0  }
0xbc: {  	s0 =	sadd.s32 $0x8F2B, s0  }
0xbd: {  	[sflag:s0] =	ssyncadd.remote.s32 $0x1  }
0xbe: {  	_ =	sfence.sel $0xFFFF  }
0xbf: {  	[dreg:$0x0] =	wrdreg $0xFFFFFFFF;
	(pc) =	sbr.abs _section_cstart, $3  }
0xc0: {  	[dreg:$0x1] =	wrdreg $0xFFFFFFFF  }
0xc1: {  	_ =	task.clear_ibuf [dreg:s7], $0x2FFFF;
	_ =	strace $0x9FFFFFFF  }
0xc2: {  	(tm) =	ssettm $0x7FFFFFFF  }
0xc3: {  	_ =	shalt  }
tec
execute0_lowered:
.L_overlay_start_1:
0x0: {  	(tag) =	ssettag $0x1  }
0x1: {  	s7 =	rddreg [dreg:$0x1];
	s2 =	srdreg.scid;
	s3 =	simm.s32 $0x0  }
0x2: {  	s0 =	stileid.u32;
	s15 =	simm.s32 $0x3;
	s16 =	simm.s32 $0x1  }
0x3: {  	s17 =	simm.s32 $0xC380;
	s18 =	simm.s32 $0x2;
	s8 =	sand.u32 $0x1, s2  }
0x4: {  	s19 =	simm.s32 $0x18780;
	s22 =	simm.s32 $0x0;
	s4 =	sshll.u32 s8, $0x4  }
0x5: {  	[smem:$0x7FF] =	sst s3;
	s6 =	sadd.s32 $0xC00, s7;
	s9 =	sor.u32 s0, s4  }
0x6: {  	_ =	strace $0x80000047;
	s30 =	ssub.s32 $0x2, s8;
	s5 =	smul.u32 $0xF4240, s9  }
.Ltmp0:
0x7: {  	v0 =	vlaneseq.u32;
	s8 =	sshrl.u32 s30, $0x1;
	s10 =	sshll.u32 s9, $0x2;
	(pc) =	sbr.rel .LBB2_1-.Ltmp0, $4  }
0x8: {  	vm0 =	vmmov $0xf;
	vm2 =	vcmask $0xF0C;
	v1 =	vmul.u32 $0xFFFFFFFF, v0;
	s11 =	sshll.u32 s9, $0x9;
	s13 =	ssub.s32 s30, s8;
	s12 =	sadd.s32 s10, s7  }
0x9: {  	v6 =	vimm.s32 $0x0;
	v4 =	vmov s0;
	v3 =	vor.u32 $0x80000000, v0;
	s8 =	sadd.s32 $0xFFFFFFF1, s11;
	s11 =	sor.u32 $0x1F0, s11;
	s31 =	sshrl.u32 s5, $0x3  }
0xa: {  	vm1 =	veq.s32 v4, v0;
	v4 =	vadd.s32 $0x7CF, v1;
	s13 =	smax.u32 s13, $0x1;
	v2 =	vor.u32 s11, v0;
	s11 =	sadd.s32 $0x3D1600, s12;
	s7 =	sadd.s32 s6, s31  }
0xb: {  	v5 =	vadd.s32 $0xF, v1;
	s9 =	sadd.s32 $0x186A0, s5;
	s12 =	sadd.s32 $0x3D1800, s12;
	v3 =	vor.u32 s5, v3;
	v2 =	vnsel vm0, $0x40000000, v2;
	s10 =	sadd.s32 $0x1E74E, s7  }
.LBB2_24:
0xc: {  	[tilespmem:$0x19F80] =	vst v12  }
0xd: {  	[tilespmem:$0x19F90] =	vst v14  }
0xe: {  	[tilespmem:$0x1A000] =	vst v11  }
0xf: {  	[tilespmem:$0x1A010] =	vst v13;
	s0 =	simm.s32 $0x19F80  }
0x10: {  	[hbm4b:s11+s3] =	stream.linear.scatter [tilespmem:s0], [sflag:$0x3], $0x20, $0x38;
	[tilespmem:$0x1A080] =	vst v63  }
0x11: {  	s22 =	sadd.s32 $0x1, s22;
	_ =	swait.ge [sflag:s15], $0x20  }
0x12: {  	p0 =	sne.s32 s22, s13;
	[sflag:s15] =	ssyncset.done $0x0  }
.Ltmp1:
0x13: {  	s31 =	simm.s32 $0x1A000;
	[sflag:s15] =	ssyncadd.s32 $0xFFFFFFE0;
	(pc) =	sbr.rel @!p0 .LBB2_25-.Ltmp1, $4  }
0x14: {  	[hbm4b:s12+s3] =	stream.linear.scatter [tilespmem:s31], [sflag:$0x3], $0x20, $0x38;
	[tilespmem:$0x1A080] =	vst v63  }
0x15: {  	_ =	swait.ge [sflag:s15], $0x20  }
0x16: {  	[sflag:s15] =	ssyncset.done $0x0  }
0x17: {  	[sflag:s15] =	ssyncadd.s32 $0xFFFFFFE0  }
.LBB2_1:
0x18: {  	s0 =	rddreg [dreg:$0x0];
	s1 =	simm.s32 $0x18700  }
0x19: {  	[tilespmem:s1], [sflag:$0x3] =	stream.linear.gather [hbm4b:s0+s3], $0x80, $0x38;
	[tilespmem:$0x1A080] =	vst v63  }
0x1a: {  	_ =	swait.ge [sflag:s15], $0x80  }
0x1b: {  	[sflag:s15] =	ssyncset.done $0x0  }
0x1c: {  	[sflag:s15] =	ssyncadd.s32 $0xFFFFFF80  }
0x1d: {  	v7 =	vld [tilespmem:s4+$0x18700];
	_ =	sdelay $0x4  }
0x1e: {  	v7 =	vnsel vm1, $0xFF61B1E6, v7  }
0x1f: {  	(xrf0) =	vmax.scan.msk.f32 $0xffff, v7;
	_ =	sdelay $0x5  }
0x20: {  	v12 =	vimm.f32 $-3.000000010e+38;
	v11 =	vimm.f32 $-3.000000010e+38;
	v9 =	vimm.f32 $-3.000000010e+38;
	s23 =	simm.s32 $0x0;
	v7, _, _ =	vpop (xrf0)  }
0x21: {  	v10 =	vimm.s32 $0x40000000;
	v8 =	vimm.s32 $0x40000000;
	[tilespmem:s3], [sflag:$0x1] =	stream.linear.gather [hbm4b:s7+s3], $0xC350, $0x38;
	v7 =	vbroadcast v7, $0xF;
	[tilespmem:$0x1A080] =	vst v63  }
.LBB2_3:
0x22: {  	s24 =	sshllo.u32 s23, $0x1  }
0x23: {  	s25 =	smul.u32 $0xC350, s24;
	_ =	sdelay $0x1  }
0x24: {  	_ =	swait.ge [sflag:s16], $0xC350;
	s25 =	sadd.s32 s5, s25  }
0x25: {  	[sflag:s16] =	ssyncset.done $0x0;
	s25 =	sshrl.u32 s25, $0x3  }
0x26: {  	[sflag:s16] =	ssyncadd.s32 $0xFFFF3CB0;
	s26 =	sadd.s32 s6, s25;
	s25 =	simm.s32 $0x0  }
0x27: {  	[tilespmem:s17], [sflag:$0x2] =	stream.linear.gather [hbm4b:s26+s25], $0xC350, $0x38;
	[tilespmem:$0x1A080] =	vst v63  }
0x28: {  	s28 =	simm.s32 $0xC0;
	s26 =	smul.u32 $0x32, s23  }
.LBB2_4:
0x29: {  	v19 =	vld [tilespmem:s28+$0x80]  }
0x2a: {  	v21 =	vld [tilespmem:s28+$0x90]  }
0x2b: {  	v13 =	vld [tilespmem:s28+$0xA0]  }
0x2c: {  	v14 =	vld [tilespmem:s28+$0xB0]  }
0x2d: {  	v22 =	vld [tilespmem:s28+$0x30]  }
0x2e: {  	v23 =	vld [tilespmem:s28+$0x40]  }
0x2f: {  	v15 =	vld [tilespmem:s28+$0x50]  }
0x30: {  	v16 =	vld [tilespmem:s28+$0x60]  }
0x31: {  	v28 =	vld [tilespmem:s28+$0xFFFFFFE0]  }
0x32: {  	v29 =	vld [tilespmem:s28+$0xFFFFFFF0]  }
0x33: {  	v17 =	vld [tilespmem:s28+$0x0]  }
0x34: {  	v18 =	vld [tilespmem:s28+$0x10]  }
0x35: {  	v31 =	vld [tilespmem:s28+$0xFFFFFF90]  }
0x36: {  	v32 =	vld [tilespmem:s28+$0xFFFFFFA0]  }
0x37: {  	v30 =	vld [tilespmem:s28+$0xFFFFFF40]  }
0x38: {  	v33 =	vld [tilespmem:s28+$0xFFFFFF50]  }
0x39: {  	v24 =	vld [tilespmem:s28+$0xFFFFFFB0]  }
0x3a: {  	v25 =	vld [tilespmem:s28+$0xFFFFFFC0]  }
0x3b: {  	v20 =	vimm.f32 $-3.000000010e+38;
	v26 =	vld [tilespmem:s28+$0xFFFFFF60]  }
0x3c: {  	v27 =	vld [tilespmem:s28+$0xFFFFFF70];
	v34 =	vmax.f32 v20, v30  }
0x3d: {  	v33 =	vmax.f32 v20, v33;
	v30 =	vld [tilespmem:s28+$0xFFFFFF80];
	v34 =	vmax.f32 v34, v31  }
0x3e: {  	v32 =	vmax.f32 v33, v32;
	v31 =	vld [tilespmem:s28+$0xFFFFFFD0];
	v28 =	vmax.f32 v34, v28  }
0x3f: {  	v29 =	vmax.f32 v32, v29;
	v32 =	vld [tilespmem:s28+$0x20];
	v22 =	vmax.f32 v28, v22  }
0x40: {  	v23 =	vmax.f32 v29, v23;
	v28 =	vld [tilespmem:s28+$0x70];
	v19 =	vmax.f32 v22, v19  }
0x41: {  	s29 =	simm.s32 $0x0;
	s30 =	sadd.s32 $0x190, s28;
	v29 =	vld [tilespmem:s28+$0xC0];
	v21 =	vmax.f32 v23, v21;
	v23 =	vimm.f32 $-3.000000010e+38;
	v22 =	vimm.f32 $-3.000000010e+38  }
.LBB2_5:
0x42: {  	v33 =	vld [tilespmem:s30+$0x80];
	v20 =	vmax.f32 v20, v26;
	v23 =	vmax.f32 v23, v27;
	v22 =	vmax.f32 v22, v30  }
0x43: {  	v34 =	vld [tilespmem:s30+$0x90];
	v20 =	vmax.f32 v20, v24;
	v23 =	vmax.f32 v23, v25;
	v22 =	vmax.f32 v22, v31  }
0x44: {  	v24 =	vld [tilespmem:s30+$0xA0];
	v17 =	vmax.f32 v20, v17;
	v18 =	vmax.f32 v23, v18;
	v20 =	vmax.f32 v22, v32  }
0x45: {  	v25 =	vld [tilespmem:s30+$0xB0];
	v15 =	vmax.f32 v17, v15;
	v16 =	vmax.f32 v18, v16;
	v17 =	vmax.f32 v20, v28  }
0x46: {  	v28 =	vld [tilespmem:s30+$0x30];
	v20 =	vmax.f32 v15, v13;
	v23 =	vmax.f32 v16, v14;
	v22 =	vmax.f32 v17, v29  }
0x47: {  	v29 =	vld [tilespmem:s30+$0x40]  }
0x48: {  	v15 =	vld [tilespmem:s30+$0x50]  }
0x49: {  	v16 =	vld [tilespmem:s30+$0x60];
	v13 =	vmov v24  }
0x4a: {  	v32 =	vld [tilespmem:s30+$0xFFFFFFE0];
	v14 =	vmov v25  }
0x4b: {  	v35 =	vld [tilespmem:s30+$0xFFFFFFF0]  }
0x4c: {  	v17 =	vld [tilespmem:s30+$0x0]  }
0x4d: {  	v18 =	vld [tilespmem:s30+$0x10]  }
0x4e: {  	v31 =	vld [tilespmem:s30+$0xFFFFFF90]  }
0x4f: {  	v36 =	vld [tilespmem:s30+$0xFFFFFFA0]  }
0x50: {  	v30 =	vld [tilespmem:s30+$0xFFFFFF40]  }
0x51: {  	v37 =	vld [tilespmem:s30+$0xFFFFFF50]  }
0x52: {  	v24 =	vld [tilespmem:s30+$0xFFFFFFB0]  }
0x53: {  	v25 =	vld [tilespmem:s30+$0xFFFFFFC0]  }
0x54: {  	s29 =	sadd.s32 $0x5, s29;
	v26 =	vld [tilespmem:s30+$0xFFFFFF60]  }
0x55: {  	p0 =	slt.u32 s29, $0x14;
	v27 =	vld [tilespmem:s30+$0xFFFFFF70]  }
.Ltmp2:
0x56: {  	v19 =	vmax.f32 v19, v30;
	v21 =	vmax.f32 v21, v37;
	v30 =	vld [tilespmem:s30+$0xFFFFFF80];
	(pc) =	sbr.rel @p0 .LBB2_5-.Ltmp2, $4  }
0x57: {  	v19 =	vmax.f32 v19, v31;
	v21 =	vmax.f32 v21, v36;
	v31 =	vld [tilespmem:s30+$0xFFFFFFD0]  }
0x58: {  	v19 =	vmax.f32 v19, v32;
	v21 =	vmax.f32 v21, v35;
	v32 =	vld [tilespmem:s30+$0x20]  }
0x59: {  	v19 =	vmax.f32 v19, v28;
	v21 =	vmax.f32 v21, v29;
	v28 =	vld [tilespmem:s30+$0x70]  }
0x5a: {  	v19 =	vmax.f32 v19, v33;
	v21 =	vmax.f32 v21, v34;
	v29 =	vld [tilespmem:s30+$0xC0];
	s30 =	sadd.s32 $0x190, s30  }
0x5b: {  	v20 =	vmax.f32 v20, v26;
	v23 =	vmax.f32 v23, v27  }
0x5c: {  	v20 =	vmax.f32 v20, v24;
	v23 =	vmax.f32 v23, v25  }
0x5d: {  	v22 =	vmax.f32 v22, v30;
	v17 =	vmax.f32 v20, v17;
	v18 =	vmax.f32 v23, v18  }
0x5e: {  	v61 =	vmax.f32 v22, v31;
	v15 =	vmax.f32 v17, v15;
	v16 =	vmax.f32 v18, v16  }
0x5f: {  	v62 =	vmax.f32 v61, v32;
	v13 =	vmax.f32 v15, v13;
	v14 =	vmax.f32 v16, v14  }
0x60: {  	v63 =	vmax.f32 v19, v21;
	v15 =	vmax.f32 v62, v28;
	v13 =	vmax.f32 v13, v14  }
0x61: {  	v14 =	vmax.f32 v15, v29;
	v13 =	vmax.f32 v63, v13  }
0x62: {  	v13 =	vmax.f32 v13, v14  }
0x63: {  	(xrf0) =	vmax.scan.msk.f32 $0xffff, v13;
	_ =	sdelay $0x4  }
0x64: {  	s29 =	sadd.s32 s26, s25  }
0x65: {  	s30 =	sand.u32 $0xF, s29;
	v13, _, _ =	vpop (xrf0)  }
0x66: {  	v14 =	vmov s30;
	v13 =	vbroadcast v13, $0xF  }
0x67: {  	vm3 =	veq.s32 v14, v0  }
0x68: {  	p0 =	sne.s32 s30, $0xF;
	v12 =	vsel vm3, v13, v12  }
0x69: {  	s29 =	sadd.s32 @!p0 s29, s8;
	v13 =	vlaneseq.u32 @!p0;
	v14 =	vadd.f32 @!p0 v12, v7  }
0x6a: {  	v15 =	vor.u32 @!p0 s29, v13  }
0x6b: {  	(xrf1) =	vsort.dscd.msk.f32 @!p0 $0xffff, v14, v15;
	_ =	sdelay $0xb  }
0x6c: {  	v13 =	vmul.u32 @!p0 $0xFFFFFFFF, v13;
	_ =	sdelay $0x1  }
0x6d: {  	v13 =	vadd.s32 @!p0 $0xF, v13;
	v14, v15, _ =	vpop @!p0 (xrf1)  }
0x6e: {  	v14 =	vperm.xlane @!p0 v14, v13;
	v15 =	vperm.xlane @!p0 v15, v13;
	_ =	sdelay $0x1  }
0x6f: {  	vm3 =	veq.f32 @!p0 v11, v14;
	vm4 =	vle.s32 @!p0 v10, v15  }
0x70: {  	vm5 =	vgt.f32 @!p0 v11, v14;
	vm3 =	vmand @!p0 vm3, vm4  }
0x71: {  	vm3 =	vmor @!p0 vm5, vm3  }
0x72: {  	v14 =	vsel @!p0 vm3, v11, v14;
	v15 =	vsel @!p0 vm3, v10, v15  }
0x73: {  	(xrf1) =	vsort.dscd.msk.f32 @!p0 $0xffff, v14, v15;
	_ =	sdelay $0xd  }
0x74: {  	v14, v15, _ =	vpop @!p0 (xrf1)  }
0x75: {  	v14 =	vperm.xlane @!p0 v14, v13;
	v13 =	vperm.xlane @!p0 v15, v13;
	_ =	sdelay $0x1  }
0x76: {  	vm3 =	veq.f32 @!p0 v9, v14;
	vm4 =	vle.s32 @!p0 v8, v13  }
0x77: {  	vm5 =	vgt.f32 @!p0 v9, v14;
	vm3 =	vmand @!p0 vm3, vm4  }
0x78: {  	vm3 =	vmor @!p0 vm5, vm3  }
0x79: {  	v15 =	vsel @!p0 vm3, v9, v14;
	v16 =	vsel @!p0 vm3, v8, v13  }
0x7a: {  	v14 =	vsel @!p0 vm3, v14, v9;
	v13 =	vsel @!p0 vm3, v13, v8;
	(xrf1) =	vsort.dscd.msk.f32 @!p0 $0xffff, v15, v16  }
0x7b: {  	(xrf1) =	vsort.dscd.msk.f32 @!p0 $0xffff, v14, v13;
	_ =	sdelay $0x8  }
0x7c: {  	s25 =	sadd.s32 $0x1, s25;
	p1 =	seq.s32 s30, $0xF  }
0x7d: {  	v12 =	vpsel p1, $0xFF61B1E6, v12;
	p1 =	sne.s32 s25, $0x19  }
.Ltmp3:
0x7e: {  	_ = 	snop;
	(pc) =	sbr.rel @p1 .LBB2_4-.Ltmp3, $4  }
0x7f: {  	_ = 	snop  }
0x80: {  	v13, v14, _ =	vpop @!p0 (xrf1)  }
0x81: {  	v15, v16, _ =	vpop @!p0 (xrf1);
	v9 =	vpsel p0, v9, v13  }
0x82: {  	s28 =	sadd.s32 $0x7D0, s28;
	v8 =	vpsel p0, v8, v14;
	v11 =	vpsel p0, v11, v15;
	v10 =	vpsel p0, v10, v16  }
0x83: {  	p0 =	seq.s32 s23, $0x9  }
0x84: {  	s25 =	smul.u32 @!p0 $0x186A0, s23;
	_ =	sdelay $0x1  }
0x85: {  	_ =	swait.ge [sflag:s18], $0xC350;
	s25 =	sadd.s32 @!p0 s25, s9  }
0x86: {  	s24 =	smul.u32 $0x19, s24;
	[sflag:s18] =	ssyncset.done $0x0;
	s25 =	sshrl.u32 @!p0 s25, $0x3  }
0x87: {  	s26 =	simm.s32 @!p0 $0x0;
	[sflag:s18] =	ssyncadd.s32 $0xFFFF3CB0;
	s25 =	sadd.s32 @!p0 s6, s25  }
0x88: {  	[tilespmem:s26], [sflag:$0x1] =	stream.linear.gather @!p0 [hbm4b:s25+s26], $0xC350, $0x38;
	[tilespmem:$0x1A080] =	vst v63  }
0x89: {  	s23 =	sadd.s32 $0x1, s23;
	s25 =	simm.s32 $0x0;
	s26 =	simm.s32 $0xC440  }
.LBB2_8:
0x8a: {  	v19 =	vld [tilespmem:s26+$0x80]  }
0x8b: {  	v21 =	vld [tilespmem:s26+$0x90]  }
0x8c: {  	v13 =	vld [tilespmem:s26+$0xA0]  }
0x8d: {  	v14 =	vld [tilespmem:s26+$0xB0]  }
0x8e: {  	v22 =	vld [tilespmem:s26+$0x30]  }
0x8f: {  	v23 =	vld [tilespmem:s26+$0x40]  }
0x90: {  	v15 =	vld [tilespmem:s26+$0x50]  }
0x91: {  	v16 =	vld [tilespmem:s26+$0x60]  }
0x92: {  	v28 =	vld [tilespmem:s26+$0xFFFFFFE0]  }
0x93: {  	v29 =	vld [tilespmem:s26+$0xFFFFFFF0]  }
0x94: {  	v17 =	vld [tilespmem:s26+$0x0]  }
0x95: {  	v18 =	vld [tilespmem:s26+$0x10]  }
0x96: {  	v31 =	vld [tilespmem:s26+$0xFFFFFF90]  }
0x97: {  	v32 =	vld [tilespmem:s26+$0xFFFFFFA0]  }
0x98: {  	v30 =	vld [tilespmem:s26+$0xFFFFFF40]  }
0x99: {  	v33 =	vld [tilespmem:s26+$0xFFFFFF50]  }
0x9a: {  	v24 =	vld [tilespmem:s26+$0xFFFFFFB0]  }
0x9b: {  	v25 =	vld [tilespmem:s26+$0xFFFFFFC0]  }
0x9c: {  	v20 =	vimm.f32 $-3.000000010e+38;
	v26 =	vld [tilespmem:s26+$0xFFFFFF60]  }
0x9d: {  	v27 =	vld [tilespmem:s26+$0xFFFFFF70];
	v34 =	vmax.f32 v20, v30  }
0x9e: {  	v33 =	vmax.f32 v20, v33;
	v30 =	vld [tilespmem:s26+$0xFFFFFF80];
	v34 =	vmax.f32 v34, v31  }
0x9f: {  	v32 =	vmax.f32 v33, v32;
	v31 =	vld [tilespmem:s26+$0xFFFFFFD0];
	v28 =	vmax.f32 v34, v28  }
0xa0: {  	v29 =	vmax.f32 v32, v29;
	v32 =	vld [tilespmem:s26+$0x20];
	v22 =	vmax.f32 v28, v22  }
0xa1: {  	v23 =	vmax.f32 v29, v23;
	v28 =	vld [tilespmem:s26+$0x70];
	v19 =	vmax.f32 v22, v19  }
0xa2: {  	s28 =	simm.s32 $0x0;
	s29 =	sadd.s32 $0x190, s26;
	v29 =	vld [tilespmem:s26+$0xC0];
	v21 =	vmax.f32 v23, v21;
	v23 =	vimm.f32 $-3.000000010e+38;
	v22 =	vimm.f32 $-3.000000010e+38  }
.LBB2_9:
0xa3: {  	v33 =	vld [tilespmem:s29+$0x80];
	v20 =	vmax.f32 v20, v26;
	v23 =	vmax.f32 v23, v27;
	v22 =	vmax.f32 v22, v30  }
0xa4: {  	v34 =	vld [tilespmem:s29+$0x90];
	v20 =	vmax.f32 v20, v24;
	v23 =	vmax.f32 v23, v25;
	v22 =	vmax.f32 v22, v31  }
0xa5: {  	v24 =	vld [tilespmem:s29+$0xA0];
	v17 =	vmax.f32 v20, v17;
	v18 =	vmax.f32 v23, v18;
	v20 =	vmax.f32 v22, v32  }
0xa6: {  	v25 =	vld [tilespmem:s29+$0xB0];
	v15 =	vmax.f32 v17, v15;
	v16 =	vmax.f32 v18, v16;
	v17 =	vmax.f32 v20, v28  }
0xa7: {  	v28 =	vld [tilespmem:s29+$0x30];
	v20 =	vmax.f32 v15, v13;
	v23 =	vmax.f32 v16, v14;
	v22 =	vmax.f32 v17, v29  }
0xa8: {  	v29 =	vld [tilespmem:s29+$0x40]  }
0xa9: {  	v15 =	vld [tilespmem:s29+$0x50]  }
0xaa: {  	v16 =	vld [tilespmem:s29+$0x60];
	v13 =	vmov v24  }
0xab: {  	v32 =	vld [tilespmem:s29+$0xFFFFFFE0];
	v14 =	vmov v25  }
0xac: {  	v35 =	vld [tilespmem:s29+$0xFFFFFFF0]  }
0xad: {  	v17 =	vld [tilespmem:s29+$0x0]  }
0xae: {  	v18 =	vld [tilespmem:s29+$0x10]  }
0xaf: {  	v31 =	vld [tilespmem:s29+$0xFFFFFF90]  }
0xb0: {  	v36 =	vld [tilespmem:s29+$0xFFFFFFA0]  }
0xb1: {  	v30 =	vld [tilespmem:s29+$0xFFFFFF40]  }
0xb2: {  	v37 =	vld [tilespmem:s29+$0xFFFFFF50]  }
0xb3: {  	v24 =	vld [tilespmem:s29+$0xFFFFFFB0]  }
0xb4: {  	v25 =	vld [tilespmem:s29+$0xFFFFFFC0]  }
0xb5: {  	s28 =	sadd.s32 $0x5, s28;
	v26 =	vld [tilespmem:s29+$0xFFFFFF60]  }
0xb6: {  	p0 =	slt.u32 s28, $0x14;
	v27 =	vld [tilespmem:s29+$0xFFFFFF70]  }
.Ltmp4:
0xb7: {  	v19 =	vmax.f32 v19, v30;
	v21 =	vmax.f32 v21, v37;
	v30 =	vld [tilespmem:s29+$0xFFFFFF80];
	(pc) =	sbr.rel @p0 .LBB2_9-.Ltmp4, $4  }
0xb8: {  	v19 =	vmax.f32 v19, v31;
	v21 =	vmax.f32 v21, v36;
	v31 =	vld [tilespmem:s29+$0xFFFFFFD0]  }
0xb9: {  	v19 =	vmax.f32 v19, v32;
	v21 =	vmax.f32 v21, v35;
	v32 =	vld [tilespmem:s29+$0x20]  }
0xba: {  	v19 =	vmax.f32 v19, v28;
	v21 =	vmax.f32 v21, v29;
	v28 =	vld [tilespmem:s29+$0x70]  }
0xbb: {  	v19 =	vmax.f32 v19, v33;
	v21 =	vmax.f32 v21, v34;
	v29 =	vld [tilespmem:s29+$0xC0];
	s29 =	sadd.s32 $0x190, s29  }
0xbc: {  	v20 =	vmax.f32 v20, v26;
	v23 =	vmax.f32 v23, v27  }
0xbd: {  	v20 =	vmax.f32 v20, v24;
	v23 =	vmax.f32 v23, v25  }
0xbe: {  	v22 =	vmax.f32 v22, v30;
	v17 =	vmax.f32 v20, v17;
	v18 =	vmax.f32 v23, v18  }
0xbf: {  	v61 =	vmax.f32 v22, v31;
	v15 =	vmax.f32 v17, v15;
	v16 =	vmax.f32 v18, v16  }
0xc0: {  	v62 =	vmax.f32 v61, v32;
	v13 =	vmax.f32 v15, v13;
	v14 =	vmax.f32 v16, v14  }
0xc1: {  	v63 =	vmax.f32 v19, v21;
	v15 =	vmax.f32 v62, v28;
	v13 =	vmax.f32 v13, v14  }
0xc2: {  	v14 =	vmax.f32 v15, v29;
	v13 =	vmax.f32 v63, v13  }
0xc3: {  	v13 =	vmax.f32 v13, v14  }
0xc4: {  	(xrf0) =	vmax.scan.msk.f32 $0xffff, v13;
	_ =	sdelay $0x4  }
0xc5: {  	s28 =	sadd.s32 s24, s25  }
0xc6: {  	s29 =	sand.u32 $0xF, s28;
	v13, _, _ =	vpop (xrf0)  }
0xc7: {  	v14 =	vmov s29;
	v13 =	vbroadcast v13, $0xF  }
0xc8: {  	vm3 =	veq.s32 v14, v0  }
0xc9: {  	p0 =	sne.s32 s29, $0xF;
	v12 =	vsel vm3, v13, v12  }
0xca: {  	s28 =	sadd.s32 @!p0 s28, s8;
	v13 =	vlaneseq.u32 @!p0;
	v14 =	vadd.f32 @!p0 v12, v7  }
0xcb: {  	v15 =	vor.u32 @!p0 s28, v13  }
0xcc: {  	(xrf1) =	vsort.dscd.msk.f32 @!p0 $0xffff, v14, v15;
	_ =	sdelay $0xb  }
0xcd: {  	v13 =	vmul.u32 @!p0 $0xFFFFFFFF, v13;
	_ =	sdelay $0x1  }
0xce: {  	v13 =	vadd.s32 @!p0 $0xF, v13;
	v14, v15, _ =	vpop @!p0 (xrf1)  }
0xcf: {  	v14 =	vperm.xlane @!p0 v14, v13;
	v15 =	vperm.xlane @!p0 v15, v13;
	_ =	sdelay $0x1  }
0xd0: {  	vm3 =	veq.f32 @!p0 v11, v14;
	vm4 =	vle.s32 @!p0 v10, v15  }
0xd1: {  	vm5 =	vgt.f32 @!p0 v11, v14;
	vm3 =	vmand @!p0 vm3, vm4  }
0xd2: {  	vm3 =	vmor @!p0 vm5, vm3  }
0xd3: {  	v14 =	vsel @!p0 vm3, v11, v14;
	v15 =	vsel @!p0 vm3, v10, v15  }
0xd4: {  	(xrf1) =	vsort.dscd.msk.f32 @!p0 $0xffff, v14, v15;
	_ =	sdelay $0xd  }
0xd5: {  	v14, v15, _ =	vpop @!p0 (xrf1)  }
0xd6: {  	v14 =	vperm.xlane @!p0 v14, v13;
	v13 =	vperm.xlane @!p0 v15, v13;
	_ =	sdelay $0x1  }
0xd7: {  	vm3 =	veq.f32 @!p0 v9, v14;
	vm4 =	vle.s32 @!p0 v8, v13  }
0xd8: {  	vm5 =	vgt.f32 @!p0 v9, v14;
	vm3 =	vmand @!p0 vm3, vm4  }
0xd9: {  	vm3 =	vmor @!p0 vm5, vm3  }
0xda: {  	v15 =	vsel @!p0 vm3, v9, v14;
	v16 =	vsel @!p0 vm3, v8, v13  }
0xdb: {  	v14 =	vsel @!p0 vm3, v14, v9;
	v13 =	vsel @!p0 vm3, v13, v8;
	(xrf1) =	vsort.dscd.msk.f32 @!p0 $0xffff, v15, v16  }
0xdc: {  	(xrf1) =	vsort.dscd.msk.f32 @!p0 $0xffff, v14, v13;
	_ =	sdelay $0x8  }
0xdd: {  	s25 =	sadd.s32 $0x1, s25;
	p1 =	seq.s32 s29, $0xF  }
0xde: {  	v12 =	vpsel p1, $0xFF61B1E6, v12;
	p1 =	seq.s32 s25, $0x19  }
.Ltmp5:
0xdf: {  	_ = 	snop;
	(pc) =	sbr.rel @!p1 .LBB2_8-.Ltmp5, $4  }
0xe0: {  	_ = 	snop  }
0xe1: {  	v13, v14, _ =	vpop @!p0 (xrf1)  }
0xe2: {  	v15, v16, _ =	vpop @!p0 (xrf1);
	v9 =	vpsel p0, v9, v13  }
0xe3: {  	s26 =	sadd.s32 $0x7D0, s26;
	v8 =	vpsel p0, v8, v14;
	v11 =	vpsel p0, v11, v15;
	v10 =	vpsel p0, v10, v16  }
0xe4: {  	p0 =	seq.s32 s23, $0xA  }
.Ltmp6:
0xe5: {  	_ = 	snop;
	(pc) =	sbr.rel @!p0 .LBB2_3-.Ltmp6, $1  }
0xe6: {  	_ =	sdelay $0x3  }
0xe7: {  	s23 =	simm.s32 $0x18780;
	s24 =	simm.s32 $0x18840  }
0xe8: {  	s25 =	simm.s32 $0x160;
	s26 =	simm.s32 $0x170;
	s29 =	simm.s32 $0x150  }
0xe9: {  	s30 =	simm.s32 $0x130;
	s31 =	simm.s32 $0x140;
	s0 =	simm.s32 $0x120  }
0xea: {  	v17 =	vimm.f32 $-3.000000010e+38;
	[tilespmem:s23], [sflag:$0x3] =	stream.linear.gather [hbm4b:s10+s3], $0x7D0, $0x38;
	[tilespmem:$0x1A080] =	vst v63  }
0xeb: {  	s1 =	simm.s32 $0x100;
	s2 =	simm.s32 $0x110;
	v16 =	vmov s29;
	v15 =	vmov s25;
	v14 =	vmov s26;
	_ =	swait.ge [sflag:s15], $0x7D0  }
0xec: {  	s14 =	simm.s32 $0xD0;
	s21 =	simm.s32 $0xC0;
	v18 =	vmov s0;
	v19 =	vmov s30;
	v20 =	vmov s31;
	[sflag:s15] =	ssyncset.done $0x0  }
0xed: {  	s20 =	simm.s32 $0xE0;
	s29 =	simm.s32 $0xF0;
	v22 =	vmov s1;
	v23 =	vmov s2;
	v25 =	vmov s21;
	[sflag:s15] =	ssyncadd.s32 $0xFFFFF830  }
0xee: {  	s1 =	simm.s32 $0xA0;
	s2 =	simm.s32 $0xB0;
	v26 =	vmov s14;
	v27 =	vmov s20;
	s20 =	simm.s32 $0x60;
	v21 =	vmov s29;
	v24 =	vld [tilespmem:s24+$0xFFFFFF40]  }
0xef: {  	s14 =	simm.s32 $0x80;
	s21 =	simm.s32 $0x70;
	s29 =	simm.s32 $0x90;
	v30 =	vmov s1;
	v31 =	vmov s2;
	v33 =	vmov s20;
	v28 =	vld [tilespmem:s24+$0xFFFFFF50]  }
0xf0: {  	s1 =	simm.s32 $0x0;
	s2 =	simm.s32 $0x40;
	v34 =	vmov s21;
	v35 =	vmov s14;
	s14 =	simm.s32 $0x10;
	v29 =	vmov s29;
	v32 =	vld [tilespmem:s24+$0xFFFFFF60]  }
0xf1: {  	s20 =	simm.s32 $0x30;
	s21 =	simm.s32 $0x20;
	v36 =	vmov s1;
	v38 =	vmov s2;
	v54 =	vmov s14;
	v37 =	vld [tilespmem:s24+$0xFFFFFF70]  }
0xf2: {  	s29 =	simm.s32 $0x50;
	v40 =	vmov s20;
	v55 =	vmov s21;
	vm3 =	veq.s32 v36, v4;
	v41 =	vld [tilespmem:s24+$0xFFFFFF80]  }
0xf3: {  	s25 =	simm.s32 $0x80;
	v39 =	vmov s29;
	v42 =	vld [tilespmem:s24+$0xFFFFFF90];
	v24 =	vsel vm3, $0xFF61B1E6, v24;
	vm3 =	veq.s32 v54, v4  }
0xf4: {  	s26 =	sand.u32 $0x3FFFFF80, s25;
	v57 =	vld [tilespmem:s24+$0xFFFFFFA0];
	v17 =	vmax.f32 v17, v24;
	v56 =	vsel vm3, $0xFF61B1E6, v28;
	vm3 =	veq.s32 v55, v4  }
0xf5: {  	s0 =	sadd.s32 $0x18780, s26;
	v59 =	vld [tilespmem:s24+$0xFFFFFFB0];
	v17 =	vmax.f32 v17, v56;
	v58 =	vsel vm3, $0xFF61B1E6, v32;
	vm3 =	veq.s32 v40, v4  }
0xf6: {  	v61 =	vld [tilespmem:s0+$0x0];
	v17 =	vmax.f32 v17, v58;
	v60 =	vsel vm3, $0xFF61B1E6, v37;
	vm3 =	veq.s32 v38, v4  }
0xf7: {  	v63 =	vld [tilespmem:s24+$0xFFFFFFD0];
	v17 =	vmax.f32 v17, v60;
	v62 =	vsel vm3, $0xFF61B1E6, v41;
	vm3 =	veq.s32 v39, v4  }
0xf8: {  	v39 =	vld [tilespmem:s24+$0xFFFFFFE0];
	v17 =	vmax.f32 v17, v62;
	v38 =	vsel vm3, $0xFF61B1E6, v42;
	vm3 =	veq.s32 v33, v4  }
0xf9: {  	v41 =	vld [tilespmem:s24+$0xFFFFFFF0];
	v17 =	vmax.f32 v17, v38;
	v40 =	vsel vm3, $0xFF61B1E6, v57;
	vm3 =	veq.s32 v34, v4  }
0xfa: {  	v43 =	vld [tilespmem:s24+$0x0];
	v17 =	vmax.f32 v17, v40;
	v42 =	vsel vm3, $0xFF61B1E6, v59;
	vm3 =	veq.s32 v35, v4  }
0xfb: {  	s26 =	simm.s32 $0x100;
	v45 =	vld [tilespmem:s24+$0x10];
	v17 =	vmax.f32 v17, v42;
	v44 =	vsel vm3, $0xFF61B1E6, v61;
	vm3 =	veq.s32 v29, v4  }
0xfc: {  	s30 =	sand.u32 $0x3FFFFF80, s26;
	v47 =	vld [tilespmem:s24+$0x20];
	v17 =	vmax.f32 v17, v44;
	v46 =	vsel vm3, $0xFF61B1E6, v63;
	vm3 =	veq.s32 v30, v4  }
0xfd: {  	s0 =	sadd.s32 $0x18780, s30;
	v49 =	vld [tilespmem:s24+$0x30];
	v17 =	vmax.f32 v17, v46;
	v48 =	vsel vm3, $0xFF61B1E6, v39;
	vm3 =	veq.s32 v31, v4  }
0xfe: {  	v51 =	vld [tilespmem:s0+$0x0];
	v17 =	vmax.f32 v17, v48;
	v50 =	vsel vm3, $0xFF61B1E6, v41;
	vm3 =	veq.s32 v25, v4  }
0xff: {  	v53 =	vld [tilespmem:s24+$0x50];
	v17 =	vmax.f32 v17, v50;
	v52 =	vsel vm3, $0xFF61B1E6, v43;
	vm3 =	veq.s32 v26, v4  }
0x100: {  	v55 =	vld [tilespmem:s24+$0x60];
	v17 =	vmax.f32 v17, v52;
	v54 =	vsel vm3, $0xFF61B1E6, v45;
	vm3 =	veq.s32 v27, v4  }
0x101: {  	v57 =	vld [tilespmem:s24+$0x70];
	v17 =	vmax.f32 v17, v54;
	v56 =	vsel vm3, $0xFF61B1E6, v47;
	vm3 =	veq.s32 v21, v4  }
0x102: {  	v59 =	vld [tilespmem:s24+$0x80];
	v17 =	vmax.f32 v17, v56;
	v58 =	vsel vm3, $0xFF61B1E6, v49;
	vm3 =	veq.s32 v22, v4  }
0x103: {  	v61 =	vld [tilespmem:s24+$0x90];
	v17 =	vmax.f32 v17, v58;
	v60 =	vsel vm3, $0xFF61B1E6, v51;
	vm3 =	veq.s32 v23, v4  }
0x104: {  	v17 =	vmax.f32 v17, v60;
	v62 =	vsel vm3, $0xFF61B1E6, v53;
	vm3 =	veq.s32 v18, v4  }
0x105: {  	v17 =	vmax.f32 v17, v62;
	v63 =	vsel vm3, $0xFF61B1E6, v55;
	vm3 =	veq.s32 v19, v4  }
0x106: {  	s28 =	simm.s32 $0x180;
	v17 =	vmax.f32 v17, v63;
	v21 =	vsel vm3, $0xFF61B1E6, v57;
	vm3 =	veq.s32 v20, v4  }
0x107: {  	s31 =	sand.u32 $0x3FFFFF80, s28;
	v18 =	vld [tilespmem:s24+$0xA0];
	v17 =	vmax.f32 v17, v21;
	v20 =	vsel vm3, $0xFF61B1E6, v59;
	vm3 =	veq.s32 v16, v4  }
0x108: {  	s0 =	sadd.s32 $0x18780, s31;
	v19 =	vld [tilespmem:s24+$0xB0];
	v16 =	vmax.f32 v17, v20;
	v17 =	vsel vm3, $0xFF61B1E6, v61  }
0x109: {  	vm3 =	veq.s32 v15, v4;
	v15 =	vmax.f32 v16, v17;
	v17 =	vld [tilespmem:s0+$0x0];
	_ =	sdelay $0x2  }
0x10a: {  	v13 =	vmov s28;
	v16 =	vsel vm3, $0xFF61B1E6, v18;
	vm3 =	veq.s32 v14, v4  }
0x10b: {  	s28 =	simm.s32 $0x0;
	s29 =	simm.s32 $0x310;
	v14 =	vmax.f32 v15, v16;
	v15 =	vsel vm3, $0xFF61B1E6, v19;
	vm3 =	veq.s32 v13, v4  }
.LBB2_12:
0x10c: {  	s0 =	sadd.s32 $0xFFFFFFE0, s29;
	s30 =	sadd.s32 $0xFFFFFFF0, s29;
	v14 =	vmax.f32 v14, v15;
	v15 =	vsel vm3, $0xFF61B1E6, v17;
	s24 =	sadd.s32 $0x190, s24  }
0x10d: {  	s31 =	sadd.s32 $0xFFFFFFB0, s29;
	s2 =	sadd.s32 $0xFFFFFFC0, s29;
	s1 =	sadd.s32 $0xFFFFFFD0, s29;
	v13 =	vmov s29;
	v20 =	vmax.f32 v14, v15  }
0x10e: {  	s14 =	sadd.s32 $0xFFFFFF80, s29;
	s20 =	sadd.s32 $0xFFFFFF90, s29;
	s21 =	sadd.s32 $0xFFFFFFA0, s29;
	v16 =	vmov s1;
	v15 =	vmov s0;
	v14 =	vmov s30  }
0x10f: {  	s0 =	sadd.s32 $0xFFFFFF50, s29;
	s1 =	sadd.s32 $0xFFFFFF60, s29;
	s30 =	sadd.s32 $0xFFFFFF70, s29;
	v19 =	vmov s21;
	v18 =	vmov s31;
	v17 =	vmov s2  }
0x110: {  	s2 =	sadd.s32 $0xFFFFFF20, s29;
	s21 =	sadd.s32 $0xFFFFFF30, s29;
	s31 =	sadd.s32 $0xFFFFFF40, s29;
	v22 =	vmov s14;
	v23 =	vmov s20;
	v21 =	vmov s30  }
0x111: {  	s28 =	sadd.s32 $0x19, s28;
	s14 =	sadd.s32 $0xFFFFFF00, s29;
	s20 =	sadd.s32 $0xFFFFFF10, s29;
	v25 =	vmov s31;
	v26 =	vmov s0;
	v27 =	vmov s1;
	v24 =	vld [tilespmem:s24+$0xFFFFFF40]  }
0x112: {  	p0 =	slt.u32 s28, $0x64;
	s0 =	sadd.s32 $0xFFFFFEE0, s29;
	s1 =	sadd.s32 $0xFFFFFEF0, s29;
	v29 =	vmov s20;
	v30 =	vmov s2;
	v31 =	vmov s21;
	v28 =	vld [tilespmem:s24+$0xFFFFFF50]  }
0x113: {  	s2 =	sadd.s32 $0xFFFFFE80, s29;
	s20 =	sadd.s32 $0xFFFFFEC0, s29;
	s21 =	sadd.s32 $0xFFFFFED0, s29;
	v35 =	vmov s14;
	v33 =	vmov s0;
	v34 =	vmov s1;
	v32 =	vld [tilespmem:s24+$0xFFFFFF60]  }
0x114: {  	v36 =	vmov s2;
	s0 =	sadd.s32 $0xFFFFFE90, s29;
	s1 =	sadd.s32 $0xFFFFFEB0, s29;
	v38 =	vmov s20;
	v39 =	vmov s21;
	v37 =	vld [tilespmem:s24+$0xFFFFFF70]  }
0x115: {  	vm3 =	veq.s32 v36, v4;
	v36 =	vmov s0;
	s0 =	sadd.s32 $0xFFFFFEA0, s29;
	v40 =	vmov s1;
	v41 =	vld [tilespmem:s24+$0xFFFFFF80]  }
0x116: {  	s25 =	sadd.s32 $0x190, s25;
	v24 =	vsel vm3, $0xFF61B1E6, v24;
	vm3 =	veq.s32 v36, v4;
	v36 =	vmov s0;
	v42 =	vld [tilespmem:s24+$0xFFFFFF90]  }
0x117: {  	s23 =	sadd.s32 $0x10, s23;
	s0 =	sand.u32 $0x3FFFFF80, s25;
	v20 =	vmax.f32 v20, v24;
	v24 =	vsel vm3, $0xFF61B1E6, v28;
	vm3 =	veq.s32 v36, v4;
	v28 =	vld [tilespmem:s24+$0xFFFFFFA0]  }
0x118: {  	s0 =	sadd.s32 s0, s23;
	v20 =	vmax.f32 v20, v24;
	v24 =	vsel vm3, $0xFF61B1E6, v32;
	vm3 =	veq.s32 v40, v4;
	v32 =	vld [tilespmem:s24+$0xFFFFFFB0]  }
0x119: {  	v20 =	vmax.f32 v20, v24;
	v24 =	vsel vm3, $0xFF61B1E6, v37;
	vm3 =	veq.s32 v38, v4;
	v36 =	vld [tilespmem:s0+$0x0]  }
0x11a: {  	v20 =	vmax.f32 v20, v24;
	v24 =	vsel vm3, $0xFF61B1E6, v41;
	vm3 =	veq.s32 v39, v4;
	v37 =	vld [tilespmem:s24+$0xFFFFFFD0]  }
0x11b: {  	v20 =	vmax.f32 v20, v24;
	v24 =	vsel vm3, $0xFF61B1E6, v42;
	vm3 =	veq.s32 v33, v4;
	v33 =	vld [tilespmem:s24+$0xFFFFFFE0]  }
0x11c: {  	v20 =	vmax.f32 v20, v24;
	v24 =	vsel vm3, $0xFF61B1E6, v28;
	vm3 =	veq.s32 v34, v4;
	v28 =	vld [tilespmem:s24+$0xFFFFFFF0]  }
0x11d: {  	v20 =	vmax.f32 v20, v24;
	v24 =	vsel vm3, $0xFF61B1E6, v32;
	vm3 =	veq.s32 v35, v4;
	v32 =	vld [tilespmem:s24+$0x0]  }
0x11e: {  	s26 =	sadd.s32 $0x190, s26;
	v20 =	vmax.f32 v20, v24;
	v24 =	vsel vm3, $0xFF61B1E6, v36;
	vm3 =	veq.s32 v29, v4;
	v29 =	vld [tilespmem:s24+$0x10]  }
0x11f: {  	s0 =	sand.u32 $0x3FFFFF80, s26;
	v20 =	vmax.f32 v20, v24;
	v24 =	vsel vm3, $0xFF61B1E6, v37;
	vm3 =	veq.s32 v30, v4;
	v30 =	vld [tilespmem:s24+$0x20]  }
0x120: {  	s0 =	sadd.s32 s0, s23;
	v20 =	vmax.f32 v20, v24;
	v24 =	vsel vm3, $0xFF61B1E6, v33;
	vm3 =	veq.s32 v31, v4;
	v31 =	vld [tilespmem:s24+$0x30]  }
0x121: {  	v20 =	vmax.f32 v20, v24;
	v24 =	vsel vm3, $0xFF61B1E6, v28;
	vm3 =	veq.s32 v25, v4;
	v25 =	vld [tilespmem:s0+$0x0]  }
0x122: {  	v20 =	vmax.f32 v20, v24;
	v24 =	vsel vm3, $0xFF61B1E6, v32;
	vm3 =	veq.s32 v26, v4;
	v26 =	vld [tilespmem:s24+$0x50]  }
0x123: {  	v20 =	vmax.f32 v20, v24;
	v24 =	vsel vm3, $0xFF61B1E6, v29;
	vm3 =	veq.s32 v27, v4;
	v27 =	vld [tilespmem:s24+$0x60]  }
0x124: {  	v20 =	vmax.f32 v20, v24;
	v24 =	vsel vm3, $0xFF61B1E6, v30;
	vm3 =	veq.s32 v21, v4;
	v21 =	vld [tilespmem:s24+$0x70]  }
0x125: {  	v20 =	vmax.f32 v20, v24;
	v24 =	vsel vm3, $0xFF61B1E6, v31;
	vm3 =	veq.s32 v22, v4;
	v22 =	vld [tilespmem:s24+$0x80]  }
0x126: {  	v20 =	vmax.f32 v20, v24;
	v24 =	vsel vm3, $0xFF61B1E6, v25;
	vm3 =	veq.s32 v23, v4;
	v23 =	vld [tilespmem:s24+$0x90]  }
0x127: {  	s0 =	sand.u32 $0x3FFFFF80, s29;
	v20 =	vmax.f32 v20, v24;
	v24 =	vsel vm3, $0xFF61B1E6, v26;
	vm3 =	veq.s32 v19, v4;
	v19 =	vld [tilespmem:s24+$0xA0]  }
0x128: {  	s0 =	sadd.s32 s0, s23;
	v20 =	vmax.f32 v20, v24;
	v24 =	vsel vm3, $0xFF61B1E6, v27;
	vm3 =	veq.s32 v18, v4;
	v18 =	vld [tilespmem:s24+$0xB0]  }
.Ltmp7:
0x129: {  	v20 =	vmax.f32 v20, v24;
	v21 =	vsel vm3, $0xFF61B1E6, v21;
	vm3 =	veq.s32 v17, v4;
	v17 =	vld [tilespmem:s0+$0x0];
	(pc) =	sbr.rel @p0 .LBB2_12-.Ltmp7, $4  }
0x12a: {  	v20 =	vmax.f32 v20, v21;
	v21 =	vsel vm3, $0xFF61B1E6, v22;
	vm3 =	veq.s32 v16, v4  }
0x12b: {  	v16 =	vmax.f32 v20, v21;
	v20 =	vsel vm3, $0xFF61B1E6, v23;
	vm3 =	veq.s32 v15, v4  }
0x12c: {  	v15 =	vmax.f32 v16, v20;
	v16 =	vsel vm3, $0xFF61B1E6, v19;
	vm3 =	veq.s32 v14, v4  }
0x12d: {  	s29 =	sadd.s32 $0x190, s29;
	v14 =	vmax.f32 v15, v16;
	v15 =	vsel vm3, $0xFF61B1E6, v18;
	vm3 =	veq.s32 v13, v4  }
0x12e: {  	v13 =	vmax.f32 v14, v15;
	v14 =	vsel vm3, $0xFF61B1E6, v17  }
0x12f: {  	v13 =	vmax.f32 v13, v14  }
0x130: {  	(xrf0) =	vmax.scan.msk.f32 $0xffff, v13;
	_ =	sdelay $0x5  }
0x131: {  	v13, _, _ =	vpop (xrf0)  }
0x132: {  	v13 =	vbroadcast v13, $0xF;
	_ =	sdelay $0x1  }
0x133: {  	v12 =	vsel vm2, v13, v12  }
0x134: {  	v12 =	vadd.f32 v12, v7;
	_ =	sdelay $0x1  }
0x135: {  	v12 =	vnsel vm0, $0xFF61B1E6, v12  }
0x136: {  	(xrf1) =	vsort.dscd.msk.f32 $0xffff, v12, v2;
	_ =	sdelay $0xd  }
0x137: {  	v12, v13, _ =	vpop (xrf1)  }
0x138: {  	v12 =	vperm.xlane v12, v5;
	v13 =	vperm.xlane v13, v5;
	_ =	sdelay $0x1  }
0x139: {  	vm3 =	veq.f32 v11, v12;
	vm4 =	vle.s32 v10, v13  }
0x13a: {  	vm5 =	vgt.f32 v11, v12;
	vm3 =	vmand vm3, vm4  }
0x13b: {  	vm3 =	vmor vm5, vm3  }
0x13c: {  	v11 =	vsel vm3, v11, v12;
	v10 =	vsel vm3, v10, v13  }
0x13d: {  	(xrf1) =	vsort.dscd.msk.f32 $0xffff, v11, v10;
	_ =	sdelay $0xd  }
0x13e: {  	v10, v11, _ =	vpop (xrf1)  }
0x13f: {  	v10 =	vperm.xlane v10, v5;
	v11 =	vperm.xlane v11, v5;
	_ =	sdelay $0x1  }
0x140: {  	vm3 =	veq.f32 v9, v10;
	vm14 =	vle.s32 v8, v11  }
0x141: {  	vm15 =	vgt.f32 v9, v10;
	vm3 =	vmand vm3, vm14  }
0x142: {  	vm3 =	vmor vm15, vm3  }
0x143: {  	v12 =	vsel vm3, v9, v10;
	v13 =	vsel vm3, v8, v11  }
0x144: {  	v9 =	vsel vm3, v10, v9;
	v8 =	vsel vm3, v11, v8;
	(xrf1) =	vsort.dscd.msk.f32 $0xffff, v12, v13  }
0x145: {  	(xrf1) =	vsort.dscd.msk.f32 $0xffff, v9, v8;
	_ =	sdelay $0xa  }
.Ltmp8:
0x146: {  	_ = 	snop;
	(pc) =	sbr.rel .LBB2_14-.Ltmp8, $4  }
0x147: {  	_ = 	snop  }
0x148: {  	v14 =	vimm.f32 $-3.000000010e+38;
	_, v8, _ =	vpop (xrf1)  }
0x149: {  	v11 =	vimm.s32 $0x40000000;
	v12 =	vimm.f32 $-3.000000010e+38;
	v13 =	vimm.s32 $0x40000000;
	v10, v9, _ =	vpop (xrf1)  }
0x14a: {  	s23 =	simm.s32 $0x0;
	s24 =	simm.s32 $0x0;
	v8 =	vxor.u32 $0x80000000, v8;
	v9 =	vxor.u32 $0x80000000, v9;
	v10 =	vbroadcast v10, $0xF  }
.LBB2_18:
0x14b: {  	v16 =	vmov v12;
	v15 =	vmov v11  }
.LBB2_22:
0x14c: {  	v20 =	vperm.xlane @p0 v20, v5;
	v19 =	vperm.xlane @p0 v19, v5;
	_ =	sdelay $0x1  }
0x14d: {  	vm3 =	veq.f32 @p0 v16, v20;
	vm4 =	vle.s32 @p0 v15, v19  }
0x14e: {  	vm5 =	vgt.f32 @p0 v16, v20;
	vm3 =	vmand @p0 vm3, vm4  }
0x14f: {  	vm3 =	vmor @p0 vm5, vm3  }
0x150: {  	(xrf1) =	vsort.dscd.msk.f32 $0xffff, v17, v18;
	v17 =	vsel @p0 vm3, v20, v16;
	v18 =	vsel @p0 vm3, v19, v15  }
0x151: {  	(xrf1) =	vsort.dscd.msk.f32 @p0 $0xffff, v17, v18;
	_ =	sdelay $0xc  }
0x152: {  	v17, v18, _ =	vpop (xrf1)  }
0x153: {  	v17 =	vperm.xlane v17, v5;
	v18 =	vperm.xlane v18, v5;
	v21, v22, _ =	vpop @p0 (xrf1)  }
0x154: {  	v14 =	vpsel p0, v21, v14;
	v13 =	vpsel p0, v22, v13  }
0x155: {  	vm11 =	veq.f32 v14, v17;
	vm12 =	vle.s32 v13, v18  }
0x156: {  	vm13 =	vgt.f32 v14, v17;
	vm4 =	vmand vm11, vm12  }
0x157: {  	v16 =	vsel @p0 vm3, v16, v20;
	v15 =	vsel @p0 vm3, v15, v19;
	vm3 =	vmor vm13, vm4  }
0x158: {  	(xrf1) =	vsort.dscd.msk.f32 @p0 $0xffff, v16, v15;
	v14 =	vsel vm3, v14, v17;
	v13 =	vsel vm3, v13, v18  }
0x159: {  	(xrf1) =	vsort.dscd.msk.f32 $0xffff, v14, v13;
	_ =	sdelay $0xc  }
0x15a: {  	v13, v14, _ =	vpop @p0 (xrf1)  }
0x15b: {  	v15, v16, _ =	vpop (xrf1)  }
0x15c: {  	v15 =	vperm.xlane v15, v5;
	v16 =	vperm.xlane v16, v5  }
0x15d: {  	v12 =	vpsel p0, v13, v12;
	v11 =	vpsel p0, v14, v11  }
0x15e: {  	vm3 =	veq.f32 v12, v15;
	vm14 =	vle.s32 v11, v16  }
0x15f: {  	vm15 =	vgt.f32 v12, v15;
	vm3 =	vmand vm3, vm14  }
0x160: {  	vm3 =	vmor vm15, vm3  }
0x161: {  	v13 =	vsel vm3, v15, v12;
	v14 =	vsel vm3, v16, v11  }
0x162: {  	v12 =	vsel vm3, v12, v15;
	v11 =	vsel vm3, v11, v16;
	(xrf1) =	vsort.dscd.msk.f32 $0xffff, v13, v14  }
0x163: {  	(xrf1) =	vsort.dscd.msk.f32 $0xffff, v12, v11;
	_ =	sdelay $0xc  }
0x164: {  	v14, v13, _ =	vpop (xrf1)  }
0x165: {  	v12, v11, _ =	vpop (xrf1)  }
.LBB2_23:
0x166: {  	s0 =	sshll.u32 s26, $0x4  }
0x167: {  	v15 =	vld [tilespmem:s0+$0x18F80]  }
0x168: {  	v16 =	vld [tilespmem:s0+$0x19780];
	_ =	sdelay $0x1  }
0x169: {  	s31 =	sand.u32 $0xF, s25  }
0x16a: {  	v17 =	vmov s31  }
0x16b: {  	vm3 =	vgt.u32 v17, v0  }
0x16c: {  	v15 =	vnsel vm3, $0xFF61B1E6, v15;
	v16 =	vnsel vm3, $0x40000000, v16  }
0x16d: {  	(xrf1) =	vsort.dscd.msk.f32 $0xffff, v15, v16;
	_ =	sdelay $0xd  }
0x16e: {  	v15, v16, _ =	vpop (xrf1)  }
0x16f: {  	v15 =	vperm.xlane v15, v5;
	v16 =	vperm.xlane v16, v5;
	_ =	sdelay $0x1  }
0x170: {  	vm3 =	veq.f32 v14, v15;
	vm4 =	vle.s32 v13, v16  }
0x171: {  	vm5 =	vgt.f32 v14, v15;
	vm3 =	vmand vm3, vm4  }
0x172: {  	vm3 =	vmor vm5, vm3  }
0x173: {  	v14 =	vsel vm3, v14, v15;
	v13 =	vsel vm3, v13, v16  }
0x174: {  	(xrf1) =	vsort.dscd.msk.f32 $0xffff, v14, v13;
	_ =	sdelay $0xd  }
0x175: {  	v13, v14, _ =	vpop (xrf1)  }
0x176: {  	v13 =	vperm.xlane v13, v5;
	v14 =	vperm.xlane v14, v5;
	_ =	sdelay $0x1  }
0x177: {  	vm3 =	veq.f32 v12, v13;
	vm14 =	vle.s32 v11, v14  }
0x178: {  	vm15 =	vgt.f32 v12, v13;
	vm3 =	vmand vm3, vm14  }
0x179: {  	vm3 =	vmor vm15, vm3  }
0x17a: {  	v15 =	vsel vm3, v12, v13;
	v63 =	vsel vm3, v11, v14  }
0x17b: {  	v12 =	vsel vm3, v13, v12;
	v11 =	vsel vm3, v14, v11;
	(xrf1) =	vsort.dscd.msk.f32 $0xffff, v15, v63  }
0x17c: {  	(xrf1) =	vsort.dscd.msk.f32 $0xffff, v12, v11;
	_ =	sdelay $0x7  }
0x17d: {  	s24 =	sadd.s32 $0x1, s24  }
0x17e: {  	p0 =	sne.s32 s24, $0x20  }
.Ltmp9:
0x17f: {  	_ = 	snop;
	(pc) =	sbr.rel @!p0 .LBB2_24-.Ltmp9, $3  }
0x180: {  	_ =	sdelay $0x1  }
0x181: {  	v12, v11, _ =	vpop (xrf1)  }
0x182: {  	v14, v13, _ =	vpop (xrf1)  }
.LBB2_14:
0x183: {  	v15 =	vmov s24;
	s0 =	sadd.s32 $0xFFFFFFF0, s24  }
0x184: {  	vm3 =	veq.s32 v15, v0;
	v15 =	vmov s0  }
0x185: {  	v16 =	vnsel vm3, $0x7FFFFFFF, v8;
	vm3 =	veq.s32 v15, v0  }
0x186: {  	(xrf0) =	vmax.scan.msk.u32 $0xffff, v16;
	v15 =	vnsel vm3, $0x7FFFFFFF, v9  }
0x187: {  	(xrf0) =	vmax.scan.msk.u32 $0xffff, v15;
	_ =	sdelay $0x4  }
0x188: {  	v15, _, _ =	vpop (xrf0)  }
0x189: {  	(v2sf) =	vpush v15, $0xF;
	v15, _, _ =	vpop (xrf0)  }
0x18a: {  	(v2sf) =	vpush v15, $0xF;
	_ =	sdelay $0xd  }
0x18b: {  	s25 =	spop (v2sf)  }
0x18c: {  	s1 =	spop (v2sf)  }
0x18d: {  	s0 =	sxor.u32 $0x80000000, s25;
	s1 =	sxor.u32 $0x80000000, s1  }
0x18e: {  	p0 =	sgt.s32 s0, s1  }
0x18f: {  	s1 =	smov.u32 @p0 s0  }
0x190: {  	s0 =	sand.u32 $0x1FF, s1  }
0x191: {  	s0 =	smul.u32 $0x7D0, s0;
	_ =	sdelay $0x1  }
0x192: {  	s26 =	sadd.s32 s5, s0  }
0x193: {  	s1 =	sshrl.u32 s26, $0x3  }
0x194: {  	s1 =	sadd.s32 s6, s1  }
0x195: {  	[tilespmem:s19], [sflag:$0x3] =	stream.linear.gather [hbm4b:s1+s23], $0x7D0, $0x38;
	[tilespmem:$0x1A080] =	vst v63  }
0x196: {  	_ =	swait.ge [sflag:s15], $0x7D0  }
0x197: {  	[sflag:s15] =	ssyncset.done $0x0  }
0x198: {  	s29 =	simm.s32 $0x0;
	[sflag:s15] =	ssyncadd.s32 $0xFFFFF830  }
0x199: {  	v16 =	vld [tilespmem:s29+$0x18780];
	_ =	sdelay $0x4  }
0x19a: {  	v15 =	vadd.s32 $0xF423F, v1;
	v17 =	vmov s0;
	v16 =	vadd.f32 v16, v7  }
0x19b: {  	vm3 =	veq.s32 v17, v15  }
0x19c: {  	v16 =	vsel vm3, $0xFF61B1E6, v16  }
0x19d: {  	v17 =	vadd.s32 s0, v3;
	vm3 =	vge.f32 v16, v10  }
0x19e: {  	v17 =	vnsel vm3, $0xC0000000, v17  }
0x19f: {  	v18 =	vsel vm3, $0x1, v6;
	(xrf1) =	vsort.ascd.msk.u32 $0xffff, v17, v16  }
0x1a0: {  	(xrf0) =	vadd.scan.msk.s32 $0xffff, v18;
	_ =	sdelay $0x5  }
0x1a1: {  	v16, _, _ =	vpop (xrf0)  }
0x1a2: {  	(v2sf) =	vpush v16, $0xF;
	_ =	sdelay $0x5  }
0x1a3: {  	v16, v17, _ =	vpop (xrf1)  }
0x1a4: {  	v16 =	vxor.u32 $0x80000000, v16;
	[tilespmem:s23+$0x18F80] =	vst v17  }
0x1a5: {  	s30 =	simm.s32 $0x10;
	[tilespmem:s23+$0x19780] =	vst v16  }
0x1a6: {  	v16 =	vld [tilespmem:s30+$0x18780];
	_ =	sdelay $0x3  }
0x1a7: {  	s0 =	sadd.s32 $0x10, s0  }
0x1a8: {  	v17 =	vmov s0;
	v18 =	vadd.f32 v16, v7  }
0x1a9: {  	vm3 =	veq.s32 v17, v15;
	s31 =	spop (v2sf)  }
0x1aa: {  	s25 =	simm.s32 $0x80;
	s26 =	sadd.s32 $0x10, s0;
	v16 =	vadd.s32 s0, v3;
	s28 =	sadd.s32 $0x0, s31;
	v17 =	vsel vm3, $0xFF61B1E6, v18  }
.LBB2_15:
0x1ab: {  	p0 =	sne.s32 s25, $0x1F00  }
0x1ac: {  	v18 =	vadd.s32 s26, v3;
	vm3 =	vge.f32 v17, v10;
	p1 =	slt.s32 s28, $0x7D0;
	s0 =	smov.u32 s25;
	s25 =	sadd.s32 $0x40, s25  }
0x1ad: {  	v19 =	vnsel vm3, $0xC0000000, v16;
	v20 =	vsel vm3, $0x1, v6;
	s28 =	simm.s32 @!p1 $0x7D0;
	v16 =	vmov v18  }
0x1ae: {  	(xrf1) =	vsort.ascd.msk.u32 $0xffff, v19, v17  }
0x1af: {  	(xrf0) =	vadd.scan.msk.s32 $0xffff, v20;
	_ =	sdelay $0x5  }
0x1b0: {  	v17, _, _ =	vpop (xrf0)  }
0x1b1: {  	(v2sf) =	vpush v17, $0xF;
	_ =	sdelay $0x5  }
0x1b2: {  	v17, v18, _ =	vpop (xrf1)  }
0x1b3: {  	v17 =	vxor.u32 $0x80000000, v17;
	[tilespmem:s28+$0x18F80] =	vst v18  }
0x1b4: {  	s0 =	sshra.s32 s0, $0x2;
	[tilespmem:s28+$0x19780] =	vst v17  }
0x1b5: {  	v17 =	vld [tilespmem:s0+$0x18780];
	_ =	sdelay $0x2  }
.Ltmp10:
0x1b6: {  	(pc) =	sbr.rel @p0 .LBB2_15-.Ltmp10, $4  }
0x1b7: {  	_ = 	snop  }
0x1b8: {  	v18 =	vmov s26;
	v17 =	vadd.f32 v17, v7  }
0x1b9: {  	vm3 =	veq.s32 v18, v15;
	s0 =	spop (v2sf)  }
0x1ba: {  	s26 =	sadd.s32 $0x10, s26;
	v17 =	vsel vm3, $0xFF61B1E6, v17;
	s28 =	sadd.s32 s28, s0  }
0x1bb: {  	vm3 =	vge.f32 v17, v10  }
0x1bc: {  	v15 =	vsel vm3, $0x1, v6  }
0x1bd: {  	(xrf0) =	vadd.scan.msk.s32 $0xffff, v15;
	_ =	sdelay $0x5  }
0x1be: {  	v15, _, _ =	vpop (xrf0)  }
0x1bf: {  	(v2sf) =	vpush v15, $0xF;
	_ =	sdelay $0xd  }
0x1c0: {  	p0 =	slt.s32 s28, $0x7D0  }
0x1c1: {  	s28 =	simm.s32 @!p0 $0x7D0;
	s0 =	spop (v2sf)  }
0x1c2: {  	v15 =	vnsel vm3, $0xC0000000, v16;
	s25 =	sadd.s32 s28, s0  }
0x1c3: {  	(xrf1) =	vsort.ascd.msk.u32 $0xffff, v15, v17;
	p0 =	slt.s32 s25, $0x7D0  }
0x1c4: {  	p1 =	slt.s32 s25, $0x1;
	s25 =	simm.s32 @!p0 $0x7D0  }
0x1c5: {  	s31 =	sshra.s32 s25, $0x1F  }
0x1c6: {  	s0 =	sshrl.u32 s31, $0x1C  }
0x1c7: {  	s0 =	sadd.s32 s0, s25  }
0x1c8: {  	s1 =	sand.u32 $0xFFFFFFF0, s0  }
0x1c9: {  	p0 =	sne.s32 s25, s1  }
0x1ca: {  	p0 =	por !p1, !p0  }
0x1cb: {  	s1 =	simm.s32 $0x1;
	p0 =	por !p0, !p0  }
0x1cc: {  	s0 =	sshra.s32 s0, $0x4;
	s1 =	simm.s32 @!p0 $0x0  }
0x1cd: {  	s26 =	ssub.s32 s0, s1  }
0x1ce: {  	p0 =	slt.s32 s26, $0x1  }
.Ltmp11:
0x1cf: {  	_ = 	snop;
	(pc) =	sbr.rel @p0 .LBB2_23-.Ltmp11, $4  }
0x1d0: {  	_ = 	snop  }
0x1d1: {  	v15, v16, _ =	vpop (xrf1)  }
0x1d2: {  	v15 =	vxor.u32 $0x80000000, v15;
	[tilespmem:s28+$0x18F80] =	vst v16  }
0x1d3: {  	[tilespmem:s28+$0x19780] =	vst v15  }
0x1d4: {  	p1 =	sne.s32 s26, $0x1  }
.Ltmp12:
0x1d5: {  	_ = 	snop;
	(pc) =	sbr.rel @!p1 .LBB2_18-.Ltmp12, $4  }
0x1d6: {  	_ = 	snop  }
0x1d7: {  	s0 =	simm.s32 $0x18F80  }
0x1d8: {  	s1 =	simm.s32 $0x19780;
	v17 =	vld [tilespmem:s0+$0x0]  }
0x1d9: {  	s30 =	sadd.s32 $0xFFFFFFFF, s26;
	p0 =	por $0x0, $0x0;
	v18 =	vld [tilespmem:s1+$0x0]  }
0x1da: {  	_ =	sdelay $0x3  }
0x1db: {  	(xrf1) =	vsort.dscd.msk.f32 $0xffff, v17, v18;
	_ =	sdelay $0xd  }
0x1dc: {  	v15, v16, _ =	vpop (xrf1)  }
0x1dd: {  	v15 =	vperm.xlane v15, v5;
	v16 =	vperm.xlane v16, v5;
	_ =	sdelay $0x1  }
0x1de: {  	vm3 =	veq.f32 v14, v15;
	vm4 =	vle.s32 v13, v16  }
0x1df: {  	vm5 =	vgt.f32 v14, v15;
	vm3 =	vmand vm3, vm4  }
0x1e0: {  	vm3 =	vmor vm5, vm3  }
0x1e1: {  	v15 =	vsel vm3, v14, v15;
	v16 =	vsel vm3, v13, v16  }
0x1e2: {  	(xrf1) =	vsort.dscd.msk.f32 $0xffff, v15, v16;
	_ =	sdelay $0x8  }
0x1e3: {  	p1 =	sne.s32 s30, $0x1  }
.Ltmp13:
0x1e4: {  	_ = 	snop;
	(pc) =	sbr.rel @!p1 .LBB2_20-.Ltmp13, $4  }
0x1e5: {  	_ = 	snop  }
0x1e6: {  	s28 =	simm.s32 $0x18F90  }
0x1e7: {  	s29 =	simm.s32 $0x19790;
	v17 =	vld [tilespmem:s28+$0x0]  }
0x1e8: {  	s30 =	sadd.s32 $0xFFFFFFFF, s30;
	p0 =	por $0x1, $0x1;
	v18 =	vld [tilespmem:s29+$0x0];
	v16 =	vmov v12;
	v15 =	vmov v11;
	v20, v19, _ =	vpop (xrf1)  }
.LBB2_21:
0x1e9: {  	p1 =	sne.s32 s30, $0x1;
	v20 =	vperm.xlane v20, v5;
	v19 =	vperm.xlane v19, v5;
	_ =	sdelay $0x1  }
0x1ea: {  	vm3 =	veq.f32 v16, v20;
	vm4 =	vle.s32 v15, v19  }
0x1eb: {  	vm5 =	vgt.f32 v16, v20;
	vm3 =	vmand vm3, vm4  }
0x1ec: {  	(xrf1) =	vsort.dscd.msk.f32 $0xffff, v17, v18;
	vm3 =	vmor vm5, vm3  }
0x1ed: {  	v17 =	vsel vm3, v16, v20;
	v16 =	vsel vm3, v20, v16;
	v18 =	vsel vm3, v19, v15  }
0x1ee: {  	v15 =	vsel vm3, v15, v19;
	(xrf1) =	vsort.dscd.msk.f32 $0xffff, v16, v18  }
0x1ef: {  	(xrf1) =	vsort.dscd.msk.f32 $0xffff, v17, v15;
	_ =	sdelay $0xa  }
0x1f0: {  	v15, v16, _ =	vpop (xrf1)  }
0x1f1: {  	v17 =	vperm.xlane v15, v5;
	v18 =	vperm.xlane v16, v5  }
0x1f2: {  	v19, v20, _ =	vpop (xrf1)  }
0x1f3: {  	vm3 =	veq.f32 v19, v17;
	vm4 =	vle.s32 v20, v18;
	v16, v15, _ =	vpop (xrf1)  }
0x1f4: {  	vm5 =	vgt.f32 v19, v17;
	vm3 =	vmand vm3, vm4  }
0x1f5: {  	vm3 =	vmor vm5, vm3  }
0x1f6: {  	v17 =	vsel vm3, v19, v17;
	v18 =	vsel vm3, v20, v18  }
0x1f7: {  	(xrf1) =	vsort.dscd.msk.f32 $0xffff, v17, v18;
	_ =	sdelay $0x9  }
.Ltmp14:
0x1f8: {  	(pc) =	sbr.rel @p1 .LBB2_21-.Ltmp14, $4  }
0x1f9: {  	_ = 	snop  }
0x1fa: {  	s28 =	sadd.s32 $0x10, s28  }
0x1fb: {  	s29 =	sadd.s32 $0x10, s29;
	v17 =	vld [tilespmem:s28+$0x0]  }
0x1fc: {  	s30 =	sadd.s32 $0xFFFFFFFF, s30;
	v18 =	vld [tilespmem:s29+$0x0];
	v20, v19, _ =	vpop (xrf1)  }
.Ltmp15:
0x1fd: {  	_ = 	snop;
	(pc) =	sbr.rel .LBB2_22-.Ltmp15, $1  }
0x1fe: {  	_ =	sdelay $0x3  }
.LBB2_20:
.Ltmp16:
0x1ff: {  	(pc) =	sbr.rel .LBB2_22-.Ltmp16, $2  }
0x200: {  	_ =	sdelay $0x2  }
0x201: {  	v16 =	vmov v12;
	v15 =	vmov v11  }
.LBB2_25:
0x202: {  	_ =	sfence.sel $0x180000  }
0x203: {  	[bflag:$0x0] =	sbarrier.arrive $0xFFFF  }
0x204: {  	_ =	strace $0x90000047  }
0x205: {  	s0 =	stileid.u32;
	[bflag:$0x2] =	sbarrier.arrive $0xFFFF  }
0x206: {  	p0 =	sne.s32 s0, $0x0;
	s0 =	rddreg [dreg:$0x2]  }
0x207: {  	s0 =	sadd.s32 @!p0 $0x100000, s0  }
0x208: {  	[sflag:s0] =	ssyncadd.tile.s32 @!p0 $0x1;
	_ =	shalt  }
.Lfunc_end2:
_tile_overlayer_lowered:
.L_overlay_start_2:
0x209: {  	(tag) =	ssettag $0x2  }
0x20a: {  	s0 =	rddreg [dreg:$0x0];
	s2 =	stileid.u32  }
0x20b: {  	s1 =	rddreg [dreg:$0x1];
	p0 =	sne.s32 s2, $0x0  }
0x20c: {  	s3 =	rddreg [dreg:$0x2];
	[bflag:$0x3] =	sbarrier.arrive $0xFFFF;
	s2 =	simm.s32 @!p0 $0x1C03  }
0x20d: {  	[timem:s3], [sflag:s2] =	dma.local @!p0 [hbm:s0], s1  }
0x20e: {  	s0 =	simm.s32 @!p0 $0x3  }
0x20f: {  	_ =	swait.ge @!p0 [sflag:s0], s1  }
0x210: {  	s1 =	ssub.s32 @!p0 $0x0, s1;
	[sflag:s0] =	ssyncset.done @!p0 $0x0  }
0x211: {  	[sflag:s0] =	ssyncadd.s32 @!p0 s1  }
0x212: {  	[bflag:$0x3] =	sbarrier.arrive $0xFFFF  }
0x213: {  	_ =	shalt  }

</sc_bundles>
